<compile_context>
chip_gen: v7x
topology: tpu7x:2x2x1
jax: 0.10.2.dev20260603
libtpu: 0.0.44.dev20260713+nightly
codegen_flags: <defaults>
</compile_context>

<pallas_src>
import functools

import jax
import jax.numpy as jnp
from jax import lax
from jax.experimental import pallas as pl
from jax.experimental.pallas import tpu as pltpu
from jax.experimental.pallas import tpu_sc as plsc

N = 10000
E = 320000
D = 128
H2 = 64
EFD = 16

NC = 2
NS = 16
NW = NC * NS
EP = 327680
SLICES = 2
EPS = EP // SLICES
EPW = EPS // NW
CHUNK = 128
NCHUNK = EPW // CHUNK
NBUF = 2


def _pre_body(z_ref, wr_ref, wc_ref, bias_ref, a_ref, b_ref):
    zb = z_ref[...]
    s = jnp.sum(zb * zb, axis=1, keepdims=True)
    zn = zb / jnp.sqrt(s)
    a_ref[...] = (
        jnp.dot(zn, wr_ref[...], preferred_element_type=jnp.float32)
        + bias_ref[...]
    )
    b_ref[...] = jnp.dot(zn, wc_ref[...], preferred_element_type=jnp.float32)


def _tc_pre(z, wr, wc, bias):
    blk = 1000
    grid = N // blk
    return pl.pallas_call(
        _pre_body,
        grid=(grid,),
        in_specs=[
            pl.BlockSpec((blk, D), lambda i: (i, 0)),
            pl.BlockSpec((D, D), lambda i: (0, 0)),
            pl.BlockSpec((D, D), lambda i: (0, 0)),
            pl.BlockSpec((1, D), lambda i: (0, 0)),
        ],
        out_specs=[
            pl.BlockSpec((blk, D), lambda i: (i, 0)),
            pl.BlockSpec((blk, D), lambda i: (i, 0)),
        ],
        out_shape=[
            jax.ShapeDtypeStruct((N, D), jnp.float32),
            jax.ShapeDtypeStruct((N, D), jnp.float32),
        ],
    )(z, wr, wc, bias)


def _sc_body(a_hbm, b_hbm, row_hbm, col_hbm, out_hbm,
             ridx, cidx, ba0, ba1, bb0, bb1, hb0, hb1,
             sg0, sg1, sw0, sw1):
    wid = lax.axis_index("s") * NC + lax.axis_index("c")
    ba = (ba0, ba1)
    bb = (bb0, bb1)
    hb = (hb0, hb1)
    sg = (sg0, sg1)
    sw = (sw0, sw1)
    ebase = wid * EPW

    pltpu.sync_copy(row_hbm.at[pl.ds(wid * NCHUNK, NCHUNK)], ridx)
    pltpu.sync_copy(col_hbm.at[pl.ds(wid * NCHUNK, NCHUNK)], cidx)

    pltpu.async_copy(a_hbm.at[ridx.at[0]], ba[0], sg[0])
    pltpu.async_copy(b_hbm.at[cidx.at[0]], bb[0], sg[0])

    def outer(t, carry):
        for b in range(NBUF):
            c = t * NBUF + b
            s = b
            sn = (b + 1) % NBUF
            cn = lax.rem(c + 1, NCHUNK)
            pltpu.async_copy(a_hbm.at[ridx.at[cn]], ba[sn], sg[sn])
            pltpu.async_copy(b_hbm.at[cidx.at[cn]], bb[sn], sg[sn])
            pltpu.make_async_copy(a_hbm.at[pl.ds(0, CHUNK)], ba[s], sg[s]).wait()
            pltpu.make_async_copy(b_hbm.at[pl.ds(0, CHUNK)], bb[s], sg[s]).wait()

            @pl.when(c >= NBUF)
            def _():
                pltpu.make_async_copy(
                    hb[s], out_hbm.at[pl.ds(0, CHUNK)], sw[s]).wait()

            @plsc.parallel_loop(0, CHUNK, unroll=4)
            def _(r):
                for k in range(D // 16):
                    va = ba[s][r, pl.ds(k * 16, 16)]
                    vb = bb[s][r, pl.ds(k * 16, 16)]
                    hb[s][r, pl.ds(k * 16, 16)] = jnp.maximum(va + vb, 0.0)

            pltpu.async_copy(
                hb[s], out_hbm.at[pl.ds(ebase + c * CHUNK, CHUNK)], sw[s])
        return carry

    lax.fori_loop(0, NCHUNK // NBUF, outer, 0)

    pltpu.make_async_copy(a_hbm.at[pl.ds(0, CHUNK)], ba[0], sg[0]).wait()
    pltpu.make_async_copy(b_hbm.at[pl.ds(0, CHUNK)], bb[0], sg[0]).wait()
    for s in range(NBUF):
        pltpu.make_async_copy(hb[s], out_hbm.at[pl.ds(0, CHUNK)], sw[s]).wait()


def _sc_gather_relu(a, b, row2d, col2d):
    mesh = plsc.VectorSubcoreMesh(core_axis_name="c", subcore_axis_name="s")
    return pl.kernel(
        _sc_body,
        out_type=jax.ShapeDtypeStruct((EPS, D), jnp.float32),
        mesh=mesh,
        scratch_types=[
            pltpu.VMEM((NCHUNK, 128), jnp.int32),
            pltpu.VMEM((NCHUNK, 128), jnp.int32),
            pltpu.VMEM((CHUNK, D), jnp.float32),
            pltpu.VMEM((CHUNK, D), jnp.float32),
            pltpu.VMEM((CHUNK, D), jnp.float32),
            pltpu.VMEM((CHUNK, D), jnp.float32),
            pltpu.VMEM((CHUNK, D), jnp.float32),
            pltpu.VMEM((CHUNK, D), jnp.float32),
            pltpu.SemaphoreType.DMA,
            pltpu.SemaphoreType.DMA,
            pltpu.SemaphoreType.DMA,
            pltpu.SemaphoreType.DMA,
        ],
    )(a, b, row2d, col2d)


def _post_body(h_ref, wt_ref, bt_ref, prob_ref, attr_ref):
    h = h_ref[...]
    y_t = jax.lax.dot_general(
        wt_ref[...], h, (((1,), (1,)), ((), ())),
        preferred_element_type=jnp.float32,
    ) + bt_ref[...]
    prob_ref[...] = jax.nn.sigmoid(y_t[0:1, :])
    att = y_t[1:, :]
    att = att - jnp.max(att, axis=0, keepdims=True)
    ex = jnp.exp(att)
    attr_ref[...] = ex / jnp.sum(ex, axis=0, keepdims=True)


def _tc_post(h, wt, bt, ne):
    blk = 2560
    grid = ne // blk
    return pl.pallas_call(
        _post_body,
        grid=(grid,),
        in_specs=[
            pl.BlockSpec((blk, D), lambda i: (i, 0)),
            pl.BlockSpec((EFD + 1, D), lambda i: (0, 0)),
            pl.BlockSpec((EFD + 1, 1), lambda i: (0, 0)),
        ],
        out_specs=[
            pl.BlockSpec((1, blk), lambda i: (0, i)),
            pl.BlockSpec((EFD, blk), lambda i: (0, i)),
        ],
        out_shape=[
            jax.ShapeDtypeStruct((1, ne), jnp.float32),
            jax.ShapeDtypeStruct((EFD, ne), jnp.float32),
        ],
    )(h, wt, bt)


def kernel(z, out_edge_index, batch, mlp_w1, mlp_b1, mlp_w2, mlp_b2,
           efc1_w, efc1_b, efc2_w, efc2_b):
    wr = jnp.concatenate([mlp_w1[:D], efc1_w[:D]], axis=1)
    wc = jnp.concatenate([mlp_w1[D:], efc1_w[D:]], axis=1)
    bias = jnp.concatenate([mlp_b1, efc1_b]).reshape(1, 2 * H2)

    a, b = _tc_pre(z, wr, wc, bias)

    row = out_edge_index[0]
    col = out_edge_index[1]
    pad = EP - E
    row2d = jnp.concatenate([row, jnp.zeros((pad,), jnp.int32)]).reshape(-1, 128)
    col2d = jnp.concatenate([col, jnp.zeros((pad,), jnp.int32)]).reshape(-1, 128)

    hs = [
        _sc_gather_relu(a, b,
                        row2d[i * (EPS // 128):(i + 1) * (EPS // 128)],
                        col2d[i * (EPS // 128):(i + 1) * (EPS // 128)])
        for i in range(SLICES)
    ]

    wt = jnp.concatenate([
        jnp.concatenate([mlp_w2.reshape(1, H2),
                         jnp.zeros((1, H2), jnp.float32)], axis=1),
        jnp.concatenate([jnp.zeros((EFD, H2), jnp.float32),
                         efc2_w.T], axis=1),
    ], axis=0)
    bt = jnp.concatenate([mlp_b2, efc2_b]).reshape(EFD + 1, 1)

    outs = []
    for i in range(SLICES):
        ne = min(E - i * EPS, EPS)
        outs.append(_tc_post(hs[i], wt, bt, ne))
    prob = jnp.concatenate([p.reshape(-1) for p, _ in outs])
    attr_t = jnp.concatenate([t for _, t in outs], axis=1)
    return (prob, attr_t.T)

# --- scband reference (transcript-rebuilt; emitter-appended) ---
"""Pipeline reference for scband-vgae-82918638617119 (READ-ONLY COPY).

The authoritative reference and input builder live on the scoring server;
editing this copy changes nothing except your own understanding.
"""

import jax, jax.numpy as jnp
import numpy as np

N = 10000
E = 320000
D = 128          # z latent dim = 2 * out_channels
OUT = 64         # out_channels
EF = 16          # e_feature


def _linear_params(key, fan_in, fan_out):
    k1, k2 = jax.random.split(key)
    lim = 1.0 / np.sqrt(fan_in)
    w = jax.random.uniform(k1, (fan_in, fan_out), jnp.float32, -lim, lim)
    b = jax.random.uniform(k2, (fan_out,), jnp.float32, -lim, lim)
    return w, b


def setup_inputs(seed: int = 0) -> dict:
    key = jax.random.key(seed)
    ks = jax.random.split(key, 8)
    z = jax.random.normal(ks[0], (N, D), jnp.float32)
    out_edge_index = jax.random.randint(ks[1], (2, E), 0, N, dtype=jnp.int32)
    batch = jnp.sort(jax.random.randint(ks[2], (N,), 0, 64, dtype=jnp.int32))
    # VGAE.mlp = MLP(4*out_channels, out_channels, 1, act=ReLU)
    mlp_w1, mlp_b1 = _linear_params(ks[3], 4 * OUT, OUT)
    mlp_w2, mlp_b2 = _linear_params(ks[4], OUT, 1)
    # e_fc1: Linear(4*out_channels, out_channels); e_fc2: Linear(out_channels, e_feature)
    efc1_w, efc1_b = _linear_params(ks[5], 4 * OUT, OUT)
    efc2_w, efc2_b = _linear_params(ks[6], OUT, EF)
    return {
        'z': z,
        'out_edge_index': out_edge_index,
        'batch': batch,
        'mlp_w1': mlp_w1, 'mlp_b1': mlp_b1,
        'mlp_w2': mlp_w2, 'mlp_b2': mlp_b2,
        'efc1_w': efc1_w, 'efc1_b': efc1_b,
        'efc2_w': efc2_w, 'efc2_b': efc2_b,
    }


def reference(z, out_edge_index, batch, mlp_w1, mlp_b1, mlp_w2, mlp_b2,
              efc1_w, efc1_b, efc2_w, efc2_b):
    # VGAE.forward with pos=None, neg_edge_index=None -> decode(z, out_edge_index)
    row = out_edge_index[0]
    col = out_edge_index[1]
    z_normalized = z / jnp.linalg.norm(z, axis=1, keepdims=True)
    row_e = jnp.take(z_normalized, row, axis=0)   # gather [E, D]
    col_e = jnp.take(z_normalized, col, axis=0)   # gather [E, D]
    e = jnp.concatenate([row_e, col_e], axis=1)   # [E, 4*OUT]
    # edge_prob = sigmoid(MLP(e))
    h = jnp.maximum(e @ mlp_w1 + mlp_b1, 0.0)
    edge_prob = jax.nn.sigmoid((h @ mlp_w2 + mlp_b2).reshape(-1))
    # edge_attr branch (computed inside decode even though forward discards it)
    ea = jnp.maximum(e @ efc1_w + efc1_b, 0.0)
    edge_attr = jax.nn.softmax(ea @ efc2_w + efc2_b, axis=1)
    return (edge_prob, edge_attr)


if False:  # reference __main__ guard neutralized (emitter)
    out = reference(**setup_inputs())
    print(out[0].shape, out[1].shape)

if __name__ == "__main__":
    import jax
    _d = setup_inputs()
    print(jax.jit(kernel)(*tuple(_d.values())))

</pallas_src>

<mosaic_0001>
#map = affine_map<(d0, d1) -> (0, 0)>
module attributes {stable_mosaic.version = 14 : i64} {
  func.func @_sc_body(%arg0: i32, %arg1: i32, %arg2: memref<10000x128xf32, #tpu.memory_space<hbm>>, %arg3: memref<10000x128xf32, #tpu.memory_space<hbm>>, %arg4: memref<1280x128xi32, #tpu.memory_space<hbm>>, %arg5: memref<1280x128xi32, #tpu.memory_space<hbm>>, %arg6: memref<163840x128xf32, #tpu.memory_space<hbm>>, %arg7: memref<40x128xi32, #tpu.memory_space<vmem>>, %arg8: memref<40x128xi32, #tpu.memory_space<vmem>>, %arg9: memref<128x128xf32, #tpu.memory_space<vmem>>, %arg10: memref<128x128xf32, #tpu.memory_space<vmem>>, %arg11: memref<128x128xf32, #tpu.memory_space<vmem>>, %arg12: memref<128x128xf32, #tpu.memory_space<vmem>>, %arg13: memref<128x128xf32, #tpu.memory_space<vmem>>, %arg14: memref<128x128xf32, #tpu.memory_space<vmem>>, %arg15: memref<!tpu.dma_semaphore, #tpu.memory_space<semaphore_mem>>, %arg16: memref<!tpu.dma_semaphore, #tpu.memory_space<semaphore_mem>>, %arg17: memref<!tpu.dma_semaphore, #tpu.memory_space<semaphore_mem>>, %arg18: memref<!tpu.dma_semaphore, #tpu.memory_space<semaphore_mem>>) attributes {dimension_semantics = [#tpu.dimension_semantics<core_parallel>, #tpu.dimension_semantics<subcore_parallel>], iteration_bounds = array<i64: 2, 16>, scalar_prefetch = 0 : i64, scratch_operands = 12 : i64, tpu.core_type = #tpu.core_type<sc_vector_subcore>, window_params = [{transform_indices = #map}, {transform_indices = #map}, {transform_indices = #map}, {transform_indices = #map}, {transform_indices = #map}]} {
    %mul3A = arith.constant 2 : i32
    %mul3A_0 = arith.muli %arg1, %mul3A : i32
    %add3A = arith.addi %mul3A_0, %arg0 : i32
    %mul3A_1 = arith.constant 5120 : i32
    %mul3A_2 = arith.muli %add3A, %mul3A_1 : i32
    %mul3A_3 = arith.constant 40 : i32
    %mul3A_4 = arith.muli %add3A, %mul3A_3 : i32
    "tpu.region"() ({
      %run_scoped3A = tpu.sem_alloc : memref<!tpu.dma_semaphore, #tpu.memory_space<semaphore_mem>>
      %dma_start3A_48 = arith.constant 0 : i32
      %dma_start3A_49 = tpu.memref_slice %arg4[%mul3A_4, %dma_start3A_48] : memref<1280x128xi32, #tpu.memory_space<hbm>> -> memref<40x128xi32, #tpu.memory_space<hbm>>
      %dma_start3A_50 = arith.constant 0 : i32
      %dma_start3A_51 = tpu.memref_slice %arg4[%mul3A_4, %dma_start3A_50] : memref<1280x128xi32, #tpu.memory_space<hbm>> -> memref<40x128xi32, #tpu.memory_space<hbm>>
      tpu.enqueue_dma source(%dma_start3A_51 : memref<40x128xi32, #tpu.memory_space<hbm>>) target(%arg7 : memref<40x128xi32, #tpu.memory_space<vmem>>) target_semaphore(%run_scoped3A : memref<!tpu.dma_semaphore, #tpu.memory_space<semaphore_mem>>)
      %dma_wait3A_52 = arith.constant 0 : i32
      %dma_wait3A_53 = tpu.memref_slice %arg4[%mul3A_4, %dma_wait3A_52] : memref<1280x128xi32, #tpu.memory_space<hbm>> -> memref<40x128xi32, #tpu.memory_space<hbm>>
      %dma_wait3A_54 = arith.constant 0 : i32
      %dma_wait3A_55 = tpu.memref_slice %arg4[%mul3A_4, %dma_wait3A_54] : memref<1280x128xi32, #tpu.memory_space<hbm>> -> memref<40x128xi32, #tpu.memory_space<hbm>>
      tpu.wait_dma2 semaphore(%run_scoped3A : memref<!tpu.dma_semaphore, #tpu.memory_space<semaphore_mem>>) src(%dma_wait3A_55 : memref<40x128xi32, #tpu.memory_space<hbm>>) dst(%arg7 : memref<40x128xi32, #tpu.memory_space<vmem>>)
      tpu.yield
    }) : () -> ()
    %mul3A_5 = arith.constant 40 : i32
    %mul3A_6 = arith.muli %add3A, %mul3A_5 : i32
    "tpu.region"() ({
      %run_scoped3A = tpu.sem_alloc : memref<!tpu.dma_semaphore, #tpu.memory_space<semaphore_mem>>
      %dma_start3A_48 = arith.constant 0 : i32
      %dma_start3A_49 = tpu.memref_slice %arg5[%mul3A_6, %dma_start3A_48] : memref<1280x128xi32, #tpu.memory_space<hbm>> -> memref<40x128xi32, #tpu.memory_space<hbm>>
      %dma_start3A_50 = arith.constant 0 : i32
      %dma_start3A_51 = tpu.memref_slice %arg5[%mul3A_6, %dma_start3A_50] : memref<1280x128xi32, #tpu.memory_space<hbm>> -> memref<40x128xi32, #tpu.memory_space<hbm>>
      tpu.enqueue_dma source(%dma_start3A_51 : memref<40x128xi32, #tpu.memory_space<hbm>>) target(%arg8 : memref<40x128xi32, #tpu.memory_space<vmem>>) target_semaphore(%run_scoped3A : memref<!tpu.dma_semaphore, #tpu.memory_space<semaphore_mem>>)
      %dma_wait3A_52 = arith.constant 0 : i32
      %dma_wait3A_53 = tpu.memref_slice %arg5[%mul3A_6, %dma_wait3A_52] : memref<1280x128xi32, #tpu.memory_space<hbm>> -> memref<40x128xi32, #tpu.memory_space<hbm>>
      %dma_wait3A_54 = arith.constant 0 : i32
      %dma_wait3A_55 = tpu.memref_slice %arg5[%mul3A_6, %dma_wait3A_54] : memref<1280x128xi32, #tpu.memory_space<hbm>> -> memref<40x128xi32, #tpu.memory_space<hbm>>
      tpu.wait_dma2 semaphore(%run_scoped3A : memref<!tpu.dma_semaphore, #tpu.memory_space<semaphore_mem>>) src(%dma_wait3A_55 : memref<40x128xi32, #tpu.memory_space<hbm>>) dst(%arg8 : memref<40x128xi32, #tpu.memory_space<vmem>>)
      tpu.yield
    }) : () -> ()
    %dma_start3A = arith.constant 0 : i32
    %dma_start3A_7 = arith.constant 0 : i32
    %dma_start3A_8 = tpu.memref_slice %arg7[%dma_start3A, %dma_start3A_7] : memref<40x128xi32, #tpu.memory_space<vmem>> -> memref<1x128xi32, #tpu.memory_space<vmem>>
    %dma_start3A_9 = tpu.memref_squeeze %dma_start3A_8 : memref<1x128xi32, #tpu.memory_space<vmem>> -> memref<128xi32, #tpu.memory_space<vmem>>
    %dma_start3A_10 = arith.constant 0 : i32
    %dma_start3A_11 = arith.constant 0 : i32
    %dma_start3A_12 = tpu.memref_slice %arg2[%dma_start3A_10, %dma_start3A_11] : memref<10000x128xf32, #tpu.memory_space<hbm>> -> memref<10000x128xf32, #tpu.memory_space<hbm>>
    tpu.enqueue_indirect_dma source(%dma_start3A_12 : memref<10000x128xf32, #tpu.memory_space<hbm>>) target(%arg9 : memref<128x128xf32, #tpu.memory_space<vmem>>) offsets(%dma_start3A_9 : memref<128xi32, #tpu.memory_space<vmem>>) semaphore(%arg15 : memref<!tpu.dma_semaphore, #tpu.memory_space<semaphore_mem>>)
    %dma_start3A_13 = arith.constant 0 : i32
    %dma_start3A_14 = arith.constant 0 : i32
    %dma_start3A_15 = tpu.memref_slice %arg8[%dma_start3A_13, %dma_start3A_14] : memref<40x128xi32, #tpu.memory_space<vmem>> -> memref<1x128xi32, #tpu.memory_space<vmem>>
    %dma_start3A_16 = tpu.memref_squeeze %dma_start3A_15 : memref<1x128xi32, #tpu.memory_space<vmem>> -> memref<128xi32, #tpu.memory_space<vmem>>
    %dma_start3A_17 = arith.constant 0 : i32
    %dma_start3A_18 = arith.constant 0 : i32
    %dma_start3A_19 = tpu.memref_slice %arg3[%dma_start3A_17, %dma_start3A_18] : memref<10000x128xf32, #tpu.memory_space<hbm>> -> memref<10000x128xf32, #tpu.memory_space<hbm>>
    tpu.enqueue_indirect_dma source(%dma_start3A_19 : memref<10000x128xf32, #tpu.memory_space<hbm>>) target(%arg11 : memref<128x128xf32, #tpu.memory_space<vmem>>) offsets(%dma_start3A_16 : memref<128xi32, #tpu.memory_space<vmem>>) semaphore(%arg15 : memref<!tpu.dma_semaphore, #tpu.memory_space<semaphore_mem>>)
    %scan3A = arith.constant 0 : i32
    %scan3A_20 = arith.constant 0 : i32
    %scan3A_21 = arith.constant 20 : i32
    %scan3A_22 = arith.addi %scan3A_20, %scan3A_21 : i32
    %scan3A_23 = arith.constant 1 : i32
    scf.for %scan3A_48 = %scan3A_20 to %scan3A_22 step %scan3A_23  : i32 {
      %mul3A_49 = arith.constant 2 : i32
      %mul3A_50 = arith.muli %scan3A_48, %mul3A_49 : i32
      %add3A_51 = arith.constant 0 : i32
      %add3A_52 = arith.addi %mul3A_50, %add3A_51 : i32
      %add3A_53 = arith.constant 1 : i32
      %add3A_54 = arith.addi %add3A_52, %add3A_53 : i32
      %rem3A = arith.constant 40 : i32
      %rem3A_55 = arith.remsi %add3A_54, %rem3A : i32
      %dma_start3A_56 = arith.constant 0 : i32
      %dma_start3A_57 = tpu.memref_slice %arg7[%rem3A_55, %dma_start3A_56] : memref<40x128xi32, #tpu.memory_space<vmem>> -> memref<1x128xi32, #tpu.memory_space<vmem>>
      %dma_start3A_58 = tpu.memref_squeeze %dma_start3A_57 : memref<1x128xi32, #tpu.memory_space<vmem>> -> memref<128xi32, #tpu.memory_space<vmem>>
      %dma_start3A_59 = arith.constant 0 : i32
      %dma_start3A_60 = arith.constant 0 : i32
      %dma_start3A_61 = tpu.memref_slice %arg2[%dma_start3A_59, %dma_start3A_60] : memref<10000x128xf32, #tpu.memory_space<hbm>> -> memref<10000x128xf32, #tpu.memory_space<hbm>>
      tpu.enqueue_indirect_dma source(%dma_start3A_61 : memref<10000x128xf32, #tpu.memory_space<hbm>>) target(%arg10 : memref<128x128xf32, #tpu.memory_space<vmem>>) offsets(%dma_start3A_58 : memref<128xi32, #tpu.memory_space<vmem>>) semaphore(%arg16 : memref<!tpu.dma_semaphore, #tpu.memory_space<semaphore_mem>>)
      %dma_start3A_62 = arith.constant 0 : i32
      %dma_start3A_63 = tpu.memref_slice %arg8[%rem3A_55, %dma_start3A_62] : memref<40x128xi32, #tpu.memory_space<vmem>> -> memref<1x128xi32, #tpu.memory_space<vmem>>
      %dma_start3A_64 = tpu.memref_squeeze %dma_start3A_63 : memref<1x128xi32, #tpu.memory_space<vmem>> -> memref<128xi32, #tpu.memory_space<vmem>>
      %dma_start3A_65 = arith.constant 0 : i32
      %dma_start3A_66 = arith.constant 0 : i32
      %dma_start3A_67 = tpu.memref_slice %arg3[%dma_start3A_65, %dma_start3A_66] : memref<10000x128xf32, #tpu.memory_space<hbm>> -> memref<10000x128xf32, #tpu.memory_space<hbm>>
      tpu.enqueue_indirect_dma source(%dma_start3A_67 : memref<10000x128xf32, #tpu.memory_space<hbm>>) target(%arg12 : memref<128x128xf32, #tpu.memory_space<vmem>>) offsets(%dma_start3A_64 : memref<128xi32, #tpu.memory_space<vmem>>) semaphore(%arg16 : memref<!tpu.dma_semaphore, #tpu.memory_space<semaphore_mem>>)
      %dma_wait3A_68 = arith.constant 0 : i32
      %dma_wait3A_69 = arith.constant 0 : i32
      %dma_wait3A_70 = tpu.memref_slice %arg2[%dma_wait3A_68, %dma_wait3A_69] : memref<10000x128xf32, #tpu.memory_space<hbm>> -> memref<128x128xf32, #tpu.memory_space<hbm>>
      %dma_wait3A_71 = arith.constant 0 : i32
      %dma_wait3A_72 = arith.constant 0 : i32
      %dma_wait3A_73 = tpu.memref_slice %arg2[%dma_wait3A_71, %dma_wait3A_72] : memref<10000x128xf32, #tpu.memory_space<hbm>> -> memref<128x128xf32, #tpu.memory_space<hbm>>
      tpu.wait_dma2 semaphore(%arg15 : memref<!tpu.dma_semaphore, #tpu.memory_space<semaphore_mem>>) src(%dma_wait3A_73 : memref<128x128xf32, #tpu.memory_space<hbm>>) dst(%arg9 : memref<128x128xf32, #tpu.memory_space<vmem>>)
      %dma_wait3A_74 = arith.constant 0 : i32
      %dma_wait3A_75 = arith.constant 0 : i32
      %dma_wait3A_76 = tpu.memref_slice %arg3[%dma_wait3A_74, %dma_wait3A_75] : memref<10000x128xf32, #tpu.memory_space<hbm>> -> memref<128x128xf32, #tpu.memory_space<hbm>>
      %dma_wait3A_77 = arith.constant 0 : i32
      %dma_wait3A_78 = arith.constant 0 : i32
      %dma_wait3A_79 = tpu.memref_slice %arg3[%dma_wait3A_77, %dma_wait3A_78] : memref<10000x128xf32, #tpu.memory_space<hbm>> -> memref<128x128xf32, #tpu.memory_space<hbm>>
      tpu.wait_dma2 semaphore(%arg15 : memref<!tpu.dma_semaphore, #tpu.memory_space<semaphore_mem>>) src(%dma_wait3A_79 : memref<128x128xf32, #tpu.memory_space<hbm>>) dst(%arg11 : memref<128x128xf32, #tpu.memory_space<vmem>>)
      %ge3A = arith.constant 2 : i32
      %ge3A_80 = arith.cmpi sge, %add3A_52, %ge3A : i32
      %convert_element_type3A = arith.extui %ge3A_80 : i1 to i32
      %cond3A = arith.constant 0 : i32
      %cond3A_81 = arith.cmpi ne, %convert_element_type3A, %cond3A : i32
      scf.if %cond3A_81 {
        %dma_wait3A_138 = arith.constant 0 : i32
        %dma_wait3A_139 = arith.constant 0 : i32
        %dma_wait3A_140 = tpu.memref_slice %arg6[%dma_wait3A_138, %dma_wait3A_139] : memref<163840x128xf32, #tpu.memory_space<hbm>> -> memref<128x128xf32, #tpu.memory_space<hbm>>
        %dma_wait3A_141 = arith.constant 0 : i32
        %dma_wait3A_142 = arith.constant 0 : i32
        %dma_wait3A_143 = tpu.memref_slice %arg6[%dma_wait3A_141, %dma_wait3A_142] : memref<163840x128xf32, #tpu.memory_space<hbm>> -> memref<128x128xf32, #tpu.memory_space<hbm>>
        tpu.wait_dma2 semaphore(%arg17 : memref<!tpu.dma_semaphore, #tpu.memory_space<semaphore_mem>>) src(%arg13 : memref<128x128xf32, #tpu.memory_space<vmem>>) dst(%dma_wait3A_143 : memref<128x128xf32, #tpu.memory_space<hbm>>)
      } else {
      }
      %parallel_loop3A = arith.constant 0 : i32
      %parallel_loop3A_82 = arith.constant 128 : i32
      %parallel_loop3A_83 = arith.constant 1 : i32
      scf.for %parallel_loop3A_138 = %parallel_loop3A to %parallel_loop3A_82 step %parallel_loop3A_83  : i32 {
        %parallel_loop3A_139 = arith.index_cast %parallel_loop3A_138 : i32 to index
        %parallel_loop3A_140 = arith.constant 0 : index
        %parallel_loop3A_141 = tpu.vector_load %arg9[%parallel_loop3A_139, %parallel_loop3A_140] {strides = array<i32>} : memref<128x128xf32, #tpu.memory_space<vmem>>, vector<1x16xf32>,
        %parallel_loop3A_142 = vector.shape_cast %parallel_loop3A_141 : vector<1x16xf32> to vector<16xf32>
        %parallel_loop3A_143 = arith.index_cast %parallel_loop3A_138 : i32 to index
        %parallel_loop3A_144 = arith.constant 0 : index
        %parallel_loop3A_145 = tpu.vector_load %arg11[%parallel_loop3A_143, %parallel_loop3A_144] {strides = array<i32>} : memref<128x128xf32, #tpu.memory_space<vmem>>, vector<1x16xf32>,
        %parallel_loop3A_146 = vector.shape_cast %parallel_loop3A_145 : vector<1x16xf32> to vector<16xf32>
        %parallel_loop3A_147 = arith.addf %parallel_loop3A_142, %parallel_loop3A_146 : vector<16xf32>
        %parallel_loop3A_148 = arith.constant 0.000000e+00 : f32
        %parallel_loop3A_149 = vector.broadcast %parallel_loop3A_148 : f32 to vector<16xf32>
        %parallel_loop3A_150 = arith.maximumf %parallel_loop3A_147, %parallel_loop3A_149 : vector<16xf32>
        %parallel_loop3A_151 = arith.index_cast %parallel_loop3A_138 : i32 to index
        %parallel_loop3A_152 = arith.constant 0 : index
        %parallel_loop3A_153 = tpu.vector_load %arg13[%parallel_loop3A_151, %parallel_loop3A_152] {strides = array<i32>} : memref<128x128xf32, #tpu.memory_space<vmem>>, vector<1x16xf32>,
        %parallel_loop3A_154 = vector.shape_cast %parallel_loop3A_153 : vector<1x16xf32> to vector<16xf32>
        %parallel_loop3A_155 = vector.shape_cast %parallel_loop3A_150 : vector<16xf32> to vector<1x16xf32>
        tpu.vector_store %arg13[%parallel_loop3A_151, %parallel_loop3A_152], %parallel_loop3A_155 {strides = array<i32>} : memref<128x128xf32, #tpu.memory_space<vmem>>, vector<1x16xf32>,
        %parallel_loop3A_156 = arith.index_cast %parallel_loop3A_138 : i32 to index
        %parallel_loop3A_157 = arith.constant 16 : index
        %parallel_loop3A_158 = tpu.vector_load %arg9[%parallel_loop3A_156, %parallel_loop3A_157] {strides = array<i32>} : memref<128x128xf32, #tpu.memory_space<vmem>>, vector<1x16xf32>,
        %parallel_loop3A_159 = vector.shape_cast %parallel_loop3A_158 : vector<1x16xf32> to vector<16xf32>
        %parallel_loop3A_160 = arith.index_cast %parallel_loop3A_138 : i32 to index
        %parallel_loop3A_161 = arith.constant 16 : index
        %parallel_loop3A_162 = tpu.vector_load %arg11[%parallel_loop3A_160, %parallel_loop3A_161] {strides = array<i32>} : memref<128x128xf32, #tpu.memory_space<vmem>>, vector<1x16xf32>,
        %parallel_loop3A_163 = vector.shape_cast %parallel_loop3A_162 : vector<1x16xf32> to vector<16xf32>
        %parallel_loop3A_164 = arith.addf %parallel_loop3A_159, %parallel_loop3A_163 : vector<16xf32>
        %parallel_loop3A_165 = arith.constant 0.000000e+00 : f32
        %parallel_loop3A_166 = vector.broadcast %parallel_loop3A_165 : f32 to vector<16xf32>
        %parallel_loop3A_167 = arith.maximumf %parallel_loop3A_164, %parallel_loop3A_166 : vector<16xf32>
        %parallel_loop3A_168 = arith.index_cast %parallel_loop3A_138 : i32 to index
        %parallel_loop3A_169 = arith.constant 16 : index
        %parallel_loop3A_170 = tpu.vector_load %arg13[%parallel_loop3A_168, %parallel_loop3A_169] {strides = array<i32>} : memref<128x128xf32, #tpu.memory_space<vmem>>, vector<1x16xf32>,
        %parallel_loop3A_171 = vector.shape_cast %parallel_loop3A_170 : vector<1x16xf32> to vector<16xf32>
        %parallel_loop3A_172 = vector.shape_cast %parallel_loop3A_167 : vector<16xf32> to vector<1x16xf32>
        tpu.vector_store %arg13[%parallel_loop3A_168, %parallel_loop3A_169], %parallel_loop3A_172 {strides = array<i32>} : memref<128x128xf32, #tpu.memory_space<vmem>>, vector<1x16xf32>,
        %parallel_loop3A_173 = arith.index_cast %parallel_loop3A_138 : i32 to index
        %parallel_loop3A_174 = arith.constant 32 : index
        %parallel_loop3A_175 = tpu.vector_load %arg9[%parallel_loop3A_173, %parallel_loop3A_174] {strides = array<i32>} : memref<128x128xf32, #tpu.memory_space<vmem>>, vector<1x16xf32>,
        %parallel_loop3A_176 = vector.shape_cast %parallel_loop3A_175 : vector<1x16xf32> to vector<16xf32>
        %parallel_loop3A_177 = arith.index_cast %parallel_loop3A_138 : i32 to index
        %parallel_loop3A_178 = arith.constant 32 : index
        %parallel_loop3A_179 = tpu.vector_load %arg11[%parallel_loop3A_177, %parallel_loop3A_178] {strides = array<i32>} : memref<128x128xf32, #tpu.memory_space<vmem>>, vector<1x16xf32>,
        %parallel_loop3A_180 = vector.shape_cast %parallel_loop3A_179 : vector<1x16xf32> to vector<16xf32>
        %parallel_loop3A_181 = arith.addf %parallel_loop3A_176, %parallel_loop3A_180 : vector<16xf32>
        %parallel_loop3A_182 = arith.constant 0.000000e+00 : f32
        %parallel_loop3A_183 = vector.broadcast %parallel_loop3A_182 : f32 to vector<16xf32>
        %parallel_loop3A_184 = arith.maximumf %parallel_loop3A_181, %parallel_loop3A_183 : vector<16xf32>
        %parallel_loop3A_185 = arith.index_cast %parallel_loop3A_138 : i32 to index
        %parallel_loop3A_186 = arith.constant 32 : index
        %parallel_loop3A_187 = tpu.vector_load %arg13[%parallel_loop3A_185, %parallel_loop3A_186] {strides = array<i32>} : memref<128x128xf32, #tpu.memory_space<vmem>>, vector<1x16xf32>,
        %parallel_loop3A_188 = vector.shape_cast %parallel_loop3A_187 : vector<1x16xf32> to vector<16xf32>
        %parallel_loop3A_189 = vector.shape_cast %parallel_loop3A_184 : vector<16xf32> to vector<1x16xf32>
        tpu.vector_store %arg13[%parallel_loop3A_185, %parallel_loop3A_186], %parallel_loop3A_189 {strides = array<i32>} : memref<128x128xf32, #tpu.memory_space<vmem>>, vector<1x16xf32>,
        %parallel_loop3A_190 = arith.index_cast %parallel_loop3A_138 : i32 to index
        %parallel_loop3A_191 = arith.constant 48 : index
        %parallel_loop3A_192 = tpu.vector_load %arg9[%parallel_loop3A_190, %parallel_loop3A_191] {strides = array<i32>} : memref<128x128xf32, #tpu.memory_space<vmem>>, vector<1x16xf32>,
        %parallel_loop3A_193 = vector.shape_cast %parallel_loop3A_192 : vector<1x16xf32> to vector<16xf32>
        %parallel_loop3A_194 = arith.index_cast %parallel_loop3A_138 : i32 to index
        %parallel_loop3A_195 = arith.constant 48 : index
        %parallel_loop3A_196 = tpu.vector_load %arg11[%parallel_loop3A_194, %parallel_loop3A_195] {strides = array<i32>} : memref<128x128xf32, #tpu.memory_space<vmem>>, vector<1x16xf32>,
        %parallel_loop3A_197 = vector.shape_cast %parallel_loop3A_196 : vector<1x16xf32> to vector<16xf32>
        %parallel_loop3A_198 = arith.addf %parallel_loop3A_193, %parallel_loop3A_197 : vector<16xf32>
        %parallel_loop3A_199 = arith.constant 0.000000e+00 : f32
        %parallel_loop3A_200 = vector.broadcast %parallel_loop3A_199 : f32 to vector<16xf32>
        %parallel_loop3A_201 = arith.maximumf %parallel_loop3A_198, %parallel_loop3A_200 : vector<16xf32>
        %parallel_loop3A_202 = arith.index_cast %parallel_loop3A_138 : i32 to index
        %parallel_loop3A_203 = arith.constant 48 : index
        %parallel_loop3A_204 = tpu.vector_load %arg13[%parallel_loop3A_202, %parallel_loop3A_203] {strides = array<i32>} : memref<128x128xf32, #tpu.memory_space<vmem>>, vector<1x16xf32>,
        %parallel_loop3A_205 = vector.shape_cast %parallel_loop3A_204 : vector<1x16xf32> to vector<16xf32>
        %parallel_loop3A_206 = vector.shape_cast %parallel_loop3A_201 : vector<16xf32> to vector<1x16xf32>
        tpu.vector_store %arg13[%parallel_loop3A_202, %parallel_loop3A_203], %parallel_loop3A_206 {strides = array<i32>} : memref<128x128xf32, #tpu.memory_space<vmem>>, vector<1x16xf32>,
        %parallel_loop3A_207 = arith.index_cast %parallel_loop3A_138 : i32 to index
        %parallel_loop3A_208 = arith.constant 64 : index
        %parallel_loop3A_209 = tpu.vector_load %arg9[%parallel_loop3A_207, %parallel_loop3A_208] {strides = array<i32>} : memref<128x128xf32, #tpu.memory_space<vmem>>, vector<1x16xf32>,
        %parallel_loop3A_210 = vector.shape_cast %parallel_loop3A_209 : vector<1x16xf32> to vector<16xf32>
        %parallel_loop3A_211 = arith.index_cast %parallel_loop3A_138 : i32 to index
        %parallel_loop3A_212 = arith.constant 64 : index
        %parallel_loop3A_213 = tpu.vector_load %arg11[%parallel_loop3A_211, %parallel_loop3A_212] {strides = array<i32>} : memref<128x128xf32, #tpu.memory_space<vmem>>, vector<1x16xf32>,
        %parallel_loop3A_214 = vector.shape_cast %parallel_loop3A_213 : vector<1x16xf32> to vector<16xf32>
        %parallel_loop3A_215 = arith.addf %parallel_loop3A_210, %parallel_loop3A_214 : vector<16xf32>
        %parallel_loop3A_216 = arith.constant 0.000000e+00 : f32
        %parallel_loop3A_217 = vector.broadcast %parallel_loop3A_216 : f32 to vector<16xf32>
        %parallel_loop3A_218 = arith.maximumf %parallel_loop3A_215, %parallel_loop3A_217 : vector<16xf32>
        %parallel_loop3A_219 = arith.index_cast %parallel_loop3A_138 : i32 to index
        %parallel_loop3A_220 = arith.constant 64 : index
        %parallel_loop3A_221 = tpu.vector_load %arg13[%parallel_loop3A_219, %parallel_loop3A_220] {strides = array<i32>} : memref<128x128xf32, #tpu.memory_space<vmem>>, vector<1x16xf32>,
        %parallel_loop3A_222 = vector.shape_cast %parallel_loop3A_221 : vector<1x16xf32> to vector<16xf32>
        %parallel_loop3A_223 = vector.shape_cast %parallel_loop3A_218 : vector<16xf32> to vector<1x16xf32>
        tpu.vector_store %arg13[%parallel_loop3A_219, %parallel_loop3A_220], %parallel_loop3A_223 {strides = array<i32>} : memref<128x128xf32, #tpu.memory_space<vmem>>, vector<1x16xf32>,
        %parallel_loop3A_224 = arith.index_cast %parallel_loop3A_138 : i32 to index
        %parallel_loop3A_225 = arith.constant 80 : index
        %parallel_loop3A_226 = tpu.vector_load %arg9[%parallel_loop3A_224, %parallel_loop3A_225] {strides = array<i32>} : memref<128x128xf32, #tpu.memory_space<vmem>>, vector<1x16xf32>,
        %parallel_loop3A_227 = vector.shape_cast %parallel_loop3A_226 : vector<1x16xf32> to vector<16xf32>
        %parallel_loop3A_228 = arith.index_cast %parallel_loop3A_138 : i32 to index
        %parallel_loop3A_229 = arith.constant 80 : index
        %parallel_loop3A_230 = tpu.vector_load %arg11[%parallel_loop3A_228, %parallel_loop3A_229] {strides = array<i32>} : memref<128x128xf32, #tpu.memory_space<vmem>>, vector<1x16xf32>,
        %parallel_loop3A_231 = vector.shape_cast %parallel_loop3A_230 : vector<1x16xf32> to vector<16xf32>
        %parallel_loop3A_232 = arith.addf %parallel_loop3A_227, %parallel_loop3A_231 : vector<16xf32>
        %parallel_loop3A_233 = arith.constant 0.000000e+00 : f32
        %parallel_loop3A_234 = vector.broadcast %parallel_loop3A_233 : f32 to vector<16xf32>
        %parallel_loop3A_235 = arith.maximumf %parallel_loop3A_232, %parallel_loop3A_234 : vector<16xf32>
        %parallel_loop3A_236 = arith.index_cast %parallel_loop3A_138 : i32 to index
        %parallel_loop3A_237 = arith.constant 80 : index
        %parallel_loop3A_238 = tpu.vector_load %arg13[%parallel_loop3A_236, %parallel_loop3A_237] {strides = array<i32>} : memref<128x128xf32, #tpu.memory_space<vmem>>, vector<1x16xf32>,
        %parallel_loop3A_239 = vector.shape_cast %parallel_loop3A_238 : vector<1x16xf32> to vector<16xf32>
        %parallel_loop3A_240 = vector.shape_cast %parallel_loop3A_235 : vector<16xf32> to vector<1x16xf32>
        tpu.vector_store %arg13[%parallel_loop3A_236, %parallel_loop3A_237], %parallel_loop3A_240 {strides = array<i32>} : memref<128x128xf32, #tpu.memory_space<vmem>>, vector<1x16xf32>,
        %parallel_loop3A_241 = arith.index_cast %parallel_loop3A_138 : i32 to index
        %parallel_loop3A_242 = arith.constant 96 : index
        %parallel_loop3A_243 = tpu.vector_load %arg9[%parallel_loop3A_241, %parallel_loop3A_242] {strides = array<i32>} : memref<128x128xf32, #tpu.memory_space<vmem>>, vector<1x16xf32>,
        %parallel_loop3A_244 = vector.shape_cast %parallel_loop3A_243 : vector<1x16xf32> to vector<16xf32>
        %parallel_loop3A_245 = arith.index_cast %parallel_loop3A_138 : i32 to index
        %parallel_loop3A_246 = arith.constant 96 : index
        %parallel_loop3A_247 = tpu.vector_load %arg11[%parallel_loop3A_245, %parallel_loop3A_246] {strides = array<i32>} : memref<128x128xf32, #tpu.memory_space<vmem>>, vector<1x16xf32>,
        %parallel_loop3A_248 = vector.shape_cast %parallel_loop3A_247 : vector<1x16xf32> to vector<16xf32>
        %parallel_loop3A_249 = arith.addf %parallel_loop3A_244, %parallel_loop3A_248 : vector<16xf32>
        %parallel_loop3A_250 = arith.constant 0.000000e+00 : f32
        %parallel_loop3A_251 = vector.broadcast %parallel_loop3A_250 : f32 to vector<16xf32>
        %parallel_loop3A_252 = arith.maximumf %parallel_loop3A_249, %parallel_loop3A_251 : vector<16xf32>
        %parallel_loop3A_253 = arith.index_cast %parallel_loop3A_138 : i32 to index
        %parallel_loop3A_254 = arith.constant 96 : index
        %parallel_loop3A_255 = tpu.vector_load %arg13[%parallel_loop3A_253, %parallel_loop3A_254] {strides = array<i32>} : memref<128x128xf32, #tpu.memory_space<vmem>>, vector<1x16xf32>,
        %parallel_loop3A_256 = vector.shape_cast %parallel_loop3A_255 : vector<1x16xf32> to vector<16xf32>
        %parallel_loop3A_257 = vector.shape_cast %parallel_loop3A_252 : vector<16xf32> to vector<1x16xf32>
        tpu.vector_store %arg13[%parallel_loop3A_253, %parallel_loop3A_254], %parallel_loop3A_257 {strides = array<i32>} : memref<128x128xf32, #tpu.memory_space<vmem>>, vector<1x16xf32>,
        %parallel_loop3A_258 = arith.index_cast %parallel_loop3A_138 : i32 to index
        %parallel_loop3A_259 = arith.constant 112 : index
        %parallel_loop3A_260 = tpu.vector_load %arg9[%parallel_loop3A_258, %parallel_loop3A_259] {strides = array<i32>} : memref<128x128xf32, #tpu.memory_space<vmem>>, vector<1x16xf32>,
        %parallel_loop3A_261 = vector.shape_cast %parallel_loop3A_260 : vector<1x16xf32> to vector<16xf32>
        %parallel_loop3A_262 = arith.index_cast %parallel_loop3A_138 : i32 to index
        %parallel_loop3A_263 = arith.constant 112 : index
        %parallel_loop3A_264 = tpu.vector_load %arg11[%parallel_loop3A_262, %parallel_loop3A_263] {strides = array<i32>} : memref<128x128xf32, #tpu.memory_space<vmem>>, vector<1x16xf32>,
        %parallel_loop3A_265 = vector.shape_cast %parallel_loop3A_264 : vector<1x16xf32> to vector<16xf32>
        %parallel_loop3A_266 = arith.addf %parallel_loop3A_261, %parallel_loop3A_265 : vector<16xf32>
        %parallel_loop3A_267 = arith.constant 0.000000e+00 : f32
        %parallel_loop3A_268 = vector.broadcast %parallel_loop3A_267 : f32 to vector<16xf32>
        %parallel_loop3A_269 = arith.maximumf %parallel_loop3A_266, %parallel_loop3A_268 : vector<16xf32>
        %parallel_loop3A_270 = arith.index_cast %parallel_loop3A_138 : i32 to index
        %parallel_loop3A_271 = arith.constant 112 : index
        %parallel_loop3A_272 = tpu.vector_load %arg13[%parallel_loop3A_270, %parallel_loop3A_271] {strides = array<i32>} : memref<128x128xf32, #tpu.memory_space<vmem>>, vector<1x16xf32>,
        %parallel_loop3A_273 = vector.shape_cast %parallel_loop3A_272 : vector<1x16xf32> to vector<16xf32>
        %parallel_loop3A_274 = vector.shape_cast %parallel_loop3A_269 : vector<16xf32> to vector<1x16xf32>
        tpu.vector_store %arg13[%parallel_loop3A_270, %parallel_loop3A_271], %parallel_loop3A_274 {strides = array<i32>} : memref<128x128xf32, #tpu.memory_space<vmem>>, vector<1x16xf32>,
      } {sc.loop_unroll_factor = 4 : i64, sc.parallel_access}
      %mul3A_84 = arith.constant 128 : i32
      %mul3A_85 = arith.muli %add3A_52, %mul3A_84 : i32
      %add3A_86 = arith.addi %mul3A_2, %mul3A_85 : i32
      %dma_start3A_87 = arith.constant 0 : i32
      %dma_start3A_88 = tpu.memref_slice %arg6[%add3A_86, %dma_start3A_87] : memref<163840x128xf32, #tpu.memory_space<hbm>> -> memref<128x128xf32, #tpu.memory_space<hbm>>
      %dma_start3A_89 = arith.constant 0 : i32
      %dma_start3A_90 = tpu.memref_slice %arg6[%add3A_86, %dma_start3A_89] : memref<163840x128xf32, #tpu.memory_space<hbm>> -> memref<128x128xf32, #tpu.memory_space<hbm>>
      tpu.enqueue_dma source(%arg13 : memref<128x128xf32, #tpu.memory_space<vmem>>) target(%dma_start3A_90 : memref<128x128xf32, #tpu.memory_space<hbm>>) target_semaphore(%arg17 : memref<!tpu.dma_semaphore, #tpu.memory_space<semaphore_mem>>)
      %mul3A_91 = arith.constant 2 : i32
      %mul3A_92 = arith.muli %scan3A_48, %mul3A_91 : i32
      %add3A_93 = arith.constant 1 : i32
      %add3A_94 = arith.addi %mul3A_92, %add3A_93 : i32
      %add3A_95 = arith.constant 1 : i32
      %add3A_96 = arith.addi %add3A_94, %add3A_95 : i32
      %rem3A_97 = arith.constant 40 : i32
      %rem3A_98 = arith.remsi %add3A_96, %rem3A_97 : i32
      %dma_start3A_99 = arith.constant 0 : i32
      %dma_start3A_100 = tpu.memref_slice %arg7[%rem3A_98, %dma_start3A_99] : memref<40x128xi32, #tpu.memory_space<vmem>> -> memref<1x128xi32, #tpu.memory_space<vmem>>
      %dma_start3A_101 = tpu.memref_squeeze %dma_start3A_100 : memref<1x128xi32, #tpu.memory_space<vmem>> -> memref<128xi32, #tpu.memory_space<vmem>>
      %dma_start3A_102 = arith.constant 0 : i32
      %dma_start3A_103 = arith.constant 0 : i32
      %dma_start3A_104 = tpu.memref_slice %arg2[%dma_start3A_102, %dma_start3A_103] : memref<10000x128xf32, #tpu.memory_space<hbm>> -> memref<10000x128xf32, #tpu.memory_space<hbm>>
      tpu.enqueue_indirect_dma source(%dma_start3A_104 : memref<10000x128xf32, #tpu.memory_space<hbm>>) target(%arg9 : memref<128x128xf32, #tpu.memory_space<vmem>>) offsets(%dma_start3A_101 : memref<128xi32, #tpu.memory_space<vmem>>) semaphore(%arg15 : memref<!tpu.dma_semaphore, #tpu.memory_space<semaphore_mem>>)
      %dma_start3A_105 = arith.constant 0 : i32
      %dma_start3A_106 = tpu.memref_slice %arg8[%rem3A_98, %dma_start3A_105] : memref<40x128xi32, #tpu.memory_space<vmem>> -> memref<1x128xi32, #tpu.memory_space<vmem>>
      %dma_start3A_107 = tpu.memref_squeeze %dma_start3A_106 : memref<1x128xi32, #tpu.memory_space<vmem>> -> memref<128xi32, #tpu.memory_space<vmem>>
      %dma_start3A_108 = arith.constant 0 : i32
      %dma_start3A_109 = arith.constant 0 : i32
      %dma_start3A_110 = tpu.memref_slice %arg3[%dma_start3A_108, %dma_start3A_109] : memref<10000x128xf32, #tpu.memory_space<hbm>> -> memref<10000x128xf32, #tpu.memory_space<hbm>>
      tpu.enqueue_indirect_dma source(%dma_start3A_110 : memref<10000x128xf32, #tpu.memory_space<hbm>>) target(%arg11 : memref<128x128xf32, #tpu.memory_space<vmem>>) offsets(%dma_start3A_107 : memref<128xi32, #tpu.memory_space<vmem>>) semaphore(%arg15 : memref<!tpu.dma_semaphore, #tpu.memory_space<semaphore_mem>>)
      %dma_wait3A_111 = arith.constant 0 : i32
      %dma_wait3A_112 = arith.constant 0 : i32
      %dma_wait3A_113 = tpu.memref_slice %arg2[%dma_wait3A_111, %dma_wait3A_112] : memref<10000x128xf32, #tpu.memory_space<hbm>> -> memref<128x128xf32, #tpu.memory_space<hbm>>
      %dma_wait3A_114 = arith.constant 0 : i32
      %dma_wait3A_115 = arith.constant 0 : i32
      %dma_wait3A_116 = tpu.memref_slice %arg2[%dma_wait3A_114, %dma_wait3A_115] : memref<10000x128xf32, #tpu.memory_space<hbm>> -> memref<128x128xf32, #tpu.memory_space<hbm>>
      tpu.wait_dma2 semaphore(%arg16 : memref<!tpu.dma_semaphore, #tpu.memory_space<semaphore_mem>>) src(%dma_wait3A_116 : memref<128x128xf32, #tpu.memory_space<hbm>>) dst(%arg10 : memref<128x128xf32, #tpu.memory_space<vmem>>)
      %dma_wait3A_117 = arith.constant 0 : i32
      %dma_wait3A_118 = arith.constant 0 : i32
      %dma_wait3A_119 = tpu.memref_slice %arg3[%dma_wait3A_117, %dma_wait3A_118] : memref<10000x128xf32, #tpu.memory_space<hbm>> -> memref<128x128xf32, #tpu.memory_space<hbm>>
      %dma_wait3A_120 = arith.constant 0 : i32
      %dma_wait3A_121 = arith.constant 0 : i32
      %dma_wait3A_122 = tpu.memref_slice %arg3[%dma_wait3A_120, %dma_wait3A_121] : memref<10000x128xf32, #tpu.memory_space<hbm>> -> memref<128x128xf32, #tpu.memory_space<hbm>>
      tpu.wait_dma2 semaphore(%arg16 : memref<!tpu.dma_semaphore, #tpu.memory_space<semaphore_mem>>) src(%dma_wait3A_122 : memref<128x128xf32, #tpu.memory_space<hbm>>) dst(%arg12 : memref<128x128xf32, #tpu.memory_space<vmem>>)
      %ge3A_123 = arith.constant 2 : i32
      %ge3A_124 = arith.cmpi sge, %add3A_94, %ge3A_123 : i32
      %convert_element_type3A_125 = arith.extui %ge3A_124 : i1 to i32
      %cond3A_126 = arith.constant 0 : i32
      %cond3A_127 = arith.cmpi ne, %convert_element_type3A_125, %cond3A_126 : i32
      scf.if %cond3A_127 {
        %dma_wait3A_138 = arith.constant 0 : i32
        %dma_wait3A_139 = arith.constant 0 : i32
        %dma_wait3A_140 = tpu.memref_slice %arg6[%dma_wait3A_138, %dma_wait3A_139] : memref<163840x128xf32, #tpu.memory_space<hbm>> -> memref<128x128xf32, #tpu.memory_space<hbm>>
        %dma_wait3A_141 = arith.constant 0 : i32
        %dma_wait3A_142 = arith.constant 0 : i32
        %dma_wait3A_143 = tpu.memref_slice %arg6[%dma_wait3A_141, %dma_wait3A_142] : memref<163840x128xf32, #tpu.memory_space<hbm>> -> memref<128x128xf32, #tpu.memory_space<hbm>>
        tpu.wait_dma2 semaphore(%arg18 : memref<!tpu.dma_semaphore, #tpu.memory_space<semaphore_mem>>) src(%arg14 : memref<128x128xf32, #tpu.memory_space<vmem>>) dst(%dma_wait3A_143 : memref<128x128xf32, #tpu.memory_space<hbm>>)
      } else {
      }
      %parallel_loop3A_128 = arith.constant 0 : i32
      %parallel_loop3A_129 = arith.constant 128 : i32
      %parallel_loop3A_130 = arith.constant 1 : i32
      scf.for %parallel_loop3A_138 = %parallel_loop3A_128 to %parallel_loop3A_129 step %parallel_loop3A_130  : i32 {
        %parallel_loop3A_139 = arith.index_cast %parallel_loop3A_138 : i32 to index
        %parallel_loop3A_140 = arith.constant 0 : index
        %parallel_loop3A_141 = tpu.vector_load %arg10[%parallel_loop3A_139, %parallel_loop3A_140] {strides = array<i32>} : memref<128x128xf32, #tpu.memory_space<vmem>>, vector<1x16xf32>,
        %parallel_loop3A_142 = vector.shape_cast %parallel_loop3A_141 : vector<1x16xf32> to vector<16xf32>
        %parallel_loop3A_143 = arith.index_cast %parallel_loop3A_138 : i32 to index
        %parallel_loop3A_144 = arith.constant 0 : index
        %parallel_loop3A_145 = tpu.vector_load %arg12[%parallel_loop3A_143, %parallel_loop3A_144] {strides = array<i32>} : memref<128x128xf32, #tpu.memory_space<vmem>>, vector<1x16xf32>,
        %parallel_loop3A_146 = vector.shape_cast %parallel_loop3A_145 : vector<1x16xf32> to vector<16xf32>
        %parallel_loop3A_147 = arith.addf %parallel_loop3A_142, %parallel_loop3A_146 : vector<16xf32>
        %parallel_loop3A_148 = arith.constant 0.000000e+00 : f32
        %parallel_loop3A_149 = vector.broadcast %parallel_loop3A_148 : f32 to vector<16xf32>
        %parallel_loop3A_150 = arith.maximumf %parallel_loop3A_147, %parallel_loop3A_149 : vector<16xf32>
        %parallel_loop3A_151 = arith.index_cast %parallel_loop3A_138 : i32 to index
        %parallel_loop3A_152 = arith.constant 0 : index
        %parallel_loop3A_153 = tpu.vector_load %arg14[%parallel_loop3A_151, %parallel_loop3A_152] {strides = array<i32>} : memref<128x128xf32, #tpu.memory_space<vmem>>, vector<1x16xf32>,
        %parallel_loop3A_154 = vector.shape_cast %parallel_loop3A_153 : vector<1x16xf32> to vector<16xf32>
        %parallel_loop3A_155 = vector.shape_cast %parallel_loop3A_150 : vector<16xf32> to vector<1x16xf32>
        tpu.vector_store %arg14[%parallel_loop3A_151, %parallel_loop3A_152], %parallel_loop3A_155 {strides = array<i32>} : memref<128x128xf32, #tpu.memory_space<vmem>>, vector<1x16xf32>,
        %parallel_loop3A_156 = arith.index_cast %parallel_loop3A_138 : i32 to index
        %parallel_loop3A_157 = arith.constant 16 : index
        %parallel_loop3A_158 = tpu.vector_load %arg10[%parallel_loop3A_156, %parallel_loop3A_157] {strides = array<i32>} : memref<128x128xf32, #tpu.memory_space<vmem>>, vector<1x16xf32>,
        %parallel_loop3A_159 = vector.shape_cast %parallel_loop3A_158 : vector<1x16xf32> to vector<16xf32>
        %parallel_loop3A_160 = arith.index_cast %parallel_loop3A_138 : i32 to index
        %parallel_loop3A_161 = arith.constant 16 : index
        %parallel_loop3A_162 = tpu.vector_load %arg12[%parallel_loop3A_160, %parallel_loop3A_161] {strides = array<i32>} : memref<128x128xf32, #tpu.memory_space<vmem>>, vector<1x16xf32>,
        %parallel_loop3A_163 = vector.shape_cast %parallel_loop3A_162 : vector<1x16xf32> to vector<16xf32>
        %parallel_loop3A_164 = arith.addf %parallel_loop3A_159, %parallel_loop3A_163 : vector<16xf32>
        %parallel_loop3A_165 = arith.constant 0.000000e+00 : f32
        %parallel_loop3A_166 = vector.broadcast %parallel_loop3A_165 : f32 to vector<16xf32>
        %parallel_loop3A_167 = arith.maximumf %parallel_loop3A_164, %parallel_loop3A_166 : vector<16xf32>
        %parallel_loop3A_168 = arith.index_cast %parallel_loop3A_138 : i32 to index
        %parallel_loop3A_169 = arith.constant 16 : index
        %parallel_loop3A_170 = tpu.vector_load %arg14[%parallel_loop3A_168, %parallel_loop3A_169] {strides = array<i32>} : memref<128x128xf32, #tpu.memory_space<vmem>>, vector<1x16xf32>,
        %parallel_loop3A_171 = vector.shape_cast %parallel_loop3A_170 : vector<1x16xf32> to vector<16xf32>
        %parallel_loop3A_172 = vector.shape_cast %parallel_loop3A_167 : vector<16xf32> to vector<1x16xf32>
        tpu.vector_store %arg14[%parallel_loop3A_168, %parallel_loop3A_169], %parallel_loop3A_172 {strides = array<i32>} : memref<128x128xf32, #tpu.memory_space<vmem>>, vector<1x16xf32>,
        %parallel_loop3A_173 = arith.index_cast %parallel_loop3A_138 : i32 to index
        %parallel_loop3A_174 = arith.constant 32 : index
        %parallel_loop3A_175 = tpu.vector_load %arg10[%parallel_loop3A_173, %parallel_loop3A_174] {strides = array<i32>} : memref<128x128xf32, #tpu.memory_space<vmem>>, vector<1x16xf32>,
        %parallel_loop3A_176 = vector.shape_cast %parallel_loop3A_175 : vector<1x16xf32> to vector<16xf32>
        %parallel_loop3A_177 = arith.index_cast %parallel_loop3A_138 : i32 to index
        %parallel_loop3A_178 = arith.constant 32 : index
        %parallel_loop3A_179 = tpu.vector_load %arg12[%parallel_loop3A_177, %parallel_loop3A_178] {strides = array<i32>} : memref<128x128xf32, #tpu.memory_space<vmem>>, vector<1x16xf32>,
        %parallel_loop3A_180 = vector.shape_cast %parallel_loop3A_179 : vector<1x16xf32> to vector<16xf32>
        %parallel_loop3A_181 = arith.addf %parallel_loop3A_176, %parallel_loop3A_180 : vector<16xf32>
        %parallel_loop3A_182 = arith.constant 0.000000e+00 : f32
        %parallel_loop3A_183 = vector.broadcast %parallel_loop3A_182 : f32 to vector<16xf32>
        %parallel_loop3A_184 = arith.maximumf %parallel_loop3A_181, %parallel_loop3A_183 : vector<16xf32>
        %parallel_loop3A_185 = arith.index_cast %parallel_loop3A_138 : i32 to index
        %parallel_loop3A_186 = arith.constant 32 : index
        %parallel_loop3A_187 = tpu.vector_load %arg14[%parallel_loop3A_185, %parallel_loop3A_186] {strides = array<i32>} : memref<128x128xf32, #tpu.memory_space<vmem>>, vector<1x16xf32>,
        %parallel_loop3A_188 = vector.shape_cast %parallel_loop3A_187 : vector<1x16xf32> to vector<16xf32>
        %parallel_loop3A_189 = vector.shape_cast %parallel_loop3A_184 : vector<16xf32> to vector<1x16xf32>
        tpu.vector_store %arg14[%parallel_loop3A_185, %parallel_loop3A_186], %parallel_loop3A_189 {strides = array<i32>} : memref<128x128xf32, #tpu.memory_space<vmem>>, vector<1x16xf32>,
        %parallel_loop3A_190 = arith.index_cast %parallel_loop3A_138 : i32 to index
        %parallel_loop3A_191 = arith.constant 48 : index
        %parallel_loop3A_192 = tpu.vector_load %arg10[%parallel_loop3A_190, %parallel_loop3A_191] {strides = array<i32>} : memref<128x128xf32, #tpu.memory_space<vmem>>, vector<1x16xf32>,
        %parallel_loop3A_193 = vector.shape_cast %parallel_loop3A_192 : vector<1x16xf32> to vector<16xf32>
        %parallel_loop3A_194 = arith.index_cast %parallel_loop3A_138 : i32 to index
        %parallel_loop3A_195 = arith.constant 48 : index
        %parallel_loop3A_196 = tpu.vector_load %arg12[%parallel_loop3A_194, %parallel_loop3A_195] {strides = array<i32>} : memref<128x128xf32, #tpu.memory_space<vmem>>, vector<1x16xf32>,
        %parallel_loop3A_197 = vector.shape_cast %parallel_loop3A_196 : vector<1x16xf32> to vector<16xf32>
        %parallel_loop3A_198 = arith.addf %parallel_loop3A_193, %parallel_loop3A_197 : vector<16xf32>
        %parallel_loop3A_199 = arith.constant 0.000000e+00 : f32
        %parallel_loop3A_200 = vector.broadcast %parallel_loop3A_199 : f32 to vector<16xf32>
        %parallel_loop3A_201 = arith.maximumf %parallel_loop3A_198, %parallel_loop3A_200 : vector<16xf32>
        %parallel_loop3A_202 = arith.index_cast %parallel_loop3A_138 : i32 to index
        %parallel_loop3A_203 = arith.constant 48 : index
        %parallel_loop3A_204 = tpu.vector_load %arg14[%parallel_loop3A_202, %parallel_loop3A_203] {strides = array<i32>} : memref<128x128xf32, #tpu.memory_space<vmem>>, vector<1x16xf32>,
        %parallel_loop3A_205 = vector.shape_cast %parallel_loop3A_204 : vector<1x16xf32> to vector<16xf32>
        %parallel_loop3A_206 = vector.shape_cast %parallel_loop3A_201 : vector<16xf32> to vector<1x16xf32>
        tpu.vector_store %arg14[%parallel_loop3A_202, %parallel_loop3A_203], %parallel_loop3A_206 {strides = array<i32>} : memref<128x128xf32, #tpu.memory_space<vmem>>, vector<1x16xf32>,
        %parallel_loop3A_207 = arith.index_cast %parallel_loop3A_138 : i32 to index
        %parallel_loop3A_208 = arith.constant 64 : index
        %parallel_loop3A_209 = tpu.vector_load %arg10[%parallel_loop3A_207, %parallel_loop3A_208] {strides = array<i32>} : memref<128x128xf32, #tpu.memory_space<vmem>>, vector<1x16xf32>,
        %parallel_loop3A_210 = vector.shape_cast %parallel_loop3A_209 : vector<1x16xf32> to vector<16xf32>
        %parallel_loop3A_211 = arith.index_cast %parallel_loop3A_138 : i32 to index
        %parallel_loop3A_212 = arith.constant 64 : index
        %parallel_loop3A_213 = tpu.vector_load %arg12[%parallel_loop3A_211, %parallel_loop3A_212] {strides = array<i32>} : memref<128x128xf32, #tpu.memory_space<vmem>>, vector<1x16xf32>,
        %parallel_loop3A_214 = vector.shape_cast %parallel_loop3A_213 : vector<1x16xf32> to vector<16xf32>
        %parallel_loop3A_215 = arith.addf %parallel_loop3A_210, %parallel_loop3A_214 : vector<16xf32>
        %parallel_loop3A_216 = arith.constant 0.000000e+00 : f32
        %parallel_loop3A_217 = vector.broadcast %parallel_loop3A_216 : f32 to vector<16xf32>
        %parallel_loop3A_218 = arith.maximumf %parallel_loop3A_215, %parallel_loop3A_217 : vector<16xf32>
        %parallel_loop3A_219 = arith.index_cast %parallel_loop3A_138 : i32 to index
        %parallel_loop3A_220 = arith.constant 64 : index
        %parallel_loop3A_221 = tpu.vector_load %arg14[%parallel_loop3A_219, %parallel_loop3A_220] {strides = array<i32>} : memref<128x128xf32, #tpu.memory_space<vmem>>, vector<1x16xf32>,
        %parallel_loop3A_222 = vector.shape_cast %parallel_loop3A_221 : vector<1x16xf32> to vector<16xf32>
        %parallel_loop3A_223 = vector.shape_cast %parallel_loop3A_218 : vector<16xf32> to vector<1x16xf32>
        tpu.vector_store %arg14[%parallel_loop3A_219, %parallel_loop3A_220], %parallel_loop3A_223 {strides = array<i32>} : memref<128x128xf32, #tpu.memory_space<vmem>>, vector<1x16xf32>,
        %parallel_loop3A_224 = arith.index_cast %parallel_loop3A_138 : i32 to index
        %parallel_loop3A_225 = arith.constant 80 : index
        %parallel_loop3A_226 = tpu.vector_load %arg10[%parallel_loop3A_224, %parallel_loop3A_225] {strides = array<i32>} : memref<128x128xf32, #tpu.memory_space<vmem>>, vector<1x16xf32>,
        %parallel_loop3A_227 = vector.shape_cast %parallel_loop3A_226 : vector<1x16xf32> to vector<16xf32>
        %parallel_loop3A_228 = arith.index_cast %parallel_loop3A_138 : i32 to index
        %parallel_loop3A_229 = arith.constant 80 : index
        %parallel_loop3A_230 = tpu.vector_load %arg12[%parallel_loop3A_228, %parallel_loop3A_229] {strides = array<i32>} : memref<128x128xf32, #tpu.memory_space<vmem>>, vector<1x16xf32>,
        %parallel_loop3A_231 = vector.shape_cast %parallel_loop3A_230 : vector<1x16xf32> to vector<16xf32>
        %parallel_loop3A_232 = arith.addf %parallel_loop3A_227, %parallel_loop3A_231 : vector<16xf32>
        %parallel_loop3A_233 = arith.constant 0.000000e+00 : f32
        %parallel_loop3A_234 = vector.broadcast %parallel_loop3A_233 : f32 to vector<16xf32>
        %parallel_loop3A_235 = arith.maximumf %parallel_loop3A_232, %parallel_loop3A_234 : vector<16xf32>
        %parallel_loop3A_236 = arith.index_cast %parallel_loop3A_138 : i32 to index
        %parallel_loop3A_237 = arith.constant 80 : index
        %parallel_loop3A_238 = tpu.vector_load %arg14[%parallel_loop3A_236, %parallel_loop3A_237] {strides = array<i32>} : memref<128x128xf32, #tpu.memory_space<vmem>>, vector<1x16xf32>,
        %parallel_loop3A_239 = vector.shape_cast %parallel_loop3A_238 : vector<1x16xf32> to vector<16xf32>
        %parallel_loop3A_240 = vector.shape_cast %parallel_loop3A_235 : vector<16xf32> to vector<1x16xf32>
        tpu.vector_store %arg14[%parallel_loop3A_236, %parallel_loop3A_237], %parallel_loop3A_240 {strides = array<i32>} : memref<128x128xf32, #tpu.memory_space<vmem>>, vector<1x16xf32>,
        %parallel_loop3A_241 = arith.index_cast %parallel_loop3A_138 : i32 to index
        %parallel_loop3A_242 = arith.constant 96 : index
        %parallel_loop3A_243 = tpu.vector_load %arg10[%parallel_loop3A_241, %parallel_loop3A_242] {strides = array<i32>} : memref<128x128xf32, #tpu.memory_space<vmem>>, vector<1x16xf32>,
        %parallel_loop3A_244 = vector.shape_cast %parallel_loop3A_243 : vector<1x16xf32> to vector<16xf32>
        %parallel_loop3A_245 = arith.index_cast %parallel_loop3A_138 : i32 to index
        %parallel_loop3A_246 = arith.constant 96 : index
        %parallel_loop3A_247 = tpu.vector_load %arg12[%parallel_loop3A_245, %parallel_loop3A_246] {strides = array<i32>} : memref<128x128xf32, #tpu.memory_space<vmem>>, vector<1x16xf32>,
        %parallel_loop3A_248 = vector.shape_cast %parallel_loop3A_247 : vector<1x16xf32> to vector<16xf32>
        %parallel_loop3A_249 = arith.addf %parallel_loop3A_244, %parallel_loop3A_248 : vector<16xf32>
        %parallel_loop3A_250 = arith.constant 0.000000e+00 : f32
        %parallel_loop3A_251 = vector.broadcast %parallel_loop3A_250 : f32 to vector<16xf32>
        %parallel_loop3A_252 = arith.maximumf %parallel_loop3A_249, %parallel_loop3A_251 : vector<16xf32>
        %parallel_loop3A_253 = arith.index_cast %parallel_loop3A_138 : i32 to index
        %parallel_loop3A_254 = arith.constant 96 : index
        %parallel_loop3A_255 = tpu.vector_load %arg14[%parallel_loop3A_253, %parallel_loop3A_254] {strides = array<i32>} : memref<128x128xf32, #tpu.memory_space<vmem>>, vector<1x16xf32>,
        %parallel_loop3A_256 = vector.shape_cast %parallel_loop3A_255 : vector<1x16xf32> to vector<16xf32>
        %parallel_loop3A_257 = vector.shape_cast %parallel_loop3A_252 : vector<16xf32> to vector<1x16xf32>
        tpu.vector_store %arg14[%parallel_loop3A_253, %parallel_loop3A_254], %parallel_loop3A_257 {strides = array<i32>} : memref<128x128xf32, #tpu.memory_space<vmem>>, vector<1x16xf32>,
        %parallel_loop3A_258 = arith.index_cast %parallel_loop3A_138 : i32 to index
        %parallel_loop3A_259 = arith.constant 112 : index
        %parallel_loop3A_260 = tpu.vector_load %arg10[%parallel_loop3A_258, %parallel_loop3A_259] {strides = array<i32>} : memref<128x128xf32, #tpu.memory_space<vmem>>, vector<1x16xf32>,
        %parallel_loop3A_261 = vector.shape_cast %parallel_loop3A_260 : vector<1x16xf32> to vector<16xf32>
        %parallel_loop3A_262 = arith.index_cast %parallel_loop3A_138 : i32 to index
        %parallel_loop3A_263 = arith.constant 112 : index
        %parallel_loop3A_264 = tpu.vector_load %arg12[%parallel_loop3A_262, %parallel_loop3A_263] {strides = array<i32>} : memref<128x128xf32, #tpu.memory_space<vmem>>, vector<1x16xf32>,
        %parallel_loop3A_265 = vector.shape_cast %parallel_loop3A_264 : vector<1x16xf32> to vector<16xf32>
        %parallel_loop3A_266 = arith.addf %parallel_loop3A_261, %parallel_loop3A_265 : vector<16xf32>
        %parallel_loop3A_267 = arith.constant 0.000000e+00 : f32
        %parallel_loop3A_268 = vector.broadcast %parallel_loop3A_267 : f32 to vector<16xf32>
        %parallel_loop3A_269 = arith.maximumf %parallel_loop3A_266, %parallel_loop3A_268 : vector<16xf32>
        %parallel_loop3A_270 = arith.index_cast %parallel_loop3A_138 : i32 to index
        %parallel_loop3A_271 = arith.constant 112 : index
        %parallel_loop3A_272 = tpu.vector_load %arg14[%parallel_loop3A_270, %parallel_loop3A_271] {strides = array<i32>} : memref<128x128xf32, #tpu.memory_space<vmem>>, vector<1x16xf32>,
        %parallel_loop3A_273 = vector.shape_cast %parallel_loop3A_272 : vector<1x16xf32> to vector<16xf32>
        %parallel_loop3A_274 = vector.shape_cast %parallel_loop3A_269 : vector<16xf32> to vector<1x16xf32>
        tpu.vector_store %arg14[%parallel_loop3A_270, %parallel_loop3A_271], %parallel_loop3A_274 {strides = array<i32>} : memref<128x128xf32, #tpu.memory_space<vmem>>, vector<1x16xf32>,
      } {sc.loop_unroll_factor = 4 : i64, sc.parallel_access}
      %mul3A_131 = arith.constant 128 : i32
      %mul3A_132 = arith.muli %add3A_94, %mul3A_131 : i32
      %add3A_133 = arith.addi %mul3A_2, %mul3A_132 : i32
      %dma_start3A_134 = arith.constant 0 : i32
      %dma_start3A_135 = tpu.memref_slice %arg6[%add3A_133, %dma_start3A_134] : memref<163840x128xf32, #tpu.memory_space<hbm>> -> memref<128x128xf32, #tpu.memory_space<hbm>>
      %dma_start3A_136 = arith.constant 0 : i32
      %dma_start3A_137 = tpu.memref_slice %arg6[%add3A_133, %dma_start3A_136] : memref<163840x128xf32, #tpu.memory_space<hbm>> -> memref<128x128xf32, #tpu.memory_space<hbm>>
      tpu.enqueue_dma source(%arg14 : memref<128x128xf32, #tpu.memory_space<vmem>>) target(%dma_start3A_137 : memref<128x128xf32, #tpu.memory_space<hbm>>) target_semaphore(%arg18 : memref<!tpu.dma_semaphore, #tpu.memory_space<semaphore_mem>>)
    }
    %scan3A_24 = arith.constant 20 : i32
    %dma_wait3A = arith.constant 0 : i32
    %dma_wait3A_25 = arith.constant 0 : i32
    %dma_wait3A_26 = tpu.memref_slice %arg2[%dma_wait3A, %dma_wait3A_25] : memref<10000x128xf32, #tpu.memory_space<hbm>> -> memref<128x128xf32, #tpu.memory_space<hbm>>
    %dma_wait3A_27 = arith.constant 0 : i32
    %dma_wait3A_28 = arith.constant 0 : i32
    %dma_wait3A_29 = tpu.memref_slice %arg2[%dma_wait3A_27, %dma_wait3A_28] : memref<10000x128xf32, #tpu.memory_space<hbm>> -> memref<128x128xf32, #tpu.memory_space<hbm>>
    tpu.wait_dma2 semaphore(%arg15 : memref<!tpu.dma_semaphore, #tpu.memory_space<semaphore_mem>>) src(%dma_wait3A_29 : memref<128x128xf32, #tpu.memory_space<hbm>>) dst(%arg9 : memref<128x128xf32, #tpu.memory_space<vmem>>)
    %dma_wait3A_30 = arith.constant 0 : i32
    %dma_wait3A_31 = arith.constant 0 : i32
    %dma_wait3A_32 = tpu.memref_slice %arg3[%dma_wait3A_30, %dma_wait3A_31] : memref<10000x128xf32, #tpu.memory_space<hbm>> -> memref<128x128xf32, #tpu.memory_space<hbm>>
    %dma_wait3A_33 = arith.constant 0 : i32
    %dma_wait3A_34 = arith.constant 0 : i32
    %dma_wait3A_35 = tpu.memref_slice %arg3[%dma_wait3A_33, %dma_wait3A_34] : memref<10000x128xf32, #tpu.memory_space<hbm>> -> memref<128x128xf32, #tpu.memory_space<hbm>>
    tpu.wait_dma2 semaphore(%arg15 : memref<!tpu.dma_semaphore, #tpu.memory_space<semaphore_mem>>) src(%dma_wait3A_35 : memref<128x128xf32, #tpu.memory_space<hbm>>) dst(%arg11 : memref<128x128xf32, #tpu.memory_space<vmem>>)
    %dma_wait3A_36 = arith.constant 0 : i32
    %dma_wait3A_37 = arith.constant 0 : i32
    %dma_wait3A_38 = tpu.memref_slice %arg6[%dma_wait3A_36, %dma_wait3A_37] : memref<163840x128xf32, #tpu.memory_space<hbm>> -> memref<128x128xf32, #tpu.memory_space<hbm>>
    %dma_wait3A_39 = arith.constant 0 : i32
    %dma_wait3A_40 = arith.constant 0 : i32
    %dma_wait3A_41 = tpu.memref_slice %arg6[%dma_wait3A_39, %dma_wait3A_40] : memref<163840x128xf32, #tpu.memory_space<hbm>> -> memref<128x128xf32, #tpu.memory_space<hbm>>
    tpu.wait_dma2 semaphore(%arg17 : memref<!tpu.dma_semaphore, #tpu.memory_space<semaphore_mem>>) src(%arg13 : memref<128x128xf32, #tpu.memory_space<vmem>>) dst(%dma_wait3A_41 : memref<128x128xf32, #tpu.memory_space<hbm>>)
    %dma_wait3A_42 = arith.constant 0 : i32
    %dma_wait3A_43 = arith.constant 0 : i32
    %dma_wait3A_44 = tpu.memref_slice %arg6[%dma_wait3A_42, %dma_wait3A_43] : memref<163840x128xf32, #tpu.memory_space<hbm>> -> memref<128x128xf32, #tpu.memory_space<hbm>>
    %dma_wait3A_45 = arith.constant 0 : i32
    %dma_wait3A_46 = arith.constant 0 : i32
    %dma_wait3A_47 = tpu.memref_slice %arg6[%dma_wait3A_45, %dma_wait3A_46] : memref<163840x128xf32, #tpu.memory_space<hbm>> -> memref<128x128xf32, #tpu.memory_space<hbm>>
    tpu.wait_dma2 semaphore(%arg18 : memref<!tpu.dma_semaphore, #tpu.memory_space<semaphore_mem>>) src(%arg14 : memref<128x128xf32, #tpu.memory_space<vmem>>) dst(%dma_wait3A_47 : memref<128x128xf32, #tpu.memory_space<hbm>>)
    return
  }
}

#map = affine_map<(d0, d1) -> (0, 0)>
module attributes {stable_mosaic.version = 14 : i64} {
  func.func @_sc_body(%arg0: i32, %arg1: i32, %arg2: memref<10000x128xf32, #tpu.memory_space<hbm>>, %arg3: memref<10000x128xf32, #tpu.memory_space<hbm>>, %arg4: memref<1280x128xi32, #tpu.memory_space<hbm>>, %arg5: memref<1280x128xi32, #tpu.memory_space<hbm>>, %arg6: memref<163840x128xf32, #tpu.memory_space<hbm>>, %arg7: memref<40x128xi32, #tpu.memory_space<vmem>>, %arg8: memref<40x128xi32, #tpu.memory_space<vmem>>, %arg9: memref<128x128xf32, #tpu.memory_space<vmem>>, %arg10: memref<128x128xf32, #tpu.memory_space<vmem>>, %arg11: memref<128x128xf32, #tpu.memory_space<vmem>>, %arg12: memref<128x128xf32, #tpu.memory_space<vmem>>, %arg13: memref<128x128xf32, #tpu.memory_space<vmem>>, %arg14: memref<128x128xf32, #tpu.memory_space<vmem>>, %arg15: memref<!tpu.dma_semaphore, #tpu.memory_space<semaphore_mem>>, %arg16: memref<!tpu.dma_semaphore, #tpu.memory_space<semaphore_mem>>, %arg17: memref<!tpu.dma_semaphore, #tpu.memory_space<semaphore_mem>>, %arg18: memref<!tpu.dma_semaphore, #tpu.memory_space<semaphore_mem>>) attributes {dimension_semantics = [#tpu.dimension_semantics<core_parallel>, #tpu.dimension_semantics<subcore_parallel>], iteration_bounds = array<i64: 2, 16>, scalar_prefetch = 0 : i64, scratch_operands = 12 : i64, tpu.core_type = #tpu.core_type<sc_vector_subcore>, window_params = [{transform_indices = #map}, {transform_indices = #map}, {transform_indices = #map}, {transform_indices = #map}, {transform_indices = #map}]} {
    %mul3A = arith.constant 2 : i32
    %mul3A_0 = arith.muli %arg1, %mul3A : i32
    %add3A = arith.addi %mul3A_0, %arg0 : i32
    %mul3A_1 = arith.constant 5120 : i32
    %mul3A_2 = arith.muli %add3A, %mul3A_1 : i32
    %mul3A_3 = arith.constant 40 : i32
    %mul3A_4 = arith.muli %add3A, %mul3A_3 : i32
    "tpu.region"() ({
      %run_scoped3A = tpu.sem_alloc : memref<!tpu.dma_semaphore, #tpu.memory_space<semaphore_mem>>
      %dma_start3A_48 = arith.constant 0 : i32
      %dma_start3A_49 = tpu.memref_slice %arg4[%mul3A_4, %dma_start3A_48] : memref<1280x128xi32, #tpu.memory_space<hbm>> -> memref<40x128xi32, #tpu.memory_space<hbm>>
      %dma_start3A_50 = arith.constant 0 : i32
      %dma_start3A_51 = tpu.memref_slice %arg4[%mul3A_4, %dma_start3A_50] : memref<1280x128xi32, #tpu.memory_space<hbm>> -> memref<40x128xi32, #tpu.memory_space<hbm>>
      tpu.enqueue_dma source(%dma_start3A_51 : memref<40x128xi32, #tpu.memory_space<hbm>>) target(%arg7 : memref<40x128xi32, #tpu.memory_space<vmem>>) target_semaphore(%run_scoped3A : memref<!tpu.dma_semaphore, #tpu.memory_space<semaphore_mem>>)
      %dma_wait3A_52 = arith.constant 0 : i32
      %dma_wait3A_53 = tpu.memref_slice %arg4[%mul3A_4, %dma_wait3A_52] : memref<1280x128xi32, #tpu.memory_space<hbm>> -> memref<40x128xi32, #tpu.memory_space<hbm>>
      %dma_wait3A_54 = arith.constant 0 : i32
      %dma_wait3A_55 = tpu.memref_slice %arg4[%mul3A_4, %dma_wait3A_54] : memref<1280x128xi32, #tpu.memory_space<hbm>> -> memref<40x128xi32, #tpu.memory_space<hbm>>
      tpu.wait_dma2 semaphore(%run_scoped3A : memref<!tpu.dma_semaphore, #tpu.memory_space<semaphore_mem>>) src(%dma_wait3A_55 : memref<40x128xi32, #tpu.memory_space<hbm>>) dst(%arg7 : memref<40x128xi32, #tpu.memory_space<vmem>>)
      tpu.yield
    }) : () -> ()
    %mul3A_5 = arith.constant 40 : i32
    %mul3A_6 = arith.muli %add3A, %mul3A_5 : i32
    "tpu.region"() ({
      %run_scoped3A = tpu.sem_alloc : memref<!tpu.dma_semaphore, #tpu.memory_space<semaphore_mem>>
      %dma_start3A_48 = arith.constant 0 : i32
      %dma_start3A_49 = tpu.memref_slice %arg5[%mul3A_6, %dma_start3A_48] : memref<1280x128xi32, #tpu.memory_space<hbm>> -> memref<40x128xi32, #tpu.memory_space<hbm>>
      %dma_start3A_50 = arith.constant 0 : i32
      %dma_start3A_51 = tpu.memref_slice %arg5[%mul3A_6, %dma_start3A_50] : memref<1280x128xi32, #tpu.memory_space<hbm>> -> memref<40x128xi32, #tpu.memory_space<hbm>>
      tpu.enqueue_dma source(%dma_start3A_51 : memref<40x128xi32, #tpu.memory_space<hbm>>) target(%arg8 : memref<40x128xi32, #tpu.memory_space<vmem>>) target_semaphore(%run_scoped3A : memref<!tpu.dma_semaphore, #tpu.memory_space<semaphore_mem>>)
      %dma_wait3A_52 = arith.constant 0 : i32
      %dma_wait3A_53 = tpu.memref_slice %arg5[%mul3A_6, %dma_wait3A_52] : memref<1280x128xi32, #tpu.memory_space<hbm>> -> memref<40x128xi32, #tpu.memory_space<hbm>>
      %dma_wait3A_54 = arith.constant 0 : i32
      %dma_wait3A_55 = tpu.memref_slice %arg5[%mul3A_6, %dma_wait3A_54] : memref<1280x128xi32, #tpu.memory_space<hbm>> -> memref<40x128xi32, #tpu.memory_space<hbm>>
      tpu.wait_dma2 semaphore(%run_scoped3A : memref<!tpu.dma_semaphore, #tpu.memory_space<semaphore_mem>>) src(%dma_wait3A_55 : memref<40x128xi32, #tpu.memory_space<hbm>>) dst(%arg8 : memref<40x128xi32, #tpu.memory_space<vmem>>)
      tpu.yield
    }) : () -> ()
    %dma_start3A = arith.constant 0 : i32
    %dma_start3A_7 = arith.constant 0 : i32
    %dma_start3A_8 = tpu.memref_slice %arg7[%dma_start3A, %dma_start3A_7] : memref<40x128xi32, #tpu.memory_space<vmem>> -> memref<1x128xi32, #tpu.memory_space<vmem>>
    %dma_start3A_9 = tpu.memref_squeeze %dma_start3A_8 : memref<1x128xi32, #tpu.memory_space<vmem>> -> memref<128xi32, #tpu.memory_space<vmem>>
    %dma_start3A_10 = arith.constant 0 : i32
    %dma_start3A_11 = arith.constant 0 : i32
    %dma_start3A_12 = tpu.memref_slice %arg2[%dma_start3A_10, %dma_start3A_11] : memref<10000x128xf32, #tpu.memory_space<hbm>> -> memref<10000x128xf32, #tpu.memory_space<hbm>>
    tpu.enqueue_indirect_dma source(%dma_start3A_12 : memref<10000x128xf32, #tpu.memory_space<hbm>>) target(%arg9 : memref<128x128xf32, #tpu.memory_space<vmem>>) offsets(%dma_start3A_9 : memref<128xi32, #tpu.memory_space<vmem>>) semaphore(%arg15 : memref<!tpu.dma_semaphore, #tpu.memory_space<semaphore_mem>>)
    %dma_start3A_13 = arith.constant 0 : i32
    %dma_start3A_14 = arith.constant 0 : i32
    %dma_start3A_15 = tpu.memref_slice %arg8[%dma_start3A_13, %dma_start3A_14] : memref<40x128xi32, #tpu.memory_space<vmem>> -> memref<1x128xi32, #tpu.memory_space<vmem>>
    %dma_start3A_16 = tpu.memref_squeeze %dma_start3A_15 : memref<1x128xi32, #tpu.memory_space<vmem>> -> memref<128xi32, #tpu.memory_space<vmem>>
    %dma_start3A_17 = arith.constant 0 : i32
    %dma_start3A_18 = arith.constant 0 : i32
    %dma_start3A_19 = tpu.memref_slice %arg3[%dma_start3A_17, %dma_start3A_18] : memref<10000x128xf32, #tpu.memory_space<hbm>> -> memref<10000x128xf32, #tpu.memory_space<hbm>>
    tpu.enqueue_indirect_dma source(%dma_start3A_19 : memref<10000x128xf32, #tpu.memory_space<hbm>>) target(%arg11 : memref<128x128xf32, #tpu.memory_space<vmem>>) offsets(%dma_start3A_16 : memref<128xi32, #tpu.memory_space<vmem>>) semaphore(%arg15 : memref<!tpu.dma_semaphore, #tpu.memory_space<semaphore_mem>>)
    %scan3A = arith.constant 0 : i32
    %scan3A_20 = arith.constant 0 : i32
    %scan3A_21 = arith.constant 20 : i32
    %scan3A_22 = arith.addi %scan3A_20, %scan3A_21 : i32
    %scan3A_23 = arith.constant 1 : i32
    scf.for %scan3A_48 = %scan3A_20 to %scan3A_22 step %scan3A_23  : i32 {
      %mul3A_49 = arith.constant 2 : i32
      %mul3A_50 = arith.muli %scan3A_48, %mul3A_49 : i32
      %add3A_51 = arith.constant 0 : i32
      %add3A_52 = arith.addi %mul3A_50, %add3A_51 : i32
      %add3A_53 = arith.constant 1 : i32
      %add3A_54 = arith.addi %add3A_52, %add3A_53 : i32
      %rem3A = arith.constant 40 : i32
      %rem3A_55 = arith.remsi %add3A_54, %rem3A : i32
      %dma_start3A_56 = arith.constant 0 : i32
      %dma_start3A_57 = tpu.memref_slice %arg7[%rem3A_55, %dma_start3A_56] : memref<40x128xi32, #tpu.memory_space<vmem>> -> memref<1x128xi32, #tpu.memory_space<vmem>>
      %dma_start3A_58 = tpu.memref_squeeze %dma_start3A_57 : memref<1x128xi32, #tpu.memory_space<vmem>> -> memref<128xi32, #tpu.memory_space<vmem>>
      %dma_start3A_59 = arith.constant 0 : i32
      %dma_start3A_60 = arith.constant 0 : i32
      %dma_start3A_61 = tpu.memref_slice %arg2[%dma_start3A_59, %dma_start3A_60] : memref<10000x128xf32, #tpu.memory_space<hbm>> -> memref<10000x128xf32, #tpu.memory_space<hbm>>
      tpu.enqueue_indirect_dma source(%dma_start3A_61 : memref<10000x128xf32, #tpu.memory_space<hbm>>) target(%arg10 : memref<128x128xf32, #tpu.memory_space<vmem>>) offsets(%dma_start3A_58 : memref<128xi32, #tpu.memory_space<vmem>>) semaphore(%arg16 : memref<!tpu.dma_semaphore, #tpu.memory_space<semaphore_mem>>)
      %dma_start3A_62 = arith.constant 0 : i32
      %dma_start3A_63 = tpu.memref_slice %arg8[%rem3A_55, %dma_start3A_62] : memref<40x128xi32, #tpu.memory_space<vmem>> -> memref<1x128xi32, #tpu.memory_space<vmem>>
      %dma_start3A_64 = tpu.memref_squeeze %dma_start3A_63 : memref<1x128xi32, #tpu.memory_space<vmem>> -> memref<128xi32, #tpu.memory_space<vmem>>
      %dma_start3A_65 = arith.constant 0 : i32
      %dma_start3A_66 = arith.constant 0 : i32
      %dma_start3A_67 = tpu.memref_slice %arg3[%dma_start3A_65, %dma_start3A_66] : memref<10000x128xf32, #tpu.memory_space<hbm>> -> memref<10000x128xf32, #tpu.memory_space<hbm>>
      tpu.enqueue_indirect_dma source(%dma_start3A_67 : memref<10000x128xf32, #tpu.memory_space<hbm>>) target(%arg12 : memref<128x128xf32, #tpu.memory_space<vmem>>) offsets(%dma_start3A_64 : memref<128xi32, #tpu.memory_space<vmem>>) semaphore(%arg16 : memref<!tpu.dma_semaphore, #tpu.memory_space<semaphore_mem>>)
      %dma_wait3A_68 = arith.constant 0 : i32
      %dma_wait3A_69 = arith.constant 0 : i32
      %dma_wait3A_70 = tpu.memref_slice %arg2[%dma_wait3A_68, %dma_wait3A_69] : memref<10000x128xf32, #tpu.memory_space<hbm>> -> memref<128x128xf32, #tpu.memory_space<hbm>>
      %dma_wait3A_71 = arith.constant 0 : i32
      %dma_wait3A_72 = arith.constant 0 : i32
      %dma_wait3A_73 = tpu.memref_slice %arg2[%dma_wait3A_71, %dma_wait3A_72] : memref<10000x128xf32, #tpu.memory_space<hbm>> -> memref<128x128xf32, #tpu.memory_space<hbm>>
      tpu.wait_dma2 semaphore(%arg15 : memref<!tpu.dma_semaphore, #tpu.memory_space<semaphore_mem>>) src(%dma_wait3A_73 : memref<128x128xf32, #tpu.memory_space<hbm>>) dst(%arg9 : memref<128x128xf32, #tpu.memory_space<vmem>>)
      %dma_wait3A_74 = arith.constant 0 : i32
      %dma_wait3A_75 = arith.constant 0 : i32
      %dma_wait3A_76 = tpu.memref_slice %arg3[%dma_wait3A_74, %dma_wait3A_75] : memref<10000x128xf32, #tpu.memory_space<hbm>> -> memref<128x128xf32, #tpu.memory_space<hbm>>
      %dma_wait3A_77 = arith.constant 0 : i32
      %dma_wait3A_78 = arith.constant 0 : i32
      %dma_wait3A_79 = tpu.memref_slice %arg3[%dma_wait3A_77, %dma_wait3A_78] : memref<10000x128xf32, #tpu.memory_space<hbm>> -> memref<128x128xf32, #tpu.memory_space<hbm>>
      tpu.wait_dma2 semaphore(%arg15 : memref<!tpu.dma_semaphore, #tpu.memory_space<semaphore_mem>>) src(%dma_wait3A_79 : memref<128x128xf32, #tpu.memory_space<hbm>>) dst(%arg11 : memref<128x128xf32, #tpu.memory_space<vmem>>)
      %ge3A = arith.constant 2 : i32
      %ge3A_80 = arith.cmpi sge, %add3A_52, %ge3A : i32
      %convert_element_type3A = arith.extui %ge3A_80 : i1 to i32
      %cond3A = arith.constant 0 : i32
      %cond3A_81 = arith.cmpi ne, %convert_element_type3A, %cond3A : i32
      scf.if %cond3A_81 {
        %dma_wait3A_138 = arith.constant 0 : i32
        %dma_wait3A_139 = arith.constant 0 : i32
        %dma_wait3A_140 = tpu.memref_slice %arg6[%dma_wait3A_138, %dma_wait3A_139] : memref<163840x128xf32, #tpu.memory_space<hbm>> -> memref<128x128xf32, #tpu.memory_space<hbm>>
        %dma_wait3A_141 = arith.constant 0 : i32
        %dma_wait3A_142 = arith.constant 0 : i32
        %dma_wait3A_143 = tpu.memref_slice %arg6[%dma_wait3A_141, %dma_wait3A_142] : memref<163840x128xf32, #tpu.memory_space<hbm>> -> memref<128x128xf32, #tpu.memory_space<hbm>>
        tpu.wait_dma2 semaphore(%arg17 : memref<!tpu.dma_semaphore, #tpu.memory_space<semaphore_mem>>) src(%arg13 : memref<128x128xf32, #tpu.memory_space<vmem>>) dst(%dma_wait3A_143 : memref<128x128xf32, #tpu.memory_space<hbm>>)
      } else {
      }
      %parallel_loop3A = arith.constant 0 : i32
      %parallel_loop3A_82 = arith.constant 128 : i32
      %parallel_loop3A_83 = arith.constant 1 : i32
      scf.for %parallel_loop3A_138 = %parallel_loop3A to %parallel_loop3A_82 step %parallel_loop3A_83  : i32 {
        %parallel_loop3A_139 = arith.index_cast %parallel_loop3A_138 : i32 to index
        %parallel_loop3A_140 = arith.constant 0 : index
        %parallel_loop3A_141 = tpu.vector_load %arg9[%parallel_loop3A_139, %parallel_loop3A_140] {strides = array<i32>} : memref<128x128xf32, #tpu.memory_space<vmem>>, vector<1x16xf32>,
        %parallel_loop3A_142 = vector.shape_cast %parallel_loop3A_141 : vector<1x16xf32> to vector<16xf32>
        %parallel_loop3A_143 = arith.index_cast %parallel_loop3A_138 : i32 to index
        %parallel_loop3A_144 = arith.constant 0 : index
        %parallel_loop3A_145 = tpu.vector_load %arg11[%parallel_loop3A_143, %parallel_loop3A_144] {strides = array<i32>} : memref<128x128xf32, #tpu.memory_space<vmem>>, vector<1x16xf32>,
        %parallel_loop3A_146 = vector.shape_cast %parallel_loop3A_145 : vector<1x16xf32> to vector<16xf32>
        %parallel_loop3A_147 = arith.addf %parallel_loop3A_142, %parallel_loop3A_146 : vector<16xf32>
        %parallel_loop3A_148 = arith.constant 0.000000e+00 : f32
        %parallel_loop3A_149 = vector.broadcast %parallel_loop3A_148 : f32 to vector<16xf32>
        %parallel_loop3A_150 = arith.maximumf %parallel_loop3A_147, %parallel_loop3A_149 : vector<16xf32>
        %parallel_loop3A_151 = arith.index_cast %parallel_loop3A_138 : i32 to index
        %parallel_loop3A_152 = arith.constant 0 : index
        %parallel_loop3A_153 = tpu.vector_load %arg13[%parallel_loop3A_151, %parallel_loop3A_152] {strides = array<i32>} : memref<128x128xf32, #tpu.memory_space<vmem>>, vector<1x16xf32>,
        %parallel_loop3A_154 = vector.shape_cast %parallel_loop3A_153 : vector<1x16xf32> to vector<16xf32>
        %parallel_loop3A_155 = vector.shape_cast %parallel_loop3A_150 : vector<16xf32> to vector<1x16xf32>
        tpu.vector_store %arg13[%parallel_loop3A_151, %parallel_loop3A_152], %parallel_loop3A_155 {strides = array<i32>} : memref<128x128xf32, #tpu.memory_space<vmem>>, vector<1x16xf32>,
        %parallel_loop3A_156 = arith.index_cast %parallel_loop3A_138 : i32 to index
        %parallel_loop3A_157 = arith.constant 16 : index
        %parallel_loop3A_158 = tpu.vector_load %arg9[%parallel_loop3A_156, %parallel_loop3A_157] {strides = array<i32>} : memref<128x128xf32, #tpu.memory_space<vmem>>, vector<1x16xf32>,
        %parallel_loop3A_159 = vector.shape_cast %parallel_loop3A_158 : vector<1x16xf32> to vector<16xf32>
        %parallel_loop3A_160 = arith.index_cast %parallel_loop3A_138 : i32 to index
        %parallel_loop3A_161 = arith.constant 16 : index
        %parallel_loop3A_162 = tpu.vector_load %arg11[%parallel_loop3A_160, %parallel_loop3A_161] {strides = array<i32>} : memref<128x128xf32, #tpu.memory_space<vmem>>, vector<1x16xf32>,
        %parallel_loop3A_163 = vector.shape_cast %parallel_loop3A_162 : vector<1x16xf32> to vector<16xf32>
        %parallel_loop3A_164 = arith.addf %parallel_loop3A_159, %parallel_loop3A_163 : vector<16xf32>
        %parallel_loop3A_165 = arith.constant 0.000000e+00 : f32
        %parallel_loop3A_166 = vector.broadcast %parallel_loop3A_165 : f32 to vector<16xf32>
        %parallel_loop3A_167 = arith.maximumf %parallel_loop3A_164, %parallel_loop3A_166 : vector<16xf32>
        %parallel_loop3A_168 = arith.index_cast %parallel_loop3A_138 : i32 to index
        %parallel_loop3A_169 = arith.constant 16 : index
        %parallel_loop3A_170 = tpu.vector_load %arg13[%parallel_loop3A_168, %parallel_loop3A_169] {strides = array<i32>} : memref<128x128xf32, #tpu.memory_space<vmem>>, vector<1x16xf32>,
        %parallel_loop3A_171 = vector.shape_cast %parallel_loop3A_170 : vector<1x16xf32> to vector<16xf32>
        %parallel_loop3A_172 = vector.shape_cast %parallel_loop3A_167 : vector<16xf32> to vector<1x16xf32>
        tpu.vector_store %arg13[%parallel_loop3A_168, %parallel_loop3A_169], %parallel_loop3A_172 {strides = array<i32>} : memref<128x128xf32, #tpu.memory_space<vmem>>, vector<1x16xf32>,
        %parallel_loop3A_173 = arith.index_cast %parallel_loop3A_138 : i32 to index
        %parallel_loop3A_174 = arith.constant 32 : index
        %parallel_loop3A_175 = tpu.vector_load %arg9[%parallel_loop3A_173, %parallel_loop3A_174] {strides = array<i32>} : memref<128x128xf32, #tpu.memory_space<vmem>>, vector<1x16xf32>,
        %parallel_loop3A_176 = vector.shape_cast %parallel_loop3A_175 : vector<1x16xf32> to vector<16xf32>
        %parallel_loop3A_177 = arith.index_cast %parallel_loop3A_138 : i32 to index
        %parallel_loop3A_178 = arith.constant 32 : index
        %parallel_loop3A_179 = tpu.vector_load %arg11[%parallel_loop3A_177, %parallel_loop3A_178] {strides = array<i32>} : memref<128x128xf32, #tpu.memory_space<vmem>>, vector<1x16xf32>,
        %parallel_loop3A_180 = vector.shape_cast %parallel_loop3A_179 : vector<1x16xf32> to vector<16xf32>
        %parallel_loop3A_181 = arith.addf %parallel_loop3A_176, %parallel_loop3A_180 : vector<16xf32>
        %parallel_loop3A_182 = arith.constant 0.000000e+00 : f32
        %parallel_loop3A_183 = vector.broadcast %parallel_loop3A_182 : f32 to vector<16xf32>
        %parallel_loop3A_184 = arith.maximumf %parallel_loop3A_181, %parallel_loop3A_183 : vector<16xf32>
        %parallel_loop3A_185 = arith.index_cast %parallel_loop3A_138 : i32 to index
        %parallel_loop3A_186 = arith.constant 32 : index
        %parallel_loop3A_187 = tpu.vector_load %arg13[%parallel_loop3A_185, %parallel_loop3A_186] {strides = array<i32>} : memref<128x128xf32, #tpu.memory_space<vmem>>, vector<1x16xf32>,
        %parallel_loop3A_188 = vector.shape_cast %parallel_loop3A_187 : vector<1x16xf32> to vector<16xf32>
        %parallel_loop3A_189 = vector.shape_cast %parallel_loop3A_184 : vector<16xf32> to vector<1x16xf32>
        tpu.vector_store %arg13[%parallel_loop3A_185, %parallel_loop3A_186], %parallel_loop3A_189 {strides = array<i32>} : memref<128x128xf32, #tpu.memory_space<vmem>>, vector<1x16xf32>,
        %parallel_loop3A_190 = arith.index_cast %parallel_loop3A_138 : i32 to index
        %parallel_loop3A_191 = arith.constant 48 : index
        %parallel_loop3A_192 = tpu.vector_load %arg9[%parallel_loop3A_190, %parallel_loop3A_191] {strides = array<i32>} : memref<128x128xf32, #tpu.memory_space<vmem>>, vector<1x16xf32>,
        %parallel_loop3A_193 = vector.shape_cast %parallel_loop3A_192 : vector<1x16xf32> to vector<16xf32>
        %parallel_loop3A_194 = arith.index_cast %parallel_loop3A_138 : i32 to index
        %parallel_loop3A_195 = arith.constant 48 : index
        %parallel_loop3A_196 = tpu.vector_load %arg11[%parallel_loop3A_194, %parallel_loop3A_195] {strides = array<i32>} : memref<128x128xf32, #tpu.memory_space<vmem>>, vector<1x16xf32>,
        %parallel_loop3A_197 = vector.shape_cast %parallel_loop3A_196 : vector<1x16xf32> to vector<16xf32>
        %parallel_loop3A_198 = arith.addf %parallel_loop3A_193, %parallel_loop3A_197 : vector<16xf32>
        %parallel_loop3A_199 = arith.constant 0.000000e+00 : f32
        %parallel_loop3A_200 = vector.broadcast %parallel_loop3A_199 : f32 to vector<16xf32>
        %parallel_loop3A_201 = arith.maximumf %parallel_loop3A_198, %parallel_loop3A_200 : vector<16xf32>
        %parallel_loop3A_202 = arith.index_cast %parallel_loop3A_138 : i32 to index
        %parallel_loop3A_203 = arith.constant 48 : index
        %parallel_loop3A_204 = tpu.vector_load %arg13[%parallel_loop3A_202, %parallel_loop3A_203] {strides = array<i32>} : memref<128x128xf32, #tpu.memory_space<vmem>>, vector<1x16xf32>,
        %parallel_loop3A_205 = vector.shape_cast %parallel_loop3A_204 : vector<1x16xf32> to vector<16xf32>
        %parallel_loop3A_206 = vector.shape_cast %parallel_loop3A_201 : vector<16xf32> to vector<1x16xf32>
        tpu.vector_store %arg13[%parallel_loop3A_202, %parallel_loop3A_203], %parallel_loop3A_206 {strides = array<i32>} : memref<128x128xf32, #tpu.memory_space<vmem>>, vector<1x16xf32>,
        %parallel_loop3A_207 = arith.index_cast %parallel_loop3A_138 : i32 to index
        %parallel_loop3A_208 = arith.constant 64 : index
        %parallel_loop3A_209 = tpu.vector_load %arg9[%parallel_loop3A_207, %parallel_loop3A_208] {strides = array<i32>} : memref<128x128xf32, #tpu.memory_space<vmem>>, vector<1x16xf32>,
        %parallel_loop3A_210 = vector.shape_cast %parallel_loop3A_209 : vector<1x16xf32> to vector<16xf32>
        %parallel_loop3A_211 = arith.index_cast %parallel_loop3A_138 : i32 to index
        %parallel_loop3A_212 = arith.constant 64 : index
        %parallel_loop3A_213 = tpu.vector_load %arg11[%parallel_loop3A_211, %parallel_loop3A_212] {strides = array<i32>} : memref<128x128xf32, #tpu.memory_space<vmem>>, vector<1x16xf32>,
        %parallel_loop3A_214 = vector.shape_cast %parallel_loop3A_213 : vector<1x16xf32> to vector<16xf32>
        %parallel_loop3A_215 = arith.addf %parallel_loop3A_210, %parallel_loop3A_214 : vector<16xf32>
        %parallel_loop3A_216 = arith.constant 0.000000e+00 : f32
        %parallel_loop3A_217 = vector.broadcast %parallel_loop3A_216 : f32 to vector<16xf32>
        %parallel_loop3A_218 = arith.maximumf %parallel_loop3A_215, %parallel_loop3A_217 : vector<16xf32>
        %parallel_loop3A_219 = arith.index_cast %parallel_loop3A_138 : i32 to index
        %parallel_loop3A_220 = arith.constant 64 : index
        %parallel_loop3A_221 = tpu.vector_load %arg13[%parallel_loop3A_219, %parallel_loop3A_220] {strides = array<i32>} : memref<128x128xf32, #tpu.memory_space<vmem>>, vector<1x16xf32>,
        %parallel_loop3A_222 = vector.shape_cast %parallel_loop3A_221 : vector<1x16xf32> to vector<16xf32>
        %parallel_loop3A_223 = vector.shape_cast %parallel_loop3A_218 : vector<16xf32> to vector<1x16xf32>
        tpu.vector_store %arg13[%parallel_loop3A_219, %parallel_loop3A_220], %parallel_loop3A_223 {strides = array<i32>} : memref<128x128xf32, #tpu.memory_space<vmem>>, vector<1x16xf32>,
        %parallel_loop3A_224 = arith.index_cast %parallel_loop3A_138 : i32 to index
        %parallel_loop3A_225 = arith.constant 80 : index
        %parallel_loop3A_226 = tpu.vector_load %arg9[%parallel_loop3A_224, %parallel_loop3A_225] {strides = array<i32>} : memref<128x128xf32, #tpu.memory_space<vmem>>, vector<1x16xf32>,
        %parallel_loop3A_227 = vector.shape_cast %parallel_loop3A_226 : vector<1x16xf32> to vector<16xf32>
        %parallel_loop3A_228 = arith.index_cast %parallel_loop3A_138 : i32 to index
        %parallel_loop3A_229 = arith.constant 80 : index
        %parallel_loop3A_230 = tpu.vector_load %arg11[%parallel_loop3A_228, %parallel_loop3A_229] {strides = array<i32>} : memref<128x128xf32, #tpu.memory_space<vmem>>, vector<1x16xf32>,
        %parallel_loop3A_231 = vector.shape_cast %parallel_loop3A_230 : vector<1x16xf32> to vector<16xf32>
        %parallel_loop3A_232 = arith.addf %parallel_loop3A_227, %parallel_loop3A_231 : vector<16xf32>
        %parallel_loop3A_233 = arith.constant 0.000000e+00 : f32
        %parallel_loop3A_234 = vector.broadcast %parallel_loop3A_233 : f32 to vector<16xf32>
        %parallel_loop3A_235 = arith.maximumf %parallel_loop3A_232, %parallel_loop3A_234 : vector<16xf32>
        %parallel_loop3A_236 = arith.index_cast %parallel_loop3A_138 : i32 to index
        %parallel_loop3A_237 = arith.constant 80 : index
        %parallel_loop3A_238 = tpu.vector_load %arg13[%parallel_loop3A_236, %parallel_loop3A_237] {strides = array<i32>} : memref<128x128xf32, #tpu.memory_space<vmem>>, vector<1x16xf32>,
        %parallel_loop3A_239 = vector.shape_cast %parallel_loop3A_238 : vector<1x16xf32> to vector<16xf32>
        %parallel_loop3A_240 = vector.shape_cast %parallel_loop3A_235 : vector<16xf32> to vector<1x16xf32>
        tpu.vector_store %arg13[%parallel_loop3A_236, %parallel_loop3A_237], %parallel_loop3A_240 {strides = array<i32>} : memref<128x128xf32, #tpu.memory_space<vmem>>, vector<1x16xf32>,
        %parallel_loop3A_241 = arith.index_cast %parallel_loop3A_138 : i32 to index
        %parallel_loop3A_242 = arith.constant 96 : index
        %parallel_loop3A_243 = tpu.vector_load %arg9[%parallel_loop3A_241, %parallel_loop3A_242] {strides = array<i32>} : memref<128x128xf32, #tpu.memory_space<vmem>>, vector<1x16xf32>,
        %parallel_loop3A_244 = vector.shape_cast %parallel_loop3A_243 : vector<1x16xf32> to vector<16xf32>
        %parallel_loop3A_245 = arith.index_cast %parallel_loop3A_138 : i32 to index
        %parallel_loop3A_246 = arith.constant 96 : index
        %parallel_loop3A_247 = tpu.vector_load %arg11[%parallel_loop3A_245, %parallel_loop3A_246] {strides = array<i32>} : memref<128x128xf32, #tpu.memory_space<vmem>>, vector<1x16xf32>,
        %parallel_loop3A_248 = vector.shape_cast %parallel_loop3A_247 : vector<1x16xf32> to vector<16xf32>
        %parallel_loop3A_249 = arith.addf %parallel_loop3A_244, %parallel_loop3A_248 : vector<16xf32>
        %parallel_loop3A_250 = arith.constant 0.000000e+00 : f32
        %parallel_loop3A_251 = vector.broadcast %parallel_loop3A_250 : f32 to vector<16xf32>
        %parallel_loop3A_252 = arith.maximumf %parallel_loop3A_249, %parallel_loop3A_251 : vector<16xf32>
        %parallel_loop3A_253 = arith.index_cast %parallel_loop3A_138 : i32 to index
        %parallel_loop3A_254 = arith.constant 96 : index
        %parallel_loop3A_255 = tpu.vector_load %arg13[%parallel_loop3A_253, %parallel_loop3A_254] {strides = array<i32>} : memref<128x128xf32, #tpu.memory_space<vmem>>, vector<1x16xf32>,
        %parallel_loop3A_256 = vector.shape_cast %parallel_loop3A_255 : vector<1x16xf32> to vector<16xf32>
        %parallel_loop3A_257 = vector.shape_cast %parallel_loop3A_252 : vector<16xf32> to vector<1x16xf32>
        tpu.vector_store %arg13[%parallel_loop3A_253, %parallel_loop3A_254], %parallel_loop3A_257 {strides = array<i32>} : memref<128x128xf32, #tpu.memory_space<vmem>>, vector<1x16xf32>,
        %parallel_loop3A_258 = arith.index_cast %parallel_loop3A_138 : i32 to index
        %parallel_loop3A_259 = arith.constant 112 : index
        %parallel_loop3A_260 = tpu.vector_load %arg9[%parallel_loop3A_258, %parallel_loop3A_259] {strides = array<i32>} : memref<128x128xf32, #tpu.memory_space<vmem>>, vector<1x16xf32>,
        %parallel_loop3A_261 = vector.shape_cast %parallel_loop3A_260 : vector<1x16xf32> to vector<16xf32>
        %parallel_loop3A_262 = arith.index_cast %parallel_loop3A_138 : i32 to index
        %parallel_loop3A_263 = arith.constant 112 : index
        %parallel_loop3A_264 = tpu.vector_load %arg11[%parallel_loop3A_262, %parallel_loop3A_263] {strides = array<i32>} : memref<128x128xf32, #tpu.memory_space<vmem>>, vector<1x16xf32>,
        %parallel_loop3A_265 = vector.shape_cast %parallel_loop3A_264 : vector<1x16xf32> to vector<16xf32>
        %parallel_loop3A_266 = arith.addf %parallel_loop3A_261, %parallel_loop3A_265 : vector<16xf32>
        %parallel_loop3A_267 = arith.constant 0.000000e+00 : f32
        %parallel_loop3A_268 = vector.broadcast %parallel_loop3A_267 : f32 to vector<16xf32>
        %parallel_loop3A_269 = arith.maximumf %parallel_loop3A_266, %parallel_loop3A_268 : vector<16xf32>
        %parallel_loop3A_270 = arith.index_cast %parallel_loop3A_138 : i32 to index
        %parallel_loop3A_271 = arith.constant 112 : index
        %parallel_loop3A_272 = tpu.vector_load %arg13[%parallel_loop3A_270, %parallel_loop3A_271] {strides = array<i32>} : memref<128x128xf32, #tpu.memory_space<vmem>>, vector<1x16xf32>,
        %parallel_loop3A_273 = vector.shape_cast %parallel_loop3A_272 : vector<1x16xf32> to vector<16xf32>
        %parallel_loop3A_274 = vector.shape_cast %parallel_loop3A_269 : vector<16xf32> to vector<1x16xf32>
        tpu.vector_store %arg13[%parallel_loop3A_270, %parallel_loop3A_271], %parallel_loop3A_274 {strides = array<i32>} : memref<128x128xf32, #tpu.memory_space<vmem>>, vector<1x16xf32>,
      } {sc.loop_unroll_factor = 4 : i64, sc.parallel_access}
      %mul3A_84 = arith.constant 128 : i32
      %mul3A_85 = arith.muli %add3A_52, %mul3A_84 : i32
      %add3A_86 = arith.addi %mul3A_2, %mul3A_85 : i32
      %dma_start3A_87 = arith.constant 0 : i32
      %dma_start3A_88 = tpu.memref_slice %arg6[%add3A_86, %dma_start3A_87] : memref<163840x128xf32, #tpu.memory_space<hbm>> -> memref<128x128xf32, #tpu.memory_space<hbm>>
      %dma_start3A_89 = arith.constant 0 : i32
      %dma_start3A_90 = tpu.memref_slice %arg6[%add3A_86, %dma_start3A_89] : memref<163840x128xf32, #tpu.memory_space<hbm>> -> memref<128x128xf32, #tpu.memory_space<hbm>>
      tpu.enqueue_dma source(%arg13 : memref<128x128xf32, #tpu.memory_space<vmem>>) target(%dma_start3A_90 : memref<128x128xf32, #tpu.memory_space<hbm>>) target_semaphore(%arg17 : memref<!tpu.dma_semaphore, #tpu.memory_space<semaphore_mem>>)
      %mul3A_91 = arith.constant 2 : i32
      %mul3A_92 = arith.muli %scan3A_48, %mul3A_91 : i32
      %add3A_93 = arith.constant 1 : i32
      %add3A_94 = arith.addi %mul3A_92, %add3A_93 : i32
      %add3A_95 = arith.constant 1 : i32
      %add3A_96 = arith.addi %add3A_94, %add3A_95 : i32
      %rem3A_97 = arith.constant 40 : i32
      %rem3A_98 = arith.remsi %add3A_96, %rem3A_97 : i32
      %dma_start3A_99 = arith.constant 0 : i32
      %dma_start3A_100 = tpu.memref_slice %arg7[%rem3A_98, %dma_start3A_99] : memref<40x128xi32, #tpu.memory_space<vmem>> -> memref<1x128xi32, #tpu.memory_space<vmem>>
      %dma_start3A_101 = tpu.memref_squeeze %dma_start3A_100 : memref<1x128xi32, #tpu.memory_space<vmem>> -> memref<128xi32, #tpu.memory_space<vmem>>
      %dma_start3A_102 = arith.constant 0 : i32
      %dma_start3A_103 = arith.constant 0 : i32
      %dma_start3A_104 = tpu.memref_slice %arg2[%dma_start3A_102, %dma_start3A_103] : memref<10000x128xf32, #tpu.memory_space<hbm>> -> memref<10000x128xf32, #tpu.memory_space<hbm>>
      tpu.enqueue_indirect_dma source(%dma_start3A_104 : memref<10000x128xf32, #tpu.memory_space<hbm>>) target(%arg9 : memref<128x128xf32, #tpu.memory_space<vmem>>) offsets(%dma_start3A_101 : memref<128xi32, #tpu.memory_space<vmem>>) semaphore(%arg15 : memref<!tpu.dma_semaphore, #tpu.memory_space<semaphore_mem>>)
      %dma_start3A_105 = arith.constant 0 : i32
      %dma_start3A_106 = tpu.memref_slice %arg8[%rem3A_98, %dma_start3A_105] : memref<40x128xi32, #tpu.memory_space<vmem>> -> memref<1x128xi32, #tpu.memory_space<vmem>>
      %dma_start3A_107 = tpu.memref_squeeze %dma_start3A_106 : memref<1x128xi32, #tpu.memory_space<vmem>> -> memref<128xi32, #tpu.memory_space<vmem>>
      %dma_start3A_108 = arith.constant 0 : i32
      %dma_start3A_109 = arith.constant 0 : i32
      %dma_start3A_110 = tpu.memref_slice %arg3[%dma_start3A_108, %dma_start3A_109] : memref<10000x128xf32, #tpu.memory_space<hbm>> -> memref<10000x128xf32, #tpu.memory_space<hbm>>
      tpu.enqueue_indirect_dma source(%dma_start3A_110 : memref<10000x128xf32, #tpu.memory_space<hbm>>) target(%arg11 : memref<128x128xf32, #tpu.memory_space<vmem>>) offsets(%dma_start3A_107 : memref<128xi32, #tpu.memory_space<vmem>>) semaphore(%arg15 : memref<!tpu.dma_semaphore, #tpu.memory_space<semaphore_mem>>)
      %dma_wait3A_111 = arith.constant 0 : i32
      %dma_wait3A_112 = arith.constant 0 : i32
      %dma_wait3A_113 = tpu.memref_slice %arg2[%dma_wait3A_111, %dma_wait3A_112] : memref<10000x128xf32, #tpu.memory_space<hbm>> -> memref<128x128xf32, #tpu.memory_space<hbm>>
      %dma_wait3A_114 = arith.constant 0 : i32
      %dma_wait3A_115 = arith.constant 0 : i32
      %dma_wait3A_116 = tpu.memref_slice %arg2[%dma_wait3A_114, %dma_wait3A_115] : memref<10000x128xf32, #tpu.memory_space<hbm>> -> memref<128x128xf32, #tpu.memory_space<hbm>>
      tpu.wait_dma2 semaphore(%arg16 : memref<!tpu.dma_semaphore, #tpu.memory_space<semaphore_mem>>) src(%dma_wait3A_116 : memref<128x128xf32, #tpu.memory_space<hbm>>) dst(%arg10 : memref<128x128xf32, #tpu.memory_space<vmem>>)
      %dma_wait3A_117 = arith.constant 0 : i32
      %dma_wait3A_118 = arith.constant 0 : i32
      %dma_wait3A_119 = tpu.memref_slice %arg3[%dma_wait3A_117, %dma_wait3A_118] : memref<10000x128xf32, #tpu.memory_space<hbm>> -> memref<128x128xf32, #tpu.memory_space<hbm>>
      %dma_wait3A_120 = arith.constant 0 : i32
      %dma_wait3A_121 = arith.constant 0 : i32
      %dma_wait3A_122 = tpu.memref_slice %arg3[%dma_wait3A_120, %dma_wait3A_121] : memref<10000x128xf32, #tpu.memory_space<hbm>> -> memref<128x128xf32, #tpu.memory_space<hbm>>
      tpu.wait_dma2 semaphore(%arg16 : memref<!tpu.dma_semaphore, #tpu.memory_space<semaphore_mem>>) src(%dma_wait3A_122 : memref<128x128xf32, #tpu.memory_space<hbm>>) dst(%arg12 : memref<128x128xf32, #tpu.memory_space<vmem>>)
      %ge3A_123 = arith.constant 2 : i32
      %ge3A_124 = arith.cmpi sge, %add3A_94, %ge3A_123 : i32
      %convert_element_type3A_125 = arith.extui %ge3A_124 : i1 to i32
      %cond3A_126 = arith.constant 0 : i32
      %cond3A_127 = arith.cmpi ne, %convert_element_type3A_125, %cond3A_126 : i32
      scf.if %cond3A_127 {
        %dma_wait3A_138 = arith.constant 0 : i32
        %dma_wait3A_139 = arith.constant 0 : i32
        %dma_wait3A_140 = tpu.memref_slice %arg6[%dma_wait3A_138, %dma_wait3A_139] : memref<163840x128xf32, #tpu.memory_space<hbm>> -> memref<128x128xf32, #tpu.memory_space<hbm>>
        %dma_wait3A_141 = arith.constant 0 : i32
        %dma_wait3A_142 = arith.constant 0 : i32
        %dma_wait3A_143 = tpu.memref_slice %arg6[%dma_wait3A_141, %dma_wait3A_142] : memref<163840x128xf32, #tpu.memory_space<hbm>> -> memref<128x128xf32, #tpu.memory_space<hbm>>
        tpu.wait_dma2 semaphore(%arg18 : memref<!tpu.dma_semaphore, #tpu.memory_space<semaphore_mem>>) src(%arg14 : memref<128x128xf32, #tpu.memory_space<vmem>>) dst(%dma_wait3A_143 : memref<128x128xf32, #tpu.memory_space<hbm>>)
      } else {
      }
      %parallel_loop3A_128 = arith.constant 0 : i32
      %parallel_loop3A_129 = arith.constant 128 : i32
      %parallel_loop3A_130 = arith.constant 1 : i32
      scf.for %parallel_loop3A_138 = %parallel_loop3A_128 to %parallel_loop3A_129 step %parallel_loop3A_130  : i32 {
        %parallel_loop3A_139 = arith.index_cast %parallel_loop3A_138 : i32 to index
        %parallel_loop3A_140 = arith.constant 0 : index
        %parallel_loop3A_141 = tpu.vector_load %arg10[%parallel_loop3A_139, %parallel_loop3A_140] {strides = array<i32>} : memref<128x128xf32, #tpu.memory_space<vmem>>, vector<1x16xf32>,
        %parallel_loop3A_142 = vector.shape_cast %parallel_loop3A_141 : vector<1x16xf32> to vector<16xf32>
        %parallel_loop3A_143 = arith.index_cast %parallel_loop3A_138 : i32 to index
        %parallel_loop3A_144 = arith.constant 0 : index
        %parallel_loop3A_145 = tpu.vector_load %arg12[%parallel_loop3A_143, %parallel_loop3A_144] {strides = array<i32>} : memref<128x128xf32, #tpu.memory_space<vmem>>, vector<1x16xf32>,
        %parallel_loop3A_146 = vector.shape_cast %parallel_loop3A_145 : vector<1x16xf32> to vector<16xf32>
        %parallel_loop3A_147 = arith.addf %parallel_loop3A_142, %parallel_loop3A_146 : vector<16xf32>
        %parallel_loop3A_148 = arith.constant 0.000000e+00 : f32
        %parallel_loop3A_149 = vector.broadcast %parallel_loop3A_148 : f32 to vector<16xf32>
        %parallel_loop3A_150 = arith.maximumf %parallel_loop3A_147, %parallel_loop3A_149 : vector<16xf32>
        %parallel_loop3A_151 = arith.index_cast %parallel_loop3A_138 : i32 to index
        %parallel_loop3A_152 = arith.constant 0 : index
        %parallel_loop3A_153 = tpu.vector_load %arg14[%parallel_loop3A_151, %parallel_loop3A_152] {strides = array<i32>} : memref<128x128xf32, #tpu.memory_space<vmem>>, vector<1x16xf32>,
        %parallel_loop3A_154 = vector.shape_cast %parallel_loop3A_153 : vector<1x16xf32> to vector<16xf32>
        %parallel_loop3A_155 = vector.shape_cast %parallel_loop3A_150 : vector<16xf32> to vector<1x16xf32>
        tpu.vector_store %arg14[%parallel_loop3A_151, %parallel_loop3A_152], %parallel_loop3A_155 {strides = array<i32>} : memref<128x128xf32, #tpu.memory_space<vmem>>, vector<1x16xf32>,
        %parallel_loop3A_156 = arith.index_cast %parallel_loop3A_138 : i32 to index
        %parallel_loop3A_157 = arith.constant 16 : index
        %parallel_loop3A_158 = tpu.vector_load %arg10[%parallel_loop3A_156, %parallel_loop3A_157] {strides = array<i32>} : memref<128x128xf32, #tpu.memory_space<vmem>>, vector<1x16xf32>,
        %parallel_loop3A_159 = vector.shape_cast %parallel_loop3A_158 : vector<1x16xf32> to vector<16xf32>
        %parallel_loop3A_160 = arith.index_cast %parallel_loop3A_138 : i32 to index
        %parallel_loop3A_161 = arith.constant 16 : index
        %parallel_loop3A_162 = tpu.vector_load %arg12[%parallel_loop3A_160, %parallel_loop3A_161] {strides = array<i32>} : memref<128x128xf32, #tpu.memory_space<vmem>>, vector<1x16xf32>,
        %parallel_loop3A_163 = vector.shape_cast %parallel_loop3A_162 : vector<1x16xf32> to vector<16xf32>
        %parallel_loop3A_164 = arith.addf %parallel_loop3A_159, %parallel_loop3A_163 : vector<16xf32>
        %parallel_loop3A_165 = arith.constant 0.000000e+00 : f32
        %parallel_loop3A_166 = vector.broadcast %parallel_loop3A_165 : f32 to vector<16xf32>
        %parallel_loop3A_167 = arith.maximumf %parallel_loop3A_164, %parallel_loop3A_166 : vector<16xf32>
        %parallel_loop3A_168 = arith.index_cast %parallel_loop3A_138 : i32 to index
        %parallel_loop3A_169 = arith.constant 16 : index
        %parallel_loop3A_170 = tpu.vector_load %arg14[%parallel_loop3A_168, %parallel_loop3A_169] {strides = array<i32>} : memref<128x128xf32, #tpu.memory_space<vmem>>, vector<1x16xf32>,
        %parallel_loop3A_171 = vector.shape_cast %parallel_loop3A_170 : vector<1x16xf32> to vector<16xf32>
        %parallel_loop3A_172 = vector.shape_cast %parallel_loop3A_167 : vector<16xf32> to vector<1x16xf32>
        tpu.vector_store %arg14[%parallel_loop3A_168, %parallel_loop3A_169], %parallel_loop3A_172 {strides = array<i32>} : memref<128x128xf32, #tpu.memory_space<vmem>>, vector<1x16xf32>,
        %parallel_loop3A_173 = arith.index_cast %parallel_loop3A_138 : i32 to index
        %parallel_loop3A_174 = arith.constant 32 : index
        %parallel_loop3A_175 = tpu.vector_load %arg10[%parallel_loop3A_173, %parallel_loop3A_174] {strides = array<i32>} : memref<128x128xf32, #tpu.memory_space<vmem>>, vector<1x16xf32>,
        %parallel_loop3A_176 = vector.shape_cast %parallel_loop3A_175 : vector<1x16xf32> to vector<16xf32>
        %parallel_loop3A_177 = arith.index_cast %parallel_loop3A_138 : i32 to index
        %parallel_loop3A_178 = arith.constant 32 : index
        %parallel_loop3A_179 = tpu.vector_load %arg12[%parallel_loop3A_177, %parallel_loop3A_178] {strides = array<i32>} : memref<128x128xf32, #tpu.memory_space<vmem>>, vector<1x16xf32>,
        %parallel_loop3A_180 = vector.shape_cast %parallel_loop3A_179 : vector<1x16xf32> to vector<16xf32>
        %parallel_loop3A_181 = arith.addf %parallel_loop3A_176, %parallel_loop3A_180 : vector<16xf32>
        %parallel_loop3A_182 = arith.constant 0.000000e+00 : f32
        %parallel_loop3A_183 = vector.broadcast %parallel_loop3A_182 : f32 to vector<16xf32>
        %parallel_loop3A_184 = arith.maximumf %parallel_loop3A_181, %parallel_loop3A_183 : vector<16xf32>
        %parallel_loop3A_185 = arith.index_cast %parallel_loop3A_138 : i32 to index
        %parallel_loop3A_186 = arith.constant 32 : index
        %parallel_loop3A_187 = tpu.vector_load %arg14[%parallel_loop3A_185, %parallel_loop3A_186] {strides = array<i32>} : memref<128x128xf32, #tpu.memory_space<vmem>>, vector<1x16xf32>,
        %parallel_loop3A_188 = vector.shape_cast %parallel_loop3A_187 : vector<1x16xf32> to vector<16xf32>
        %parallel_loop3A_189 = vector.shape_cast %parallel_loop3A_184 : vector<16xf32> to vector<1x16xf32>
        tpu.vector_store %arg14[%parallel_loop3A_185, %parallel_loop3A_186], %parallel_loop3A_189 {strides = array<i32>} : memref<128x128xf32, #tpu.memory_space<vmem>>, vector<1x16xf32>,
        %parallel_loop3A_190 = arith.index_cast %parallel_loop3A_138 : i32 to index
        %parallel_loop3A_191 = arith.constant 48 : index
        %parallel_loop3A_192 = tpu.vector_load %arg10[%parallel_loop3A_190, %parallel_loop3A_191] {strides = array<i32>} : memref<128x128xf32, #tpu.memory_space<vmem>>, vector<1x16xf32>,
        %parallel_loop3A_193 = vector.shape_cast %parallel_loop3A_192 : vector<1x16xf32> to vector<16xf32>
        %parallel_loop3A_194 = arith.index_cast %parallel_loop3A_138 : i32 to index
        %parallel_loop3A_195 = arith.constant 48 : index
        %parallel_loop3A_196 = tpu.vector_load %arg12[%parallel_loop3A_194, %parallel_loop3A_195] {strides = array<i32>} : memref<128x128xf32, #tpu.memory_space<vmem>>, vector<1x16xf32>,
        %parallel_loop3A_197 = vector.shape_cast %parallel_loop3A_196 : vector<1x16xf32> to vector<16xf32>
        %parallel_loop3A_198 = arith.addf %parallel_loop3A_193, %parallel_loop3A_197 : vector<16xf32>
        %parallel_loop3A_199 = arith.constant 0.000000e+00 : f32
        %parallel_loop3A_200 = vector.broadcast %parallel_loop3A_199 : f32 to vector<16xf32>
        %parallel_loop3A_201 = arith.maximumf %parallel_loop3A_198, %parallel_loop3A_200 : vector<16xf32>
        %parallel_loop3A_202 = arith.index_cast %parallel_loop3A_138 : i32 to index
        %parallel_loop3A_203 = arith.constant 48 : index
        %parallel_loop3A_204 = tpu.vector_load %arg14[%parallel_loop3A_202, %parallel_loop3A_203] {strides = array<i32>} : memref<128x128xf32, #tpu.memory_space<vmem>>, vector<1x16xf32>,
        %parallel_loop3A_205 = vector.shape_cast %parallel_loop3A_204 : vector<1x16xf32> to vector<16xf32>
        %parallel_loop3A_206 = vector.shape_cast %parallel_loop3A_201 : vector<16xf32> to vector<1x16xf32>
        tpu.vector_store %arg14[%parallel_loop3A_202, %parallel_loop3A_203], %parallel_loop3A_206 {strides = array<i32>} : memref<128x128xf32, #tpu.memory_space<vmem>>, vector<1x16xf32>,
        %parallel_loop3A_207 = arith.index_cast %parallel_loop3A_138 : i32 to index
        %parallel_loop3A_208 = arith.constant 64 : index
        %parallel_loop3A_209 = tpu.vector_load %arg10[%parallel_loop3A_207, %parallel_loop3A_208] {strides = array<i32>} : memref<128x128xf32, #tpu.memory_space<vmem>>, vector<1x16xf32>,
        %parallel_loop3A_210 = vector.shape_cast %parallel_loop3A_209 : vector<1x16xf32> to vector<16xf32>
        %parallel_loop3A_211 = arith.index_cast %parallel_loop3A_138 : i32 to index
        %parallel_loop3A_212 = arith.constant 64 : index
        %parallel_loop3A_213 = tpu.vector_load %arg12[%parallel_loop3A_211, %parallel_loop3A_212] {strides = array<i32>} : memref<128x128xf32, #tpu.memory_space<vmem>>, vector<1x16xf32>,
        %parallel_loop3A_214 = vector.shape_cast %parallel_loop3A_213 : vector<1x16xf32> to vector<16xf32>
        %parallel_loop3A_215 = arith.addf %parallel_loop3A_210, %parallel_loop3A_214 : vector<16xf32>
        %parallel_loop3A_216 = arith.constant 0.000000e+00 : f32
        %parallel_loop3A_217 = vector.broadcast %parallel_loop3A_216 : f32 to vector<16xf32>
        %parallel_loop3A_218 = arith.maximumf %parallel_loop3A_215, %parallel_loop3A_217 : vector<16xf32>
        %parallel_loop3A_219 = arith.index_cast %parallel_loop3A_138 : i32 to index
        %parallel_loop3A_220 = arith.constant 64 : index
        %parallel_loop3A_221 = tpu.vector_load %arg14[%parallel_loop3A_219, %parallel_loop3A_220] {strides = array<i32>} : memref<128x128xf32, #tpu.memory_space<vmem>>, vector<1x16xf32>,
        %parallel_loop3A_222 = vector.shape_cast %parallel_loop3A_221 : vector<1x16xf32> to vector<16xf32>
        %parallel_loop3A_223 = vector.shape_cast %parallel_loop3A_218 : vector<16xf32> to vector<1x16xf32>
        tpu.vector_store %arg14[%parallel_loop3A_219, %parallel_loop3A_220], %parallel_loop3A_223 {strides = array<i32>} : memref<128x128xf32, #tpu.memory_space<vmem>>, vector<1x16xf32>,
        %parallel_loop3A_224 = arith.index_cast %parallel_loop3A_138 : i32 to index
        %parallel_loop3A_225 = arith.constant 80 : index
        %parallel_loop3A_226 = tpu.vector_load %arg10[%parallel_loop3A_224, %parallel_loop3A_225] {strides = array<i32>} : memref<128x128xf32, #tpu.memory_space<vmem>>, vector<1x16xf32>,
        %parallel_loop3A_227 = vector.shape_cast %parallel_loop3A_226 : vector<1x16xf32> to vector<16xf32>
        %parallel_loop3A_228 = arith.index_cast %parallel_loop3A_138 : i32 to index
        %parallel_loop3A_229 = arith.constant 80 : index
        %parallel_loop3A_230 = tpu.vector_load %arg12[%parallel_loop3A_228, %parallel_loop3A_229] {strides = array<i32>} : memref<128x128xf32, #tpu.memory_space<vmem>>, vector<1x16xf32>,
        %parallel_loop3A_231 = vector.shape_cast %parallel_loop3A_230 : vector<1x16xf32> to vector<16xf32>
        %parallel_loop3A_232 = arith.addf %parallel_loop3A_227, %parallel_loop3A_231 : vector<16xf32>
        %parallel_loop3A_233 = arith.constant 0.000000e+00 : f32
        %parallel_loop3A_234 = vector.broadcast %parallel_loop3A_233 : f32 to vector<16xf32>
        %parallel_loop3A_235 = arith.maximumf %parallel_loop3A_232, %parallel_loop3A_234 : vector<16xf32>
        %parallel_loop3A_236 = arith.index_cast %parallel_loop3A_138 : i32 to index
        %parallel_loop3A_237 = arith.constant 80 : index
        %parallel_loop3A_238 = tpu.vector_load %arg14[%parallel_loop3A_236, %parallel_loop3A_237] {strides = array<i32>} : memref<128x128xf32, #tpu.memory_space<vmem>>, vector<1x16xf32>,
        %parallel_loop3A_239 = vector.shape_cast %parallel_loop3A_238 : vector<1x16xf32> to vector<16xf32>
        %parallel_loop3A_240 = vector.shape_cast %parallel_loop3A_235 : vector<16xf32> to vector<1x16xf32>
        tpu.vector_store %arg14[%parallel_loop3A_236, %parallel_loop3A_237], %parallel_loop3A_240 {strides = array<i32>} : memref<128x128xf32, #tpu.memory_space<vmem>>, vector<1x16xf32>,
        %parallel_loop3A_241 = arith.index_cast %parallel_loop3A_138 : i32 to index
        %parallel_loop3A_242 = arith.constant 96 : index
        %parallel_loop3A_243 = tpu.vector_load %arg10[%parallel_loop3A_241, %parallel_loop3A_242] {strides = array<i32>} : memref<128x128xf32, #tpu.memory_space<vmem>>, vector<1x16xf32>,
        %parallel_loop3A_244 = vector.shape_cast %parallel_loop3A_243 : vector<1x16xf32> to vector<16xf32>
        %parallel_loop3A_245 = arith.index_cast %parallel_loop3A_138 : i32 to index
        %parallel_loop3A_246 = arith.constant 96 : index
        %parallel_loop3A_247 = tpu.vector_load %arg12[%parallel_loop3A_245, %parallel_loop3A_246] {strides = array<i32>} : memref<128x128xf32, #tpu.memory_space<vmem>>, vector<1x16xf32>,
        %parallel_loop3A_248 = vector.shape_cast %parallel_loop3A_247 : vector<1x16xf32> to vector<16xf32>
        %parallel_loop3A_249 = arith.addf %parallel_loop3A_244, %parallel_loop3A_248 : vector<16xf32>
        %parallel_loop3A_250 = arith.constant 0.000000e+00 : f32
        %parallel_loop3A_251 = vector.broadcast %parallel_loop3A_250 : f32 to vector<16xf32>
        %parallel_loop3A_252 = arith.maximumf %parallel_loop3A_249, %parallel_loop3A_251 : vector<16xf32>
        %parallel_loop3A_253 = arith.index_cast %parallel_loop3A_138 : i32 to index
        %parallel_loop3A_254 = arith.constant 96 : index
        %parallel_loop3A_255 = tpu.vector_load %arg14[%parallel_loop3A_253, %parallel_loop3A_254] {strides = array<i32>} : memref<128x128xf32, #tpu.memory_space<vmem>>, vector<1x16xf32>,
        %parallel_loop3A_256 = vector.shape_cast %parallel_loop3A_255 : vector<1x16xf32> to vector<16xf32>
        %parallel_loop3A_257 = vector.shape_cast %parallel_loop3A_252 : vector<16xf32> to vector<1x16xf32>
        tpu.vector_store %arg14[%parallel_loop3A_253, %parallel_loop3A_254], %parallel_loop3A_257 {strides = array<i32>} : memref<128x128xf32, #tpu.memory_space<vmem>>, vector<1x16xf32>,
        %parallel_loop3A_258 = arith.index_cast %parallel_loop3A_138 : i32 to index
        %parallel_loop3A_259 = arith.constant 112 : index
        %parallel_loop3A_260 = tpu.vector_load %arg10[%parallel_loop3A_258, %parallel_loop3A_259] {strides = array<i32>} : memref<128x128xf32, #tpu.memory_space<vmem>>, vector<1x16xf32>,
        %parallel_loop3A_261 = vector.shape_cast %parallel_loop3A_260 : vector<1x16xf32> to vector<16xf32>
        %parallel_loop3A_262 = arith.index_cast %parallel_loop3A_138 : i32 to index
        %parallel_loop3A_263 = arith.constant 112 : index
        %parallel_loop3A_264 = tpu.vector_load %arg12[%parallel_loop3A_262, %parallel_loop3A_263] {strides = array<i32>} : memref<128x128xf32, #tpu.memory_space<vmem>>, vector<1x16xf32>,
        %parallel_loop3A_265 = vector.shape_cast %parallel_loop3A_264 : vector<1x16xf32> to vector<16xf32>
        %parallel_loop3A_266 = arith.addf %parallel_loop3A_261, %parallel_loop3A_265 : vector<16xf32>
        %parallel_loop3A_267 = arith.constant 0.000000e+00 : f32
        %parallel_loop3A_268 = vector.broadcast %parallel_loop3A_267 : f32 to vector<16xf32>
        %parallel_loop3A_269 = arith.maximumf %parallel_loop3A_266, %parallel_loop3A_268 : vector<16xf32>
        %parallel_loop3A_270 = arith.index_cast %parallel_loop3A_138 : i32 to index
        %parallel_loop3A_271 = arith.constant 112 : index
        %parallel_loop3A_272 = tpu.vector_load %arg14[%parallel_loop3A_270, %parallel_loop3A_271] {strides = array<i32>} : memref<128x128xf32, #tpu.memory_space<vmem>>, vector<1x16xf32>,
        %parallel_loop3A_273 = vector.shape_cast %parallel_loop3A_272 : vector<1x16xf32> to vector<16xf32>
        %parallel_loop3A_274 = vector.shape_cast %parallel_loop3A_269 : vector<16xf32> to vector<1x16xf32>
        tpu.vector_store %arg14[%parallel_loop3A_270, %parallel_loop3A_271], %parallel_loop3A_274 {strides = array<i32>} : memref<128x128xf32, #tpu.memory_space<vmem>>, vector<1x16xf32>,
      } {sc.loop_unroll_factor = 4 : i64, sc.parallel_access}
      %mul3A_131 = arith.constant 128 : i32
      %mul3A_132 = arith.muli %add3A_94, %mul3A_131 : i32
      %add3A_133 = arith.addi %mul3A_2, %mul3A_132 : i32
      %dma_start3A_134 = arith.constant 0 : i32
      %dma_start3A_135 = tpu.memref_slice %arg6[%add3A_133, %dma_start3A_134] : memref<163840x128xf32, #tpu.memory_space<hbm>> -> memref<128x128xf32, #tpu.memory_space<hbm>>
      %dma_start3A_136 = arith.constant 0 : i32
      %dma_start3A_137 = tpu.memref_slice %arg6[%add3A_133, %dma_start3A_136] : memref<163840x128xf32, #tpu.memory_space<hbm>> -> memref<128x128xf32, #tpu.memory_space<hbm>>
      tpu.enqueue_dma source(%arg14 : memref<128x128xf32, #tpu.memory_space<vmem>>) target(%dma_start3A_137 : memref<128x128xf32, #tpu.memory_space<hbm>>) target_semaphore(%arg18 : memref<!tpu.dma_semaphore, #tpu.memory_space<semaphore_mem>>)
    }
    %scan3A_24 = arith.constant 20 : i32
    %dma_wait3A = arith.constant 0 : i32
    %dma_wait3A_25 = arith.constant 0 : i32
    %dma_wait3A_26 = tpu.memref_slice %arg2[%dma_wait3A, %dma_wait3A_25] : memref<10000x128xf32, #tpu.memory_space<hbm>> -> memref<128x128xf32, #tpu.memory_space<hbm>>
    %dma_wait3A_27 = arith.constant 0 : i32
    %dma_wait3A_28 = arith.constant 0 : i32
    %dma_wait3A_29 = tpu.memref_slice %arg2[%dma_wait3A_27, %dma_wait3A_28] : memref<10000x128xf32, #tpu.memory_space<hbm>> -> memref<128x128xf32, #tpu.memory_space<hbm>>
    tpu.wait_dma2 semaphore(%arg15 : memref<!tpu.dma_semaphore, #tpu.memory_space<semaphore_mem>>) src(%dma_wait3A_29 : memref<128x128xf32, #tpu.memory_space<hbm>>) dst(%arg9 : memref<128x128xf32, #tpu.memory_space<vmem>>)
    %dma_wait3A_30 = arith.constant 0 : i32
    %dma_wait3A_31 = arith.constant 0 : i32
    %dma_wait3A_32 = tpu.memref_slice %arg3[%dma_wait3A_30, %dma_wait3A_31] : memref<10000x128xf32, #tpu.memory_space<hbm>> -> memref<128x128xf32, #tpu.memory_space<hbm>>
    %dma_wait3A_33 = arith.constant 0 : i32
    %dma_wait3A_34 = arith.constant 0 : i32
    %dma_wait3A_35 = tpu.memref_slice %arg3[%dma_wait3A_33, %dma_wait3A_34] : memref<10000x128xf32, #tpu.memory_space<hbm>> -> memref<128x128xf32, #tpu.memory_space<hbm>>
    tpu.wait_dma2 semaphore(%arg15 : memref<!tpu.dma_semaphore, #tpu.memory_space<semaphore_mem>>) src(%dma_wait3A_35 : memref<128x128xf32, #tpu.memory_space<hbm>>) dst(%arg11 : memref<128x128xf32, #tpu.memory_space<vmem>>)
    %dma_wait3A_36 = arith.constant 0 : i32
    %dma_wait3A_37 = arith.constant 0 : i32
    %dma_wait3A_38 = tpu.memref_slice %arg6[%dma_wait3A_36, %dma_wait3A_37] : memref<163840x128xf32, #tpu.memory_space<hbm>> -> memref<128x128xf32, #tpu.memory_space<hbm>>
    %dma_wait3A_39 = arith.constant 0 : i32
    %dma_wait3A_40 = arith.constant 0 : i32
    %dma_wait3A_41 = tpu.memref_slice %arg6[%dma_wait3A_39, %dma_wait3A_40] : memref<163840x128xf32, #tpu.memory_space<hbm>> -> memref<128x128xf32, #tpu.memory_space<hbm>>
    tpu.wait_dma2 semaphore(%arg17 : memref<!tpu.dma_semaphore, #tpu.memory_space<semaphore_mem>>) src(%arg13 : memref<128x128xf32, #tpu.memory_space<vmem>>) dst(%dma_wait3A_41 : memref<128x128xf32, #tpu.memory_space<hbm>>)
    %dma_wait3A_42 = arith.constant 0 : i32
    %dma_wait3A_43 = arith.constant 0 : i32
    %dma_wait3A_44 = tpu.memref_slice %arg6[%dma_wait3A_42, %dma_wait3A_43] : memref<163840x128xf32, #tpu.memory_space<hbm>> -> memref<128x128xf32, #tpu.memory_space<hbm>>
    %dma_wait3A_45 = arith.constant 0 : i32
    %dma_wait3A_46 = arith.constant 0 : i32
    %dma_wait3A_47 = tpu.memref_slice %arg6[%dma_wait3A_45, %dma_wait3A_46] : memref<163840x128xf32, #tpu.memory_space<hbm>> -> memref<128x128xf32, #tpu.memory_space<hbm>>
    tpu.wait_dma2 semaphore(%arg18 : memref<!tpu.dma_semaphore, #tpu.memory_space<semaphore_mem>>) src(%arg14 : memref<128x128xf32, #tpu.memory_space<vmem>>) dst(%dma_wait3A_47 : memref<128x128xf32, #tpu.memory_space<hbm>>)
    return
  }
}

module attributes {stable_mosaic.version = 14 : i64} {
  func.func @_pre_body(%arg0: i32, %arg1: memref<1000x128xf32, #tpu.memory_space<vmem>>, %arg2: memref<128x128xf32, #tpu.memory_space<vmem>>, %arg3: memref<128x128xf32, #tpu.memory_space<vmem>>, %arg4: memref<1x128xf32, #tpu.memory_space<vmem>>, %arg5: memref<1000x128xf32, #tpu.memory_space<vmem>>, %arg6: memref<1000x128xf32, #tpu.memory_space<vmem>>) attributes {dimension_semantics = [#tpu.dimension_semantics<arbitrary>], iteration_bounds = array<i64: 10>, scalar_prefetch = 0 : i64, scratch_operands = 0 : i64, tpu.core_type = #tpu.core_type<tc>, window_params = [{transform_indices = @transform_0, window_bounds = array<i64: 1000, 128>}, {pipeline_mode = #tpu.pipeline_mode<synchronous>, transform_indices = @transform_1, window_bounds = array<i64: 128, 128>}, {pipeline_mode = #tpu.pipeline_mode<synchronous>, transform_indices = @transform_2, window_bounds = array<i64: 128, 128>}, {pipeline_mode = #tpu.pipeline_mode<synchronous>, transform_indices = @transform_3, window_bounds = array<i64: 1, 128>}, {transform_indices = @transform_4, window_bounds = array<i64: 1000, 128>}, {transform_indices = @transform_5, window_bounds = array<i64: 1000, 128>}]} {
    %get3A = arith.constant 0 : index
    %get3A_0 = arith.constant 0 : index
    %get3A_1 = vector.load %arg1[%get3A, %get3A_0] : memref<1000x128xf32, #tpu.memory_space<vmem>>, vector<1000x128xf32>
    %mul3A = arith.mulf %get3A_1, %get3A_1 : vector<1000x128xf32>
    %reduce_sum3A = arith.constant dense<0.000000e+00> : vector<1000xf32>
    %reduce_sum3A_2 = vector.multi_reduction <add>, %mul3A, %reduce_sum3A [1] : vector<1000x128xf32> to vector<1000xf32>
    %broadcast_in_dim3A = vector.shape_cast %reduce_sum3A_2 : vector<1000xf32> to vector<1000x1xf32>
    %sqrt3A = math.sqrt %broadcast_in_dim3A : vector<1000x1xf32>
    %div3A = vector.broadcast %sqrt3A : vector<1000x1xf32> to vector<1000x128xf32>
    %div3A_3 = arith.divf %get3A_1, %div3A : vector<1000x128xf32>
    %get3A_4 = arith.constant 0 : index
    %get3A_5 = arith.constant 0 : index
    %get3A_6 = vector.load %arg2[%get3A_4, %get3A_5] : memref<128x128xf32, #tpu.memory_space<vmem>>, vector<128x128xf32>
    %dot_general3A = arith.constant dense<0.000000e+00> : vector<1000x128xf32>
    %dot_general3A_7 = tpu.matmul %div3A_3, %get3A_6, %dot_general3A {dimension_numbers = #tpu.dot_dimension_numbers<[1], [0], [0], [1], [0, 0, 1, 1], [], []>, transpose_lhs_hint = false} : vector<1000x128xf32>, vector<128x128xf32>, vector<1000x128xf32> -> vector<1000x128xf32>
    %get3A_8 = arith.constant 0 : index
    %get3A_9 = arith.constant 0 : index
    %get3A_10 = vector.load %arg4[%get3A_8, %get3A_9] : memref<1x128xf32, #tpu.memory_space<vmem>>, vector<1x128xf32>
    %add3A = vector.broadcast %get3A_10 : vector<1x128xf32> to vector<1000x128xf32>
    %add3A_11 = arith.addf %dot_general3A_7, %add3A : vector<1000x128xf32>
    %swap3A = arith.constant 0 : index
    %swap3A_12 = arith.constant 0 : index
    %swap3A_13 = vector.load %arg5[%swap3A, %swap3A_12] : memref<1000x128xf32, #tpu.memory_space<vmem>>, vector<1000x128xf32>
    tpu.vector_store %arg5[%swap3A, %swap3A_12], %add3A_11 {strides = array<i32>} : memref<1000x128xf32, #tpu.memory_space<vmem>>, vector<1000x128xf32>,
    %get3A_14 = arith.constant 0 : index
    %get3A_15 = arith.constant 0 : index
    %get3A_16 = vector.load %arg3[%get3A_14, %get3A_15] : memref<128x128xf32, #tpu.memory_space<vmem>>, vector<128x128xf32>
    %dot_general3A_17 = arith.constant dense<0.000000e+00> : vector<1000x128xf32>
    %dot_general3A_18 = tpu.matmul %div3A_3, %get3A_16, %dot_general3A_17 {dimension_numbers = #tpu.dot_dimension_numbers<[1], [0], [0], [1], [0, 0, 1, 1], [], []>, transpose_lhs_hint = false} : vector<1000x128xf32>, vector<128x128xf32>, vector<1000x128xf32> -> vector<1000x128xf32>
    %swap3A_19 = arith.constant 0 : index
    %swap3A_20 = arith.constant 0 : index
    %swap3A_21 = vector.load %arg6[%swap3A_19, %swap3A_20] : memref<1000x128xf32, #tpu.memory_space<vmem>>, vector<1000x128xf32>
    tpu.vector_store %arg6[%swap3A_19, %swap3A_20], %dot_general3A_18 {strides = array<i32>} : memref<1000x128xf32, #tpu.memory_space<vmem>>, vector<1000x128xf32>,
    return
  }
  func.func @transform_0(%arg0: i32) -> (i32, i32) {
    %c0_i32 = arith.constant 0 : i32
    %c0_i32_0 = arith.constant 0 : i32
    return %arg0, %c0_i32 : i32, i32
  }
  func.func @transform_1(%arg0: i32) -> (i32, i32) {
    %c0_i32 = arith.constant 0 : i32
    %c0_i32_0 = arith.constant 0 : i32
    %c0_i32_1 = arith.constant 0 : i32
    return %c0_i32, %c0_i32_0 : i32, i32
  }
  func.func @transform_2(%arg0: i32) -> (i32, i32) {
    %c0_i32 = arith.constant 0 : i32
    %c0_i32_0 = arith.constant 0 : i32
    %c0_i32_1 = arith.constant 0 : i32
    return %c0_i32, %c0_i32_0 : i32, i32
  }
  func.func @transform_3(%arg0: i32) -> (i32, i32) {
    %c0_i32 = arith.constant 0 : i32
    %c0_i32_0 = arith.constant 0 : i32
    %c0_i32_1 = arith.constant 0 : i32
    return %c0_i32, %c0_i32_0 : i32, i32
  }
  func.func @transform_4(%arg0: i32) -> (i32, i32) {
    %c0_i32 = arith.constant 0 : i32
    %c0_i32_0 = arith.constant 0 : i32
    return %arg0, %c0_i32 : i32, i32
  }
  func.func @transform_5(%arg0: i32) -> (i32, i32) {
    %c0_i32 = arith.constant 0 : i32
    %c0_i32_0 = arith.constant 0 : i32
    return %arg0, %c0_i32 : i32, i32
  }
}

module attributes {stable_mosaic.version = 14 : i64} {
  func.func @_post_body(%arg0: i32, %arg1: memref<2560x128xf32, #tpu.memory_space<vmem>>, %arg2: memref<17x128xf32, #tpu.memory_space<vmem>>, %arg3: memref<17x1xf32, #tpu.memory_space<vmem>>, %arg4: memref<1x2560xf32, #tpu.memory_space<vmem>>, %arg5: memref<16x2560xf32, #tpu.memory_space<vmem>>) attributes {dimension_semantics = [#tpu.dimension_semantics<arbitrary>], iteration_bounds = array<i64: 61>, scalar_prefetch = 0 : i64, scratch_operands = 0 : i64, tpu.core_type = #tpu.core_type<tc>, window_params = [{transform_indices = @transform_0, window_bounds = array<i64: 2560, 128>}, {pipeline_mode = #tpu.pipeline_mode<synchronous>, transform_indices = @transform_1, window_bounds = array<i64: 17, 128>}, {pipeline_mode = #tpu.pipeline_mode<synchronous>, transform_indices = @transform_2, window_bounds = array<i64: 17, 1>}, {transform_indices = @transform_3, window_bounds = array<i64: 1, 2560>}, {transform_indices = @transform_4, window_bounds = array<i64: 16, 2560>}]} {
    %get3A = arith.constant 0 : index
    %get3A_0 = arith.constant 0 : index
    %get3A_1 = vector.load %arg1[%get3A, %get3A_0] : memref<2560x128xf32, #tpu.memory_space<vmem>>, vector<2560x128xf32>
    %get3A_2 = arith.constant 0 : index
    %get3A_3 = arith.constant 0 : index
    %get3A_4 = vector.load %arg2[%get3A_2, %get3A_3] : memref<17x128xf32, #tpu.memory_space<vmem>>, vector<17x128xf32>
    %dot_general3A = arith.constant dense<0.000000e+00> : vector<17x2560xf32>
    %dot_general3A_5 = tpu.matmul %get3A_4, %get3A_1, %dot_general3A {dimension_numbers = #tpu.dot_dimension_numbers<[1], [1], [0], [0], [0, 0, 1, 0], [], []>, transpose_lhs_hint = false} : vector<17x128xf32>, vector<2560x128xf32>, vector<17x2560xf32> -> vector<17x2560xf32>
    %get3A_6 = arith.constant 0 : index
    %get3A_7 = arith.constant 0 : index
    %get3A_8 = vector.load %arg3[%get3A_6, %get3A_7] : memref<17x1xf32, #tpu.memory_space<vmem>>, vector<17x1xf32>
    %add3A = vector.broadcast %get3A_8 : vector<17x1xf32> to vector<17x2560xf32>
    %add3A_9 = arith.addf %dot_general3A_5, %add3A : vector<17x2560xf32>
    %slice3A = vector.extract_strided_slice %add3A_9 {offsets = [0, 0], sizes = [1, 2560], strides = [1, 1]} : vector<17x2560xf32> to vector<1x2560xf32>
    %logistic3A = arith.negf %slice3A : vector<1x2560xf32>
    %logistic3A_10 = math.exp %logistic3A : vector<1x2560xf32>
    %logistic3A_11 = arith.constant 1.000000e+00 : f32
    %logistic3A_12 = vector.broadcast %logistic3A_11 : f32 to vector<1x2560xf32>
    %logistic3A_13 = arith.addf %logistic3A_12, %logistic3A_10 : vector<1x2560xf32>
    %logistic3A_14 = arith.divf %logistic3A_12, %logistic3A_13 : vector<1x2560xf32>
    %swap3A = arith.constant 0 : index
    %swap3A_15 = arith.constant 0 : index
    %swap3A_16 = vector.load %arg4[%swap3A, %swap3A_15] : memref<1x2560xf32, #tpu.memory_space<vmem>>, vector<1x2560xf32>
    tpu.vector_store %arg4[%swap3A, %swap3A_15], %logistic3A_14 {strides = array<i32>} : memref<1x2560xf32, #tpu.memory_space<vmem>>, vector<1x2560xf32>,
    %slice3A_17 = vector.extract_strided_slice %add3A_9 {offsets = [1, 0], sizes = [16, 2560], strides = [1, 1]} : vector<17x2560xf32> to vector<16x2560xf32>
    %reduce_max3A = arith.constant dense<0xFF800000> : vector<2560xf32>
    %reduce_max3A_18 = vector.multi_reduction <maximumf>, %slice3A_17, %reduce_max3A [0] : vector<16x2560xf32> to vector<2560xf32>
    %broadcast_in_dim3A = vector.shape_cast %reduce_max3A_18 : vector<2560xf32> to vector<1x2560xf32>
    %sub3A = vector.broadcast %broadcast_in_dim3A : vector<1x2560xf32> to vector<16x2560xf32>
    %sub3A_19 = arith.subf %slice3A_17, %sub3A : vector<16x2560xf32>
    %exp3A = math.exp %sub3A_19 : vector<16x2560xf32>
    %reduce_sum3A = arith.constant dense<0.000000e+00> : vector<2560xf32>
    %reduce_sum3A_20 = vector.multi_reduction <add>, %exp3A, %reduce_sum3A [0] : vector<16x2560xf32> to vector<2560xf32>
    %broadcast_in_dim3A_21 = vector.shape_cast %reduce_sum3A_20 : vector<2560xf32> to vector<1x2560xf32>
    %div3A = vector.broadcast %broadcast_in_dim3A_21 : vector<1x2560xf32> to vector<16x2560xf32>
    %div3A_22 = arith.divf %exp3A, %div3A : vector<16x2560xf32>
    %swap3A_23 = arith.constant 0 : index
    %swap3A_24 = arith.constant 0 : index
    %swap3A_25 = vector.load %arg5[%swap3A_23, %swap3A_24] : memref<16x2560xf32, #tpu.memory_space<vmem>>, vector<16x2560xf32>
    tpu.vector_store %arg5[%swap3A_23, %swap3A_24], %div3A_22 {strides = array<i32>} : memref<16x2560xf32, #tpu.memory_space<vmem>>, vector<16x2560xf32>,
    return
  }
  func.func @transform_0(%arg0: i32) -> (i32, i32) {
    %c0_i32 = arith.constant 0 : i32
    %c0_i32_0 = arith.constant 0 : i32
    return %arg0, %c0_i32 : i32, i32
  }
  func.func @transform_1(%arg0: i32) -> (i32, i32) {
    %c0_i32 = arith.constant 0 : i32
    %c0_i32_0 = arith.constant 0 : i32
    %c0_i32_1 = arith.constant 0 : i32
    return %c0_i32, %c0_i32_0 : i32, i32
  }
  func.func @transform_2(%arg0: i32) -> (i32, i32) {
    %c0_i32 = arith.constant 0 : i32
    %c0_i32_0 = arith.constant 0 : i32
    %c0_i32_1 = arith.constant 0 : i32
    return %c0_i32, %c0_i32_0 : i32, i32
  }
  func.func @transform_3(%arg0: i32) -> (i32, i32) {
    %c0_i32 = arith.constant 0 : i32
    %c0_i32_0 = arith.constant 0 : i32
    return %c0_i32, %arg0 : i32, i32
  }
  func.func @transform_4(%arg0: i32) -> (i32, i32) {
    %c0_i32 = arith.constant 0 : i32
    %c0_i32_0 = arith.constant 0 : i32
    return %c0_i32, %arg0 : i32, i32
  }
}

module attributes {stable_mosaic.version = 14 : i64} {
  func.func @_post_body(%arg0: i32, %arg1: memref<2560x128xf32, #tpu.memory_space<vmem>>, %arg2: memref<17x128xf32, #tpu.memory_space<vmem>>, %arg3: memref<17x1xf32, #tpu.memory_space<vmem>>, %arg4: memref<1x2560xf32, #tpu.memory_space<vmem>>, %arg5: memref<16x2560xf32, #tpu.memory_space<vmem>>) attributes {dimension_semantics = [#tpu.dimension_semantics<arbitrary>], iteration_bounds = array<i64: 64>, scalar_prefetch = 0 : i64, scratch_operands = 0 : i64, tpu.core_type = #tpu.core_type<tc>, window_params = [{transform_indices = @transform_0, window_bounds = array<i64: 2560, 128>}, {pipeline_mode = #tpu.pipeline_mode<synchronous>, transform_indices = @transform_1, window_bounds = array<i64: 17, 128>}, {pipeline_mode = #tpu.pipeline_mode<synchronous>, transform_indices = @transform_2, window_bounds = array<i64: 17, 1>}, {transform_indices = @transform_3, window_bounds = array<i64: 1, 2560>}, {transform_indices = @transform_4, window_bounds = array<i64: 16, 2560>}]} {
    %get3A = arith.constant 0 : index
    %get3A_0 = arith.constant 0 : index
    %get3A_1 = vector.load %arg1[%get3A, %get3A_0] : memref<2560x128xf32, #tpu.memory_space<vmem>>, vector<2560x128xf32>
    %get3A_2 = arith.constant 0 : index
    %get3A_3 = arith.constant 0 : index
    %get3A_4 = vector.load %arg2[%get3A_2, %get3A_3] : memref<17x128xf32, #tpu.memory_space<vmem>>, vector<17x128xf32>
    %dot_general3A = arith.constant dense<0.000000e+00> : vector<17x2560xf32>
    %dot_general3A_5 = tpu.matmul %get3A_4, %get3A_1, %dot_general3A {dimension_numbers = #tpu.dot_dimension_numbers<[1], [1], [0], [0], [0, 0, 1, 0], [], []>, transpose_lhs_hint = false} : vector<17x128xf32>, vector<2560x128xf32>, vector<17x2560xf32> -> vector<17x2560xf32>
    %get3A_6 = arith.constant 0 : index
    %get3A_7 = arith.constant 0 : index
    %get3A_8 = vector.load %arg3[%get3A_6, %get3A_7] : memref<17x1xf32, #tpu.memory_space<vmem>>, vector<17x1xf32>
    %add3A = vector.broadcast %get3A_8 : vector<17x1xf32> to vector<17x2560xf32>
    %add3A_9 = arith.addf %dot_general3A_5, %add3A : vector<17x2560xf32>
    %slice3A = vector.extract_strided_slice %add3A_9 {offsets = [0, 0], sizes = [1, 2560], strides = [1, 1]} : vector<17x2560xf32> to vector<1x2560xf32>
    %logistic3A = arith.negf %slice3A : vector<1x2560xf32>
    %logistic3A_10 = math.exp %logistic3A : vector<1x2560xf32>
    %logistic3A_11 = arith.constant 1.000000e+00 : f32
    %logistic3A_12 = vector.broadcast %logistic3A_11 : f32 to vector<1x2560xf32>
    %logistic3A_13 = arith.addf %logistic3A_12, %logistic3A_10 : vector<1x2560xf32>
    %logistic3A_14 = arith.divf %logistic3A_12, %logistic3A_13 : vector<1x2560xf32>
    %swap3A = arith.constant 0 : index
    %swap3A_15 = arith.constant 0 : index
    %swap3A_16 = vector.load %arg4[%swap3A, %swap3A_15] : memref<1x2560xf32, #tpu.memory_space<vmem>>, vector<1x2560xf32>
    tpu.vector_store %arg4[%swap3A, %swap3A_15], %logistic3A_14 {strides = array<i32>} : memref<1x2560xf32, #tpu.memory_space<vmem>>, vector<1x2560xf32>,
    %slice3A_17 = vector.extract_strided_slice %add3A_9 {offsets = [1, 0], sizes = [16, 2560], strides = [1, 1]} : vector<17x2560xf32> to vector<16x2560xf32>
    %reduce_max3A = arith.constant dense<0xFF800000> : vector<2560xf32>
    %reduce_max3A_18 = vector.multi_reduction <maximumf>, %slice3A_17, %reduce_max3A [0] : vector<16x2560xf32> to vector<2560xf32>
    %broadcast_in_dim3A = vector.shape_cast %reduce_max3A_18 : vector<2560xf32> to vector<1x2560xf32>
    %sub3A = vector.broadcast %broadcast_in_dim3A : vector<1x2560xf32> to vector<16x2560xf32>
    %sub3A_19 = arith.subf %slice3A_17, %sub3A : vector<16x2560xf32>
    %exp3A = math.exp %sub3A_19 : vector<16x2560xf32>
    %reduce_sum3A = arith.constant dense<0.000000e+00> : vector<2560xf32>
    %reduce_sum3A_20 = vector.multi_reduction <add>, %exp3A, %reduce_sum3A [0] : vector<16x2560xf32> to vector<2560xf32>
    %broadcast_in_dim3A_21 = vector.shape_cast %reduce_sum3A_20 : vector<2560xf32> to vector<1x2560xf32>
    %div3A = vector.broadcast %broadcast_in_dim3A_21 : vector<1x2560xf32> to vector<16x2560xf32>
    %div3A_22 = arith.divf %exp3A, %div3A : vector<16x2560xf32>
    %swap3A_23 = arith.constant 0 : index
    %swap3A_24 = arith.constant 0 : index
    %swap3A_25 = vector.load %arg5[%swap3A_23, %swap3A_24] : memref<16x2560xf32, #tpu.memory_space<vmem>>, vector<16x2560xf32>
    tpu.vector_store %arg5[%swap3A_23, %swap3A_24], %div3A_22 {strides = array<i32>} : memref<16x2560xf32, #tpu.memory_space<vmem>>, vector<16x2560xf32>,
    return
  }
  func.func @transform_0(%arg0: i32) -> (i32, i32) {
    %c0_i32 = arith.constant 0 : i32
    %c0_i32_0 = arith.constant 0 : i32
    return %arg0, %c0_i32 : i32, i32
  }
  func.func @transform_1(%arg0: i32) -> (i32, i32) {
    %c0_i32 = arith.constant 0 : i32
    %c0_i32_0 = arith.constant 0 : i32
    %c0_i32_1 = arith.constant 0 : i32
    return %c0_i32, %c0_i32_0 : i32, i32
  }
  func.func @transform_2(%arg0: i32) -> (i32, i32) {
    %c0_i32 = arith.constant 0 : i32
    %c0_i32_0 = arith.constant 0 : i32
    %c0_i32_1 = arith.constant 0 : i32
    return %c0_i32, %c0_i32_0 : i32, i32
  }
  func.func @transform_3(%arg0: i32) -> (i32, i32) {
    %c0_i32 = arith.constant 0 : i32
    %c0_i32_0 = arith.constant 0 : i32
    return %c0_i32, %arg0 : i32, i32
  }
  func.func @transform_4(%arg0: i32) -> (i32, i32) {
    %c0_i32 = arith.constant 0 : i32
    %c0_i32_0 = arith.constant 0 : i32
    return %c0_i32, %arg0 : i32, i32
  }
}

</mosaic_0001>

<sc_bundles>
// kernel: kernel.10.cloned.1.call-start
scs
__scs_entry_jumppad:
0x0: {  	(pc) =	sbr.rel $0x88, $3  }
0x1: {  	(tag) =	ssettag $0x0;
	lr =	simm.s32 $0x1  }
0x2: {  	[smem:$0x3F97] =	sst lr;
	_ =	strace $0xD0000000  }
0x3: {  	_ = 	snop  }
0x4: {  	_ = 	snop  }
0x5: {  	_ = 	snop  }
0x6: {  	_ = 	snop  }
0x7: {  	_ = 	snop  }
__scs_overlays_trampoline_lowered:
0x8: {  	[smem:$0x3FA6] =	sst s0  }
0x9: {  	[smem:$0x3FA7] =	sst s1  }
0xa: {  	[smem:$0x3FA8] =	sst s2  }
0xb: {  	[smem:$0x3FA9] =	sst s3  }
0xc: {  	[smem:$0x3FAA] =	sst s4  }
0xd: {  	[smem:$0x3FAB] =	sst s5  }
0xe: {  	[smem:$0x3FAC] =	sst s6  }
0xf: {  	[smem:$0x3FAD] =	sst s7  }
0x10: {  	[smem:$0x3FAE] =	sst s8  }
0x11: {  	[smem:$0x3FAF] =	sst s9;
	s0 =	simm.s32 @!p0 $0x0  }
0x12: {  	s1 =	sld [smem:$0x3F95];
	s0 =	simm.s32 @p0 $0x1  }
0x13: {  	[smem:$0x3FB0] =	sst s0;
	s0 =	simm.s32 @!p1 $0x0  }
0x14: {  	s2 =	sld [smem:$0x3F94];
	s0 =	simm.s32 @p1 $0x1  }
0x15: {  	[smem:$0x3FB1] =	sst s0;
	s0 =	simm.s32 @!p2 $0x0  }
0x16: {  	s3 =	sld [smem:$0x3FDB];
	s0 =	simm.s32 @p2 $0x1  }
0x17: {  	s4 =	simm.s32 $0x1BF5;
	[smem:$0x3FB3] =	sst s0  }
0x18: {  	s0 =	sld [smem:$0x3F96];
	_ =	swait.ge [sflag:s4], $0x0  }
0x19: {  	s7 =	sld [smem:$0x3F97]  }
0x1a: {  	s8 =	sadd.s32 $0xFFFFE003, lr  }
0x1b: {  	s9 =	sadd.s32 $0xFFFFFEF7, lr;
	s5 =	simm.s32 $0xFFFFFFFF;
	p2 =	slt.u32 s8, $0xFFFFF086  }
0x1c: {  	p1 =	slt.u32 s9, $0xF7A;
	s5 =	simm.s32 @!p2 $0x0  }
0x1d: {  	s5 =	simm.s32 @p1 $0x1;
	p0 =	seq.s32 s7, s2  }
0x1e: {  	s7 =	smul.u32 @!p0 $0xF7A, s2;
	p2 =	seq.s32 @!p0 s5, $0x0  }
0x1f: {  	s9 =	smul.u32 $0xF7A, s1;
	s8 =	simm.s32 @!p0 $0x1BF5;
	p2 =	por !p2, p0  }
0x20: {  	[sflag:s8] =	ssyncset.s32 @!p0 $0xFFFFF086;
	s6 =	sadd.s32 @!p0 s3, s7;
	s7 =	simm.s32 @!p0 $0x108  }
0x21: {  	s3 =	sadd.s32 s3, s9;
	s6 =	sadd.s32 @!p0 $0x88, s6;
	s7 =	simm.s32 @p2 $0x1082  }
0x22: {  	[simem:s7], [sflag:s8] =	dma.local @!p0 [hbm:s6], $0xF7A  }
0x23: {  	s9 =	sor.u32 $0xD0000000, s2;
	s6 =	simm.s32 $0x108;
	_ =	swait.ge @!p0 [sflag:s8], $0x0  }
0x24: {  	s3 =	sadd.s32 $0x88, s3;
	s6 =	simm.s32 @!p1 $0x1082;
	[sflag:s4] =	ssyncset.s32 $0xFFFFF086  }
0x25: {  	[simem:s6], [sflag:s4] =	dma.local [hbm:s3], $0xF7A  }
0x26: {  	[smem:$0x3F97] =	sst s1;
	(tag) =	ssettag s2;
	_ =	strace s9  }
0x27: {  	s1 =	sld [smem:$0x3FA7]  }
0x28: {  	s2 =	sld [smem:$0x3FA8]  }
0x29: {  	s4 =	sld [smem:$0x3FAA]  }
0x2a: {  	p0 =	seq.s32 s5, $0x0;
	s5 =	sld [smem:$0x3FAB]  }
0x2b: {  	s6 =	sld [smem:$0x3FAC]  }
0x2c: {  	s7 =	sld [smem:$0x3FAD]  }
0x2d: {  	s3 =	simm.s32 $0x108;
	s8 =	sld [smem:$0x3FAE]  }
0x2e: {  	s3 =	simm.s32 @!p0 $0x1082;
	s9 =	sld [smem:$0x3FAF]  }
0x2f: {  	lr =	sadd.s32 s0, s3;
	s0 =	sld [smem:$0x3FA6]  }
0x30: {  	s3 =	sld [smem:$0x3FA9]  }
0x31: {  	[smem:$0x3FB2] =	sst s10  }
0x32: {  	s10 =	sld [smem:$0x3FB0];
	_ =	sdelay $0x3  }
0x33: {  	p0 =	seq.s32 s10, $0x1;
	s10 =	sld [smem:$0x3FB2];
	_ =	sdelay $0x3  }
0x34: {  	[smem:$0x3FB2] =	sst s10  }
0x35: {  	s10 =	sld [smem:$0x3FB1];
	_ =	sdelay $0x3  }
0x36: {  	p1 =	seq.s32 s10, $0x1;
	s10 =	sld [smem:$0x3FB2];
	_ =	sdelay $0x3  }
0x37: {  	[smem:$0x3FB2] =	sst s10  }
0x38: {  	s10 =	sld [smem:$0x3FB3]  }
0x39: {  	_ = 	snop;
	(pc) =	sbr.ind lr, $3  }
0x3a: {  	_ = 	snop  }
0x3b: {  	_ = 	snop  }
0x3c: {  	p2 =	seq.s32 s10, $0x1;
	s10 =	sld [smem:$0x3FB2]  }
0x3d: {  	_ =	shalt  }
0x3e: {  	_ =	shalt  }
0x3f: {  	_ =	shalt  }
0x40: {  	_ =	shalt  }
0x41: {  	_ =	shalt  }
0x42: {  	_ =	shalt  }
0x43: {  	_ =	shalt  }
0x44: {  	_ =	shalt  }
0x45: {  	_ =	shalt  }
0x46: {  	_ =	shalt  }
0x47: {  	_ =	shalt  }
0x48: {  	_ =	shalt  }
0x49: {  	_ =	shalt  }
0x4a: {  	_ =	shalt  }
0x4b: {  	_ =	shalt  }
0x4c: {  	_ =	shalt  }
0x4d: {  	_ =	shalt  }
0x4e: {  	_ =	shalt  }
0x4f: {  	_ =	shalt  }
0x50: {  	_ =	shalt  }
0x51: {  	_ =	shalt  }
0x52: {  	_ =	shalt  }
0x53: {  	_ =	shalt  }
0x54: {  	_ =	shalt  }
0x55: {  	_ =	shalt  }
0x56: {  	_ =	shalt  }
0x57: {  	_ =	shalt  }
0x58: {  	_ =	shalt  }
0x59: {  	_ =	shalt  }
0x5a: {  	_ =	shalt  }
0x5b: {  	_ =	shalt  }
0x5c: {  	_ =	shalt  }
0x5d: {  	_ =	shalt  }
0x5e: {  	_ =	shalt  }
0x5f: {  	_ =	shalt  }
0x60: {  	_ =	shalt  }
0x61: {  	_ =	shalt  }
0x62: {  	_ =	shalt  }
0x63: {  	_ =	shalt  }
0x64: {  	_ =	shalt  }
0x65: {  	_ =	shalt  }
0x66: {  	_ =	shalt  }
0x67: {  	_ =	shalt  }
0x68: {  	_ =	shalt  }
0x69: {  	_ =	shalt  }
0x6a: {  	_ =	shalt  }
0x6b: {  	_ =	shalt  }
0x6c: {  	_ =	shalt  }
0x6d: {  	_ =	shalt  }
0x6e: {  	_ =	shalt  }
0x6f: {  	_ =	shalt  }
0x70: {  	_ =	shalt  }
0x71: {  	_ =	shalt  }
0x72: {  	_ =	shalt  }
0x73: {  	_ =	shalt  }
0x74: {  	_ =	shalt  }
0x75: {  	_ =	shalt  }
0x76: {  	_ =	shalt  }
0x77: {  	_ =	shalt  }
0x78: {  	_ =	shalt  }
0x79: {  	_ =	shalt  }
0x7a: {  	_ =	shalt  }
0x7b: {  	_ =	shalt  }
0x7c: {  	_ =	shalt  }
0x7d: {  	_ =	shalt  }
0x7e: {  	_ =	shalt  }
0x7f: {  	_ =	shalt  }
0x80: {  	_ =	shalt  }
0x81: {  	_ =	shalt  }
0x82: {  	_ =	shalt  }
0x83: {  	_ =	shalt  }
0x84: {  	_ =	shalt  }
0x85: {  	_ =	shalt  }
0x86: {  	_ =	shalt  }
0x87: {  	_ =	shalt  }
.Lfunc_end0:
.L_simem_size_0:
called_computation.1_lowered:
.L_overlay_start_0:
0x88: {  	s2 =	sld [smem:$0x3FD9]  }
0x89: {  	s3 =	sld [smem:$0x3FFE];
	_ =	sdelay $0x1  }
0x8a: {  	s1 =	srdreg.scid  }
0x8b: {  	s0 =	sand.u32 $0x1, s1  }
0x8c: {  	s14 =	sshll.u32 s0, $0xA;
	s2 =	sadd.s32 s3, s2  }
0x8d: {  	s2 =	sadd.s32 s2, s14  }
0x8e: {  	[smem:$0x3FBE] =	sst s2  }
0x8f: {  	_ = 	snop  }
0x90: {  	s2 =	sld [smem:$0x3FD0];
	_ =	sdelay $0x2  }
0x91: {  	s15 =	simm.s32 $0xB;
	s4 =	simm.s32 $0x10  }
0x92: {  	[smem:s4], [sflag:s15] =	dma.local [hbm:s2], $0x1  }
0x93: {  	_ =	swait.eq [sflag:s15], $0x1  }
0x94: {  	[sflag:s15] =	ssyncset.done $0x0  }
0x95: {  	s16 =	sld [smem:$0x10];
	[sflag:s15] =	ssyncadd.s32 $0xFFFFFFFF  }
0x96: {  	s17 =	sld [smem:$0x11];
	(tm) =	ssettm $0x1  }
0x97: {  	s18 =	sld [smem:$0x3FFB];
	_ =	sdelay $0x3  }
0x98: {  	_ =	strace s18  }
0x99: {  	s4 =	sld [smem:$0x3FFC];
	_ =	sdelay $0x3  }
0x9a: {  	_ =	strace s4  }
0x9b: {  	s4 =	sld [smem:$0x3FFD];
	_ =	sdelay $0x3  }
0x9c: {  	_ =	strace s4  }
0x9d: {  	_ =	strace $0x8FFFFFFF  }
0x9e: {  	s19 =	sld [smem:$0x3FDB];
	_ =	sdelay $0x1  }
0x9f: {  	s5 =	simm.s32 $_scs_section_size  }
0xa0: {  	s6 =	simm.s32 $_size__tile_overlayer_lowered;
	s7 =	simm.s32 $_tile_overlayer_lowered  }
0xa1: {  	s22 =	simm.s32 $0x1BFF;
	s21 =	sshll.u32 s7, $0x1;
	s4 =	sadd.s32 s5, s19  }
0xa2: {  	s8 =	simm.s32 $0x0;
	s20 =	sshll.u32 s6, $0x1;
	s6 =	sadd.s32 s21, s4  }
0xa3: {  	[timem:s8], [sflag:s22] =	dma.local [hbm:s6], s20  }
0xa4: {  	_ =	swait.ge [sflag:s22], s20  }
0xa5: {  	s5 =	ssub.s32 $0x0, s20;
	[sflag:s22] =	ssyncset.done $0x0  }
0xa6: {  	[sflag:s22] =	ssyncadd.s32 s5;
	_ =	sdelay $0x1  }
0xa7: {  	s23 =	simm.s32 $0x1B8B  }
0xa8: {  	_ =	swait.ge [sflag:s23], $0x1  }
0xa9: {  	[sflag:s23] =	ssyncset.done $0x0  }
0xaa: {  	s25 =	simm.s32 $0x1B8E;
	s24 =	sld [smem:$0x3FFE];
	[sflag:s23] =	ssyncadd.s32 $0xFFFFFFFF  }
0xab: {  	s26 =	simm.s32 $execute0_lowered;
	[smem:$0x3FD2] =	sst s25  }
0xac: {  	s6 =	sshll.u32 s26, $0x1;
	_ =	strace $0x80000046;
	[dreg:$0x1] =	wrdreg $0xFFFFFFFF  }
0xad: {  	s28 =	simm.s32 $_size_execute0_lowered;
	s4 =	sadd.s32 s4, s6;
	[dreg:$0x0] =	wrdreg $0x0  }
0xae: {  	s6 =	sshll.u32 s28, $0x1;
	[dreg:$0x2] =	wrdreg s4  }
0xaf: {  	[dreg:$0x3] =	wrdreg s6  }
0xb0: {  	[dreg:$0x4] =	wrdreg $0xC0  }
0xb1: {  	_ =	task [dreg:s8], $0x5FFFF  }
0xb2: {  	[dreg:$0x1] =	wrdreg $0xFFFFFFFF  }
0xb3: {  	[dreg:$0x0] =	wrdreg $0x60  }
0xb4: {  	[dreg:$0x2] =	wrdreg s17  }
0xb5: {  	[dreg:$0x3] =	wrdreg s24  }
0xb6: {  	[dreg:$0x4] =	wrdreg s16  }
0xb7: {  	[dreg:$0x5] =	wrdreg $0xA  }
0xb8: {  	_ =	task.clear_ibuf [dreg:s8], $0x6FFFF;
	_ =	strace $0x90000046  }
0xb9: {  	s29 =	simm.s32 $0xA;
	_ =	strace $0x80000048  }
0xba: {  	_ =	swait.ge [sflag:s29], $0x1  }
0xbb: {  	[sflag:s29] =	ssyncadd.s32 $0xFFFFFFFF  }
0xbc: {  	_ =	strace $0x90000048  }
0xbd: {  	_ =	sfence  }
0xbe: {  	s30 =	sld [smem:$0x0];
	_ =	sdelay $0x2  }
0xbf: {  	s31 =	sshll.u32 s1, $0xD;
	s1 =	sshrl.u32 s1, $0x2  }
0xc0: {  	s3 =	sand.u32 $0x4000, s31;
	s1 =	sadd.s32 s1, s30  }
0xc1: {  	s0 =	sor.u32 s3, s0;
	s1 =	sshll.u32 s1, $0x11  }
0xc2: {  	s0 =	sor.u32 s1, s0  }
0xc3: {  	s0 =	sadd.s32 $0x8F2B, s0  }
0xc4: {  	[sflag:s0] =	ssyncadd.remote.s32 $0x1  }
0xc5: {  	_ =	sfence.sel $0xFFFF  }
0xc6: {  	[dreg:$0x0] =	wrdreg $0xFFFFFFFF;
	(pc) =	sbr.abs _section_cstart, $3  }
0xc7: {  	[dreg:$0x1] =	wrdreg $0xFFFFFFFF  }
0xc8: {  	_ =	task.clear_ibuf [dreg:s8], $0x2FFFF;
	_ =	strace $0x9FFFFFFF  }
0xc9: {  	(tm) =	ssettm $0x7FFFFFFF  }
tec
execute0_lowered:
.L_overlay_start_1:
0x0: {  	(tag) =	ssettag $0x1  }
0x1: {  	s1 =	rddreg [dreg:$0x0]  }
0x2: {  	s0 =	rddreg [dreg:$0x1];
	s2 =	srdreg.scid  }
0x3: {  	s3 =	stileid.u32;
	s6 =	rddreg [dreg:$0x2]  }
0x4: {  	s12 =	simm.s32 $0x80;
	s13 =	simm.s32 $0x2800;
	s14 =	simm.s32 $0xA800  }
0x5: {  	s15 =	simm.s32 $0x6800;
	s16 =	simm.s32 $0xE800;
	s17 =	simm.s32 $0x1  }
0x6: {  	s18 =	simm.s32 $0x12800;
	s19 =	simm.s32 $0x2;
	s20 =	simm.s32 $0x16800  }
0x7: {  	s21 =	simm.s32 $0x3;
	s22 =	simm.s32 $0x4;
	s23 =	simm.s32 $0x0  }
0x8: {  	s2 =	sand.u32 $0x1, s2;
	s4 =	sshll.u32 s3, $0x1;
	s3 =	simm.s32 $0x0  }
0x9: {  	s5 =	sadd.s32 $0x2E400, s0;
	s8 =	sor.u32 s2, s4;
	[smem:$0x7FF] =	sst s3  }
0xa: {  	s2 =	ssub.s32 $0x2, s2;
	s4 =	sadd.s32 $0x7200, s0;
	s7 =	smul.u32 $0x280, s8  }
0xb: {  	_ =	strace $0x80000047;
	s9 =	sshrl.u32 s2, $0x1;
	s8 =	smul.u32 $0xA0000, s8  }
0xc: {  	s31 =	ssub.s32 s2, s9;
	s10 =	sadd.s32 s7, s0;
	s6 =	sadd.s32 s6, s7  }
0xd: {  	s9 =	smax.u32 s31, $0x1;
	s7 =	sadd.s32 $0x2200, s10;
	s10 =	simm.s32 $0x5  }
.LBB2_1:
0xe: {  	[tilespmem:s3], [sflag:$0x5] =	stream.linear.gather [hbm4b:s6+s3], $0x1400, $0x38;
	[tilespmem:$0x1A800] =	vst v63  }
0xf: {  	_ =	swait.ge [sflag:s10], $0x1400  }
0x10: {  	[sflag:s10] =	ssyncset.done $0x0  }
0x11: {  	s0 =	simm.s32 $0x1400;
	[sflag:s10] =	ssyncadd.s32 $0xFFFFEC00  }
0x12: {  	[tilespmem:s0], [sflag:$0x5] =	stream.linear.gather [hbm4b:s7+s3], $0x1400, $0x38;
	[tilespmem:$0x1A800] =	vst v63  }
0x13: {  	_ =	swait.ge [sflag:s10], $0x1400  }
0x14: {  	[sflag:s10] =	ssyncset.done $0x0  }
0x15: {  	[sflag:s10] =	ssyncadd.s32 $0xFFFFEC00  }
0x16: {  	[tilespmem:s13], [sflag:$0x1] =	stream.indirect.gather [hbm4b:s1+s12], $0x80, s3, s12, $0xb8;
	[tilespmem:$0x1A800] =	vst v63  }
0x17: {  	s24 =	simm.s32 $0x0  }
0x18: {  	[tilespmem:s14], [sflag:$0x1] =	stream.indirect.gather [hbm4b:s4+s12], $0x80, s0, s12, $0xb8;
	[tilespmem:$0x1A800] =	vst v63  }
.LBB2_2:
0x19: {  	s25 =	sshllo.u32 s24, $0x1  }
0x1a: {  	s0 =	sshll.u32 s25, $0x7  }
0x1b: {  	[tilespmem:s15], [sflag:$0x2] =	stream.indirect.gather [hbm4b:s1+s12], $0x80, s0, s12, $0xb8;
	[tilespmem:$0x1A800] =	vst v63  }
0x1c: {  	s0 =	sadd.s32 $0x1400, s0  }
0x1d: {  	[tilespmem:s16], [sflag:$0x2] =	stream.indirect.gather [hbm4b:s4+s12], $0x80, s0, s12, $0xb8;
	[tilespmem:$0x1A800] =	vst v63  }
0x1e: {  	_ =	swait.ge [sflag:s17], $0x4000  }
0x1f: {  	[sflag:s17] =	ssyncset.done $0x0  }
0x20: {  	[sflag:s17] =	ssyncadd.s32 $0xFFFFC000  }
0x21: {  	_ =	swait.ge [sflag:s17], $0x4000  }
0x22: {  	p0 =	seq.s32 s24, $0x0;
	[sflag:s17] =	ssyncset.done $0x0  }
0x23: {  	s0 =	simm.s32 @!p0 $0x3;
	[sflag:s17] =	ssyncadd.s32 $0xFFFFC000  }
0x24: {  	_ =	swait.ge @!p0 [sflag:s0], $0x4000  }
0x25: {  	[sflag:s0] =	ssyncset.done @!p0 $0x0  }
0x26: {  	s31 =	simm.s32 $0x2900;
	[sflag:s0] =	ssyncadd.s32 @!p0 $0xFFFFC000  }
0x27: {  	s2 =	simm.s32 $0xA900;
	v0 =	vld [tilespmem:s31+$0x80]  }
0x28: {  	v1 =	vld [tilespmem:s2+$0x80];
	_ =	sdelay $0x4  }
0x29: {  	v2 =	vld [tilespmem:s31+$0xFFFFFF80];
	v0 =	vadd.f32 v1, v0  }
0x2a: {  	v1 =	vld [tilespmem:s2+$0xFFFFFF80]  }
0x2b: {  	s26 =	simm.s32 $0x12900;
	v3 =	vld [tilespmem:s2+$0xFFFFFF00];
	v0 =	vmax.f32 v0, $0.0e+00  }
0x2c: {  	v4 =	vld [tilespmem:s31+$0xFFFFFF00];
	[tilespmem:s26+$0x80] =	vst v0  }
0x2d: {  	v0 =	vld [tilespmem:s31+$0x90]  }
0x2e: {  	v5 =	vld [tilespmem:s2+$0x90]  }
0x2f: {  	v6 =	vld [tilespmem:s31+$0x0];
	v1 =	vadd.f32 v1, v2  }
0x30: {  	v2 =	vld [tilespmem:s2+$0x0]  }
0x31: {  	v3 =	vadd.f32 v3, v4;
	v1 =	vmax.f32 v1, $0.0e+00  }
0x32: {  	[tilespmem:s26+$0xFFFFFF80] =	vst v1  }
0x33: {  	v3 =	vmax.f32 v3, $0.0e+00;
	v1 =	vld [tilespmem:s31+$0xFFFFFF90];
	v0 =	vadd.f32 v5, v0  }
0x34: {  	[tilespmem:s26+$0xFFFFFF00] =	vst v3;
	v4 =	vld [tilespmem:s2+$0xFFFFFF90]  }
0x35: {  	v3 =	vld [tilespmem:s31+$0xFFFFFF10];
	v2 =	vadd.f32 v2, v6;
	v0 =	vmax.f32 v0, $0.0e+00  }
0x36: {  	v5 =	vld [tilespmem:s2+$0xFFFFFF10];
	[tilespmem:s26+$0x90] =	vst v0  }
0x37: {  	v0 =	vmax.f32 v2, $0.0e+00;
	v2 =	vld [tilespmem:s31+$0xA0]  }
0x38: {  	[tilespmem:s26+$0x0] =	vst v0;
	v0 =	vld [tilespmem:s2+$0xA0]  }
0x39: {  	v6 =	vld [tilespmem:s31+$0x10];
	v1 =	vadd.f32 v4, v1  }
0x3a: {  	v4 =	vld [tilespmem:s2+$0x10]  }
0x3b: {  	v1 =	vmax.f32 v1, $0.0e+00  }
0x3c: {  	v3 =	vadd.f32 v5, v3;
	[tilespmem:s26+$0xFFFFFF90] =	vst v1  }
0x3d: {  	v1 =	vld [tilespmem:s31+$0xFFFFFFA0];
	v0 =	vadd.f32 v0, v2  }
0x3e: {  	v3 =	vmax.f32 v3, $0.0e+00;
	v2 =	vld [tilespmem:s2+$0xFFFFFFA0]  }
0x3f: {  	[tilespmem:s26+$0xFFFFFF10] =	vst v3;
	v3 =	vadd.f32 v4, v6;
	v0 =	vmax.f32 v0, $0.0e+00  }
0x40: {  	[tilespmem:s26+$0xA0] =	vst v0  }
0x41: {  	v0 =	vmax.f32 v3, $0.0e+00;
	v3 =	vld [tilespmem:s31+$0xB0]  }
0x42: {  	[tilespmem:s26+$0x10] =	vst v0;
	v0 =	vld [tilespmem:s2+$0xB0]  }
0x43: {  	v1 =	vadd.f32 v2, v1;
	v2 =	vld [tilespmem:s31+$0x20]  }
0x44: {  	v6 =	vld [tilespmem:s2+$0x20]  }
0x45: {  	v5 =	vld [tilespmem:s2+$0xFFFFFF20];
	v1 =	vmax.f32 v1, $0.0e+00  }
0x46: {  	v4 =	vld [tilespmem:s31+$0xFFFFFF20];
	[tilespmem:s26+$0xFFFFFFA0] =	vst v1  }
0x47: {  	v1 =	vld [tilespmem:s31+$0xFFFFFFB0];
	v0 =	vadd.f32 v0, v3  }
0x48: {  	v3 =	vld [tilespmem:s2+$0xFFFFFFB0]  }
0x49: {  	v2 =	vadd.f32 v6, v2;
	v0 =	vmax.f32 v0, $0.0e+00  }
0x4a: {  	[tilespmem:s26+$0xB0] =	vst v0  }
0x4b: {  	v4 =	vadd.f32 v5, v4;
	v0 =	vmax.f32 v2, $0.0e+00;
	v2 =	vld [tilespmem:s31+$0xC0]  }
0x4c: {  	[tilespmem:s26+$0x20] =	vst v0;
	v0 =	vld [tilespmem:s2+$0xC0]  }
0x4d: {  	v4 =	vmax.f32 v4, $0.0e+00;
	v1 =	vadd.f32 v3, v1;
	v3 =	vld [tilespmem:s31+$0x30]  }
0x4e: {  	[tilespmem:s26+$0xFFFFFF20] =	vst v4;
	v6 =	vld [tilespmem:s2+$0x30]  }
0x4f: {  	v4 =	vld [tilespmem:s31+$0xFFFFFF30];
	v1 =	vmax.f32 v1, $0.0e+00  }
0x50: {  	v5 =	vld [tilespmem:s2+$0xFFFFFF30];
	[tilespmem:s26+$0xFFFFFFB0] =	vst v1  }
0x51: {  	v1 =	vld [tilespmem:s31+$0xFFFFFFC0];
	v0 =	vadd.f32 v0, v2  }
0x52: {  	v2 =	vld [tilespmem:s2+$0xFFFFFFC0]  }
0x53: {  	s30 =	simm.s32 $0xAB00;
	v3 =	vadd.f32 v6, v3;
	v0 =	vmax.f32 v0, $0.0e+00  }
0x54: {  	v10 =	vld [tilespmem:s30+$0xFFFFFF00];
	[tilespmem:s26+$0xC0] =	vst v0  }
0x55: {  	v0 =	vmax.f32 v3, $0.0e+00;
	v3 =	vld [tilespmem:s31+$0xD0]  }
0x56: {  	v4 =	vadd.f32 v5, v4;
	[tilespmem:s26+$0x30] =	vst v0;
	v0 =	vld [tilespmem:s2+$0xD0]  }
0x57: {  	v1 =	vadd.f32 v2, v1;
	v2 =	vld [tilespmem:s31+$0x40]  }
0x58: {  	s29 =	simm.s32 $0x2B00;
	v4 =	vmax.f32 v4, $0.0e+00;
	v6 =	vld [tilespmem:s2+$0x40]  }
0x59: {  	v53 =	vld [tilespmem:s29+$0xFFFFFF00];
	[tilespmem:s26+$0xFFFFFF30] =	vst v4  }
0x5a: {  	v4 =	vld [tilespmem:s31+$0xFFFFFF40]  }
0x5b: {  	v5 =	vld [tilespmem:s2+$0xFFFFFF40];
	v0 =	vadd.f32 v0, v3  }
0x5c: {  	v8 =	vld [tilespmem:s29+$0x80]  }
0x5d: {  	v9 =	vld [tilespmem:s30+$0x80];
	v2 =	vadd.f32 v6, v2;
	v0 =	vmax.f32 v0, $0.0e+00  }
0x5e: {  	v11 =	vld [tilespmem:s30+$0xFFFFFF80];
	v10 =	vadd.f32 v10, v53;
	[tilespmem:s26+$0xD0] =	vst v0  }
0x5f: {  	v0 =	vmax.f32 v2, $0.0e+00;
	v2 =	vld [tilespmem:s31+$0xE0]  }
0x60: {  	s28 =	simm.s32 $0x12B00;
	v10 =	vmax.f32 v10, $0.0e+00;
	v4 =	vadd.f32 v5, v4;
	[tilespmem:s26+$0x40] =	vst v0;
	v0 =	vld [tilespmem:s2+$0xE0]  }
0x61: {  	v12 =	vld [tilespmem:s29+$0x0];
	[tilespmem:s28+$0xFFFFFF00] =	vst v10;
	v1 =	vmax.f32 v1, $0.0e+00  }
0x62: {  	v10 =	vld [tilespmem:s29+$0xFFFFFF10];
	[tilespmem:s26+$0xFFFFFFC0] =	vst v1;
	v4 =	vmax.f32 v4, $0.0e+00  }
0x63: {  	v1 =	vld [tilespmem:s31+$0xFFFFFFD0];
	[tilespmem:s26+$0xFFFFFF40] =	vst v4  }
0x64: {  	v4 =	vld [tilespmem:s31+$0xFFFFFF50]  }
0x65: {  	v5 =	vld [tilespmem:s2+$0xFFFFFF50];
	v0 =	vadd.f32 v0, v2  }
0x66: {  	v2 =	vld [tilespmem:s29+$0xFFFFFF80]  }
0x67: {  	v3 =	vld [tilespmem:s2+$0xFFFFFFD0];
	v0 =	vmax.f32 v0, $0.0e+00  }
0x68: {  	v6 =	vld [tilespmem:s31+$0x50];
	[tilespmem:s26+$0xE0] =	vst v0;
	v0 =	vadd.f32 v9, v8  }
0x69: {  	v7 =	vld [tilespmem:s2+$0x50]  }
0x6a: {  	v4 =	vadd.f32 v5, v4;
	v5 =	vld [tilespmem:s30+$0x0];
	v0 =	vmax.f32 v0, $0.0e+00  }
0x6b: {  	v55 =	vld [tilespmem:s30+$0xFFFFFF10];
	v2 =	vadd.f32 v11, v2;
	[tilespmem:s28+$0x80] =	vst v0  }
0x6c: {  	v0 =	vmax.f32 v4, $0.0e+00;
	v4 =	vld [tilespmem:s29+$0x90]  }
0x6d: {  	v1 =	vadd.f32 v3, v1;
	[tilespmem:s26+$0xFFFFFF50] =	vst v0;
	v0 =	vmax.f32 v2, $0.0e+00;
	v2 =	vld [tilespmem:s30+$0x90]  }
0x6e: {  	v6 =	vadd.f32 v7, v6;
	v8 =	vld [tilespmem:s31+$0xF0]  }
0x6f: {  	v1 =	vmax.f32 v1, $0.0e+00;
	v5 =	vadd.f32 v5, v12;
	v52 =	vld [tilespmem:s2+$0xF0];
	[tilespmem:s28+$0xFFFFFF80] =	vst v0  }
0x70: {  	[tilespmem:s26+$0xFFFFFFD0] =	vst v1;
	v6 =	vmax.f32 v6, $0.0e+00;
	v3 =	vld [tilespmem:s29+$0xFFFFFF90]  }
0x71: {  	v1 =	vmax.f32 v5, $0.0e+00;
	[tilespmem:s26+$0x50] =	vst v6;
	v54 =	vld [tilespmem:s30+$0xFFFFFF90]  }
0x72: {  	v6 =	vld [tilespmem:s2+$0xFFFFFFE0];
	[tilespmem:s28+$0x0] =	vst v1;
	v1 =	vadd.f32 v2, v4  }
0x73: {  	v58 =	vld [tilespmem:s31+$0x60]  }
0x74: {  	v59 =	vld [tilespmem:s2+$0x60];
	v1 =	vmax.f32 v1, $0.0e+00  }
0x75: {  	v0 =	vld [tilespmem:s31+$0xFFFFFF60];
	[tilespmem:s28+$0x90] =	vst v1  }
0x76: {  	v3 =	vadd.f32 v54, v3;
	v1 =	vld [tilespmem:s29+$0xA0]  }
0x77: {  	v56 =	vld [tilespmem:s30+$0xA0]  }
0x78: {  	v4 =	vld [tilespmem:s29+$0x10];
	v3 =	vmax.f32 v3, $0.0e+00  }
0x79: {  	[tilespmem:s28+$0xFFFFFF90] =	vst v3;
	v3 =	vld [tilespmem:s30+$0x10]  }
0x7a: {  	v10 =	vadd.f32 v55, v10;
	v7 =	vld [tilespmem:s29+$0xFFFFFFA0]  }
0x7b: {  	v57 =	vld [tilespmem:s30+$0xFFFFFFA0]  }
0x7c: {  	v10 =	vmax.f32 v10, $0.0e+00;
	v5 =	vld [tilespmem:s2+$0xFFFFFF60];
	v1 =	vadd.f32 v56, v1  }
0x7d: {  	[tilespmem:s28+$0xFFFFFF10] =	vst v10;
	v2 =	vld [tilespmem:s31+$0xFFFFFFE0]  }
0x7e: {  	v3 =	vadd.f32 v3, v4;
	v4 =	vld [tilespmem:s29+$0xFFFFFF20];
	v1 =	vmax.f32 v1, $0.0e+00  }
0x7f: {  	[tilespmem:s28+$0xA0] =	vst v1;
	v1 =	vld [tilespmem:s30+$0xFFFFFF20]  }
0x80: {  	v7 =	vadd.f32 v57, v7;
	v3 =	vmax.f32 v3, $0.0e+00;
	v60 =	vld [tilespmem:s29+$0xB0]  }
0x81: {  	v0 =	vadd.f32 v5, v0;
	[tilespmem:s28+$0x10] =	vst v3;
	v3 =	vld [tilespmem:s30+$0xB0]  }
0x82: {  	v5 =	vmax.f32 v7, $0.0e+00;
	v7 =	vld [tilespmem:s29+$0x20]  }
0x83: {  	v0 =	vmax.f32 v0, $0.0e+00;
	[tilespmem:s28+$0xFFFFFFA0] =	vst v5;
	v5 =	vld [tilespmem:s30+$0x20]  }
0x84: {  	[tilespmem:s26+$0xFFFFFF60] =	vst v0;
	v0 =	vld [tilespmem:s30+$0xFFFFFFB0];
	v1 =	vadd.f32 v1, v4  }
0x85: {  	v4 =	vld [tilespmem:s29+$0xFFFFFFB0]  }
0x86: {  	v61 =	vld [tilespmem:s31+$0xFFFFFF70];
	v3 =	vadd.f32 v3, v60;
	v1 =	vmax.f32 v1, $0.0e+00  }
0x87: {  	[tilespmem:s28+$0xFFFFFF20] =	vst v1;
	v1 =	vld [tilespmem:s2+$0xFFFFFF70]  }
0x88: {  	v5 =	vadd.f32 v5, v7;
	v3 =	vmax.f32 v3, $0.0e+00;
	v7 =	vld [tilespmem:s29+$0xFFFFFF30]  }
0x89: {  	[tilespmem:s28+$0xB0] =	vst v3;
	v3 =	vld [tilespmem:s30+$0xFFFFFF30]  }
0x8a: {  	v0 =	vadd.f32 v0, v4;
	v4 =	vmax.f32 v5, $0.0e+00;
	v5 =	vld [tilespmem:s29+$0xC0]  }
0x8b: {  	[tilespmem:s28+$0x20] =	vst v4;
	v4 =	vld [tilespmem:s30+$0xC0]  }
0x8c: {  	v2 =	vadd.f32 v6, v2;
	v0 =	vmax.f32 v0, $0.0e+00;
	v6 =	vld [tilespmem:s29+$0x30]  }
0x8d: {  	[tilespmem:s28+$0xFFFFFFB0] =	vst v0;
	v0 =	vld [tilespmem:s30+$0x30]  }
0x8e: {  	v2 =	vmax.f32 v2, $0.0e+00;
	v3 =	vadd.f32 v3, v7;
	v7 =	vld [tilespmem:s29+$0xFFFFFFC0]  }
0x8f: {  	[tilespmem:s26+$0xFFFFFFE0] =	vst v2;
	v2 =	vld [tilespmem:s30+$0xFFFFFFC0]  }
0x90: {  	v3 =	vmax.f32 v3, $0.0e+00;
	v4 =	vadd.f32 v4, v5;
	v5 =	vld [tilespmem:s31+$0xFFFFFFF0]  }
0x91: {  	[tilespmem:s28+$0xFFFFFF30] =	vst v3;
	v3 =	vld [tilespmem:s2+$0xFFFFFFF0]  }
0x92: {  	v0 =	vadd.f32 v0, v6;
	v6 =	vld [tilespmem:s29+$0xFFFFFF40];
	v4 =	vmax.f32 v4, $0.0e+00  }
0x93: {  	[tilespmem:s28+$0xC0] =	vst v4;
	v4 =	vld [tilespmem:s30+$0xFFFFFF40]  }
0x94: {  	v2 =	vadd.f32 v2, v7;
	v0 =	vmax.f32 v0, $0.0e+00;
	v7 =	vld [tilespmem:s29+$0xD0]  }
0x95: {  	[tilespmem:s28+$0x30] =	vst v0;
	v0 =	vld [tilespmem:s30+$0xD0]  }
0x96: {  	v10 =	vadd.f32 v59, v58;
	v2 =	vmax.f32 v2, $0.0e+00;
	v62 =	vld [tilespmem:s29+$0x40]  }
0x97: {  	[tilespmem:s28+$0xFFFFFFC0] =	vst v2;
	v2 =	vld [tilespmem:s30+$0x40]  }
0x98: {  	v10 =	vmax.f32 v10, $0.0e+00;
	v63 =	vld [tilespmem:s30+$0xFFFFFFD0];
	v4 =	vadd.f32 v4, v6  }
0x99: {  	v8 =	vadd.f32 v52, v8;
	[tilespmem:s26+$0x60] =	vst v10;
	v6 =	vld [tilespmem:s29+$0xFFFFFFD0]  }
0x9a: {  	v10 =	vld [tilespmem:s2+$0x70];
	v4 =	vmax.f32 v4, $0.0e+00;
	v0 =	vadd.f32 v0, v7  }
0x9b: {  	v8 =	vmax.f32 v8, $0.0e+00;
	v1 =	vadd.f32 v1, v61;
	v7 =	vld [tilespmem:s31+$0x70];
	[tilespmem:s28+$0xFFFFFF40] =	vst v4  }
0x9c: {  	[tilespmem:s26+$0xF0] =	vst v8;
	v8 =	vadd.f32 v2, v62;
	v2 =	vld [tilespmem:s29+$0xFFFFFF50];
	v0 =	vmax.f32 v0, $0.0e+00  }
0x9d: {  	v1 =	vmax.f32 v1, $0.0e+00;
	v3 =	vadd.f32 v3, v5;
	v4 =	vld [tilespmem:s30+$0xFFFFFF50];
	[tilespmem:s28+$0xD0] =	vst v0  }
0x9e: {  	[tilespmem:s26+$0xFFFFFF70] =	vst v1;
	v1 =	vadd.f32 v63, v6;
	v5 =	vmax.f32 v8, $0.0e+00;
	v0 =	vld [tilespmem:s29+$0xE0]  }
0x9f: {  	v6 =	vmax.f32 v3, $0.0e+00;
	[tilespmem:s28+$0x40] =	vst v5;
	v3 =	vld [tilespmem:s30+$0xE0]  }
0xa0: {  	s11 =	simm.s32 $0x2D00;
	[tilespmem:s26+$0xFFFFFFF0] =	vst v6;
	v6 =	vmax.f32 v1, $0.0e+00;
	v5 =	vld [tilespmem:s29+$0x50];
	v1 =	vadd.f32 v10, v7  }
0xa1: {  	s0 =	simm.s32 $0x4;
	s2 =	simm.s32 $0xAB00;
	s31 =	sshll.u32 s24, $0x1;
	[tilespmem:s28+$0xFFFFFFD0] =	vst v6;
	v6 =	vld [tilespmem:s30+$0x50]  }
.LBB2_3:
0xa2: {  	v7 =	vld [tilespmem:s11+$0x80];
	v2 =	vadd.f32 v4, v2;
	s30 =	sadd.s32 $0x200, s30;
	v1 =	vmax.f32 v1, $0.0e+00  }
0xa3: {  	v4 =	vld [tilespmem:s30+$0x80];
	[tilespmem:s26+$0x70] =	vst v1;
	s26 =	smov.u32 s28  }
0xa4: {  	v1 =	vld [tilespmem:s30+$0xFFFFFF00];
	v2 =	vmax.f32 v2, $0.0e+00;
	v0 =	vadd.f32 v3, v0  }
0xa5: {  	v3 =	vld [tilespmem:s11+$0xFFFFFF80];
	[tilespmem:s28+$0xFFFFFF50] =	vst v2  }
0xa6: {  	v2 =	vld [tilespmem:s30+$0xFFFFFF80];
	v5 =	vadd.f32 v6, v5;
	v0 =	vmax.f32 v0, $0.0e+00  }
0xa7: {  	v6 =	vld [tilespmem:s11+$0x0];
	[tilespmem:s28+$0xE0] =	vst v0  }
0xa8: {  	v0 =	vadd.f32 v4, v7;
	v4 =	vmax.f32 v5, $0.0e+00;
	v5 =	vld [tilespmem:s29+$0xF0]  }
0xa9: {  	[tilespmem:s28+$0x50] =	vst v4;
	v4 =	vld [tilespmem:s2+$0xF0]  }
0xaa: {  	s0 =	sadd.s32 $0x4, s0;
	s28 =	sadd.s32 $0x200, s28;
	v7 =	vld [tilespmem:s30+$0x0];
	v0 =	vmax.f32 v0, $0.0e+00  }
0xab: {  	p1 =	slt.u32 s0, $0x7C;
	v8 =	vld [tilespmem:s11+$0xFFFFFF00];
	v2 =	vadd.f32 v2, v3;
	[tilespmem:s28+$0x80] =	vst v0  }
0xac: {  	v0 =	vld [tilespmem:s11+$0x90]  }
0xad: {  	v2 =	vmax.f32 v2, $0.0e+00;
	v3 =	vld [tilespmem:s30+$0x90]  }
0xae: {  	[tilespmem:s28+$0xFFFFFF80] =	vst v2;
	v2 =	vld [tilespmem:s29+$0xFFFFFF60];
	v4 =	vadd.f32 v4, v5  }
0xaf: {  	v5 =	vld [tilespmem:s11+$0xFFFFFF90];
	v6 =	vadd.f32 v7, v6  }
0xb0: {  	v1 =	vadd.f32 v1, v8;
	v7 =	vld [tilespmem:s30+$0xFFFFFF90];
	v4 =	vmax.f32 v4, $0.0e+00  }
0xb1: {  	v6 =	vmax.f32 v6, $0.0e+00;
	v8 =	vld [tilespmem:s2+$0xFFFFFF60];
	[tilespmem:s26+$0xF0] =	vst v4  }
0xb2: {  	v1 =	vmax.f32 v1, $0.0e+00;
	[tilespmem:s28+$0x0] =	vst v6;
	v0 =	vadd.f32 v3, v0;
	v3 =	vld [tilespmem:s29+$0xFFFFFFE0]  }
0xb3: {  	[tilespmem:s28+$0xFFFFFF00] =	vst v1;
	v1 =	vld [tilespmem:s11+$0x10]  }
0xb4: {  	v4 =	vld [tilespmem:s11+$0xFFFFFF10];
	v0 =	vmax.f32 v0, $0.0e+00  }
0xb5: {  	v6 =	vld [tilespmem:s30+$0xFFFFFF10];
	v5 =	vadd.f32 v7, v5;
	[tilespmem:s28+$0x90] =	vst v0  }
0xb6: {  	v0 =	vld [tilespmem:s11+$0xA0];
	v2 =	vadd.f32 v8, v2  }
0xb7: {  	v5 =	vmax.f32 v5, $0.0e+00;
	v7 =	vld [tilespmem:s30+$0xA0]  }
0xb8: {  	[tilespmem:s28+$0xFFFFFF90] =	vst v5;
	v5 =	vld [tilespmem:s30+$0x10];
	v2 =	vmax.f32 v2, $0.0e+00  }
0xb9: {  	v8 =	vld [tilespmem:s11+$0xFFFFFFA0];
	[tilespmem:s26+$0xFFFFFF60] =	vst v2  }
0xba: {  	v2 =	vadd.f32 v6, v4;
	v4 =	vld [tilespmem:s30+$0xFFFFFFA0]  }
0xbb: {  	v6 =	vld [tilespmem:s2+$0xFFFFFFE0]  }
0xbc: {  	v2 =	vmax.f32 v2, $0.0e+00;
	v0 =	vadd.f32 v7, v0;
	v7 =	vld [tilespmem:s29+$0x60]  }
0xbd: {  	[tilespmem:s28+$0xFFFFFF10] =	vst v2;
	v1 =	vadd.f32 v5, v1;
	v2 =	vld [tilespmem:s2+$0x60]  }
0xbe: {  	v5 =	vld [tilespmem:s11+$0xFFFFFF20];
	v0 =	vmax.f32 v0, $0.0e+00  }
0xbf: {  	v9 =	vld [tilespmem:s30+$0xFFFFFF20];
	v4 =	vadd.f32 v4, v8;
	v1 =	vmax.f32 v1, $0.0e+00;
	[tilespmem:s28+$0xA0] =	vst v0  }
0xc0: {  	[tilespmem:s28+$0x10] =	vst v1;
	v0 =	vld [tilespmem:s11+$0xB0];
	v1 =	vadd.f32 v6, v3  }
0xc1: {  	v3 =	vmax.f32 v4, $0.0e+00;
	v4 =	vld [tilespmem:s30+$0xB0]  }
0xc2: {  	[tilespmem:s28+$0xFFFFFFA0] =	vst v3;
	v3 =	vld [tilespmem:s11+$0x20];
	v1 =	vmax.f32 v1, $0.0e+00;
	v2 =	vadd.f32 v2, v7  }
0xc3: {  	v6 =	vld [tilespmem:s30+$0x20];
	[tilespmem:s26+$0xFFFFFFE0] =	vst v1  }
0xc4: {  	v1 =	vadd.f32 v9, v5;
	v5 =	vld [tilespmem:s11+$0xFFFFFFB0];
	v2 =	vmax.f32 v2, $0.0e+00  }
0xc5: {  	v7 =	vld [tilespmem:s30+$0xFFFFFFB0];
	[tilespmem:s26+$0x60] =	vst v2  }
0xc6: {  	v1 =	vmax.f32 v1, $0.0e+00;
	v0 =	vadd.f32 v4, v0;
	v2 =	vld [tilespmem:s29+$0xFFFFFF70]  }
0xc7: {  	[tilespmem:s28+$0xFFFFFF20] =	vst v1;
	v1 =	vld [tilespmem:s2+$0xFFFFFF70]  }
0xc8: {  	v4 =	vld [tilespmem:s11+$0xFFFFFF30];
	v3 =	vadd.f32 v6, v3;
	v0 =	vmax.f32 v0, $0.0e+00  }
0xc9: {  	v6 =	vld [tilespmem:s30+$0xFFFFFF30];
	[tilespmem:s28+$0xB0] =	vst v0  }
0xca: {  	v0 =	vadd.f32 v7, v5;
	v3 =	vmax.f32 v3, $0.0e+00;
	v5 =	vld [tilespmem:s11+$0xC0]  }
0xcb: {  	[tilespmem:s28+$0x20] =	vst v3;
	v3 =	vld [tilespmem:s30+$0xC0]  }
0xcc: {  	v0 =	vmax.f32 v0, $0.0e+00;
	v7 =	vld [tilespmem:s11+$0x30];
	v1 =	vadd.f32 v1, v2  }
0xcd: {  	[tilespmem:s28+$0xFFFFFFB0] =	vst v0;
	v0 =	vld [tilespmem:s30+$0x30]  }
0xce: {  	v2 =	vadd.f32 v6, v4;
	v4 =	vld [tilespmem:s11+$0xFFFFFFC0];
	v1 =	vmax.f32 v1, $0.0e+00  }
0xcf: {  	v6 =	vld [tilespmem:s30+$0xFFFFFFC0];
	[tilespmem:s26+$0xFFFFFF70] =	vst v1  }
0xd0: {  	v1 =	vmax.f32 v2, $0.0e+00;
	v2 =	vadd.f32 v3, v5;
	v3 =	vld [tilespmem:s29+$0xFFFFFFF0]  }
0xd1: {  	[tilespmem:s28+$0xFFFFFF30] =	vst v1;
	v1 =	vld [tilespmem:s2+$0xFFFFFFF0]  }
0xd2: {  	v5 =	vld [tilespmem:s11+$0xFFFFFF40];
	v0 =	vadd.f32 v0, v7;
	v2 =	vmax.f32 v2, $0.0e+00  }
0xd3: {  	v7 =	vld [tilespmem:s30+$0xFFFFFF40];
	[tilespmem:s28+$0xC0] =	vst v2  }
0xd4: {  	v2 =	vadd.f32 v6, v4;
	v0 =	vmax.f32 v0, $0.0e+00;
	v4 =	vld [tilespmem:s11+$0xD0]  }
0xd5: {  	[tilespmem:s28+$0x30] =	vst v0;
	v0 =	vld [tilespmem:s30+$0xD0]  }
0xd6: {  	v2 =	vmax.f32 v2, $0.0e+00;
	v6 =	vld [tilespmem:s11+$0x40];
	v1 =	vadd.f32 v1, v3  }
0xd7: {  	[tilespmem:s28+$0xFFFFFFC0] =	vst v2;
	v3 =	vld [tilespmem:s30+$0x40]  }
0xd8: {  	v2 =	vadd.f32 v7, v5;
	v5 =	vld [tilespmem:s11+$0xFFFFFFD0];
	v1 =	vmax.f32 v1, $0.0e+00  }
0xd9: {  	v7 =	vld [tilespmem:s30+$0xFFFFFFD0];
	[tilespmem:s26+$0xFFFFFFF0] =	vst v1  }
0xda: {  	v1 =	vmax.f32 v2, $0.0e+00;
	v0 =	vadd.f32 v0, v4;
	v8 =	vld [tilespmem:s29+$0x70];
	s29 =	smov.u32 s11  }
0xdb: {  	[tilespmem:s28+$0xFFFFFF40] =	vst v1;
	v1 =	vld [tilespmem:s2+$0x70];
	s2 =	smov.u32 s30  }
0xdc: {  	v2 =	vld [tilespmem:s11+$0xFFFFFF50];
	v3 =	vadd.f32 v3, v6;
	v0 =	vmax.f32 v0, $0.0e+00  }
.Ltmp0:
0xdd: {  	v4 =	vld [tilespmem:s30+$0xFFFFFF50];
	[tilespmem:s28+$0xD0] =	vst v0;
	(pc) =	sbr.rel @p1 .LBB2_3-.Ltmp0, $4  }
0xde: {  	v5 =	vadd.f32 v7, v5;
	v3 =	vmax.f32 v3, $0.0e+00;
	v0 =	vld [tilespmem:s11+$0xE0]  }
0xdf: {  	[tilespmem:s28+$0x40] =	vst v3;
	v3 =	vld [tilespmem:s30+$0xE0]  }
0xe0: {  	v6 =	vmax.f32 v5, $0.0e+00;
	v5 =	vld [tilespmem:s11+$0x50];
	v1 =	vadd.f32 v1, v8  }
0xe1: {  	s11 =	sadd.s32 $0x200, s11;
	[tilespmem:s28+$0xFFFFFFD0] =	vst v6;
	v6 =	vld [tilespmem:s30+$0x50]  }
0xe2: {  	v2 =	vadd.f32 v4, v2;
	_ =	sdelay $0x1  }
0xe3: {  	v2 =	vmax.f32 v2, $0.0e+00  }
0xe4: {  	[tilespmem:s28+$0xFFFFFF50] =	vst v2  }
0xe5: {  	v2 =	vadd.f32 v6, v5;
	v4 =	vld [tilespmem:s29+$0xFFFFFF60]  }
0xe6: {  	v5 =	vld [tilespmem:s2+$0xFFFFFF60]  }
0xe7: {  	v6 =	vld [tilespmem:s29+$0xFFFFFFE0];
	v2 =	vmax.f32 v2, $0.0e+00  }
0xe8: {  	[tilespmem:s28+$0x50] =	vst v2;
	v2 =	vld [tilespmem:s2+$0xFFFFFFE0]  }
0xe9: {  	v0 =	vadd.f32 v3, v0;
	v3 =	vld [tilespmem:s29+$0x60]  }
0xea: {  	v7 =	vld [tilespmem:s2+$0x60]  }
0xeb: {  	v0 =	vmax.f32 v0, $0.0e+00;
	v4 =	vadd.f32 v5, v4  }
0xec: {  	[tilespmem:s28+$0xE0] =	vst v0  }
0xed: {  	v0 =	vld [tilespmem:s29+$0xF0];
	v4 =	vmax.f32 v4, $0.0e+00;
	v2 =	vadd.f32 v2, v6  }
0xee: {  	v5 =	vld [tilespmem:s2+$0xF0];
	[tilespmem:s28+$0xFFFFFF60] =	vst v4  }
0xef: {  	v3 =	vadd.f32 v7, v3;
	v4 =	vld [tilespmem:s29+$0xFFFFFF70];
	v2 =	vmax.f32 v2, $0.0e+00  }
0xf0: {  	[tilespmem:s28+$0xFFFFFFE0] =	vst v2;
	v2 =	vld [tilespmem:s2+$0xFFFFFF70]  }
0xf1: {  	v3 =	vmax.f32 v3, $0.0e+00;
	v6 =	vld [tilespmem:s29+$0xFFFFFFF0]  }
0xf2: {  	[tilespmem:s28+$0x60] =	vst v3;
	v3 =	vld [tilespmem:s2+$0xFFFFFFF0]  }
0xf3: {  	v7 =	vld [tilespmem:s29+$0x70]  }
0xf4: {  	v8 =	vld [tilespmem:s2+$0x70];
	_ =	sdelay $0x1  }
0xf5: {  	v0 =	vadd.f32 v5, v0  }
0xf6: {  	v1 =	vmax.f32 v1, $0.0e+00;
	v2 =	vadd.f32 v2, v4  }
0xf7: {  	[tilespmem:s26+$0x70] =	vst v1;
	v0 =	vmax.f32 v0, $0.0e+00;
	v1 =	vadd.f32 v3, v6  }
0xf8: {  	s0 =	sshll.u32 s24, $0xF;
	[tilespmem:s28+$0xF0] =	vst v0;
	v0 =	vmax.f32 v2, $0.0e+00;
	v2 =	vadd.f32 v8, v7  }
0xf9: {  	s0 =	sadd.s32 s8, s0;
	[tilespmem:s28+$0xFFFFFF70] =	vst v0;
	v0 =	vmax.f32 v1, $0.0e+00  }
0xfa: {  	s0 =	sshrl.u32 s0, $0x3;
	[tilespmem:s28+$0xFFFFFFF0] =	vst v0;
	v0 =	vmax.f32 v2, $0.0e+00  }
0xfb: {  	s31 =	sadd.s32 $0x2, s31;
	s0 =	sadd.s32 s5, s0;
	[tilespmem:s28+$0x70] =	vst v0  }
0xfc: {  	[hbm4b:s0+s3] =	stream.linear.scatter [tilespmem:s18], [sflag:$0x3], $0x4000, $0x38;
	[tilespmem:$0x1A800] =	vst v63  }
0xfd: {  	p1 =	seq.s32 s31, $0x28;
	s0 =	sshll.u32 s31, $0x7  }
0xfe: {  	s0 =	simm.s32 @p1 $0x0  }
0xff: {  	[tilespmem:s13], [sflag:$0x1] =	stream.indirect.gather [hbm4b:s1+s12], $0x80, s0, s12, $0xb8;
	[tilespmem:$0x1A800] =	vst v63  }
0x100: {  	s0 =	sadd.s32 $0x1400, s0  }
0x101: {  	[tilespmem:s14], [sflag:$0x1] =	stream.indirect.gather [hbm4b:s4+s12], $0x80, s0, s12, $0xb8;
	[tilespmem:$0x1A800] =	vst v63  }
0x102: {  	_ =	swait.ge [sflag:s19], $0x4000  }
0x103: {  	[sflag:s19] =	ssyncset.done $0x0  }
0x104: {  	[sflag:s19] =	ssyncadd.s32 $0xFFFFC000  }
0x105: {  	_ =	swait.ge [sflag:s19], $0x4000  }
0x106: {  	[sflag:s19] =	ssyncset.done $0x0  }
0x107: {  	s0 =	simm.s32 @!p0 $0x4;
	[sflag:s19] =	ssyncadd.s32 $0xFFFFC000  }
0x108: {  	_ =	swait.ge @!p0 [sflag:s0], $0x4000  }
0x109: {  	[sflag:s0] =	ssyncset.done @!p0 $0x0  }
0x10a: {  	s2 =	simm.s32 $0x6900;
	[sflag:s0] =	ssyncadd.s32 @!p0 $0xFFFFC000  }
0x10b: {  	s11 =	simm.s32 $0xE900;
	v0 =	vld [tilespmem:s2+$0x80]  }
0x10c: {  	v1 =	vld [tilespmem:s11+$0x80];
	_ =	sdelay $0x4  }
0x10d: {  	v2 =	vld [tilespmem:s2+$0xFFFFFF80];
	v0 =	vadd.f32 v1, v0  }
0x10e: {  	v1 =	vld [tilespmem:s11+$0xFFFFFF80]  }
0x10f: {  	s26 =	simm.s32 $0x16900;
	v3 =	vld [tilespmem:s11+$0xFFFFFF00];
	v0 =	vmax.f32 v0, $0.0e+00  }
0x110: {  	v4 =	vld [tilespmem:s2+$0xFFFFFF00];
	[tilespmem:s26+$0x80] =	vst v0  }
0x111: {  	v0 =	vld [tilespmem:s2+$0x90]  }
0x112: {  	v5 =	vld [tilespmem:s11+$0x90]  }
0x113: {  	v6 =	vld [tilespmem:s2+$0x0];
	v1 =	vadd.f32 v1, v2  }
0x114: {  	v2 =	vld [tilespmem:s11+$0x0]  }
0x115: {  	v3 =	vadd.f32 v3, v4;
	v1 =	vmax.f32 v1, $0.0e+00  }
0x116: {  	[tilespmem:s26+$0xFFFFFF80] =	vst v1  }
0x117: {  	v3 =	vmax.f32 v3, $0.0e+00;
	v1 =	vld [tilespmem:s2+$0xFFFFFF90];
	v0 =	vadd.f32 v5, v0  }
0x118: {  	[tilespmem:s26+$0xFFFFFF00] =	vst v3;
	v4 =	vld [tilespmem:s11+$0xFFFFFF90]  }
0x119: {  	v3 =	vld [tilespmem:s2+$0xFFFFFF10];
	v2 =	vadd.f32 v2, v6;
	v0 =	vmax.f32 v0, $0.0e+00  }
0x11a: {  	v5 =	vld [tilespmem:s11+$0xFFFFFF10];
	[tilespmem:s26+$0x90] =	vst v0  }
0x11b: {  	v0 =	vmax.f32 v2, $0.0e+00;
	v2 =	vld [tilespmem:s2+$0xA0]  }
0x11c: {  	[tilespmem:s26+$0x0] =	vst v0;
	v0 =	vld [tilespmem:s11+$0xA0]  }
0x11d: {  	v6 =	vld [tilespmem:s2+$0x10];
	v1 =	vadd.f32 v4, v1  }
0x11e: {  	v4 =	vld [tilespmem:s11+$0x10]  }
0x11f: {  	v1 =	vmax.f32 v1, $0.0e+00  }
0x120: {  	v3 =	vadd.f32 v5, v3;
	[tilespmem:s26+$0xFFFFFF90] =	vst v1  }
0x121: {  	v1 =	vld [tilespmem:s2+$0xFFFFFFA0];
	v0 =	vadd.f32 v0, v2  }
0x122: {  	v3 =	vmax.f32 v3, $0.0e+00;
	v2 =	vld [tilespmem:s11+$0xFFFFFFA0]  }
0x123: {  	[tilespmem:s26+$0xFFFFFF10] =	vst v3;
	v3 =	vadd.f32 v4, v6;
	v0 =	vmax.f32 v0, $0.0e+00  }
0x124: {  	[tilespmem:s26+$0xA0] =	vst v0  }
0x125: {  	v0 =	vmax.f32 v3, $0.0e+00;
	v3 =	vld [tilespmem:s2+$0xB0]  }
0x126: {  	[tilespmem:s26+$0x10] =	vst v0;
	v0 =	vld [tilespmem:s11+$0xB0]  }
0x127: {  	v1 =	vadd.f32 v2, v1;
	v2 =	vld [tilespmem:s2+$0x20]  }
0x128: {  	v6 =	vld [tilespmem:s11+$0x20]  }
0x129: {  	v5 =	vld [tilespmem:s11+$0xFFFFFF20];
	v1 =	vmax.f32 v1, $0.0e+00  }
0x12a: {  	v4 =	vld [tilespmem:s2+$0xFFFFFF20];
	[tilespmem:s26+$0xFFFFFFA0] =	vst v1  }
0x12b: {  	v1 =	vld [tilespmem:s2+$0xFFFFFFB0];
	v0 =	vadd.f32 v0, v3  }
0x12c: {  	v3 =	vld [tilespmem:s11+$0xFFFFFFB0]  }
0x12d: {  	v2 =	vadd.f32 v6, v2;
	v0 =	vmax.f32 v0, $0.0e+00  }
0x12e: {  	[tilespmem:s26+$0xB0] =	vst v0  }
0x12f: {  	v4 =	vadd.f32 v5, v4;
	v0 =	vmax.f32 v2, $0.0e+00;
	v2 =	vld [tilespmem:s2+$0xC0]  }
0x130: {  	[tilespmem:s26+$0x20] =	vst v0;
	v0 =	vld [tilespmem:s11+$0xC0]  }
0x131: {  	v4 =	vmax.f32 v4, $0.0e+00;
	v1 =	vadd.f32 v3, v1;
	v3 =	vld [tilespmem:s2+$0x30]  }
0x132: {  	[tilespmem:s26+$0xFFFFFF20] =	vst v4;
	v6 =	vld [tilespmem:s11+$0x30]  }
0x133: {  	v4 =	vld [tilespmem:s2+$0xFFFFFF30];
	v1 =	vmax.f32 v1, $0.0e+00  }
0x134: {  	v5 =	vld [tilespmem:s11+$0xFFFFFF30];
	[tilespmem:s26+$0xFFFFFFB0] =	vst v1  }
0x135: {  	v1 =	vld [tilespmem:s2+$0xFFFFFFC0];
	v0 =	vadd.f32 v0, v2  }
0x136: {  	v2 =	vld [tilespmem:s11+$0xFFFFFFC0]  }
0x137: {  	s30 =	simm.s32 $0xEB00;
	v3 =	vadd.f32 v6, v3;
	v0 =	vmax.f32 v0, $0.0e+00  }
0x138: {  	v10 =	vld [tilespmem:s30+$0xFFFFFF00];
	[tilespmem:s26+$0xC0] =	vst v0  }
0x139: {  	v0 =	vmax.f32 v3, $0.0e+00;
	v3 =	vld [tilespmem:s2+$0xD0]  }
0x13a: {  	v4 =	vadd.f32 v5, v4;
	[tilespmem:s26+$0x30] =	vst v0;
	v0 =	vld [tilespmem:s11+$0xD0]  }
0x13b: {  	v1 =	vadd.f32 v2, v1;
	v2 =	vld [tilespmem:s2+$0x40]  }
0x13c: {  	s29 =	simm.s32 $0x6B00;
	v4 =	vmax.f32 v4, $0.0e+00;
	v6 =	vld [tilespmem:s11+$0x40]  }
0x13d: {  	v53 =	vld [tilespmem:s29+$0xFFFFFF00];
	[tilespmem:s26+$0xFFFFFF30] =	vst v4  }
0x13e: {  	v4 =	vld [tilespmem:s2+$0xFFFFFF40]  }
0x13f: {  	v5 =	vld [tilespmem:s11+$0xFFFFFF40];
	v0 =	vadd.f32 v0, v3  }
0x140: {  	v8 =	vld [tilespmem:s29+$0x80]  }
0x141: {  	v9 =	vld [tilespmem:s30+$0x80];
	v2 =	vadd.f32 v6, v2;
	v0 =	vmax.f32 v0, $0.0e+00  }
0x142: {  	v11 =	vld [tilespmem:s30+$0xFFFFFF80];
	v10 =	vadd.f32 v10, v53;
	[tilespmem:s26+$0xD0] =	vst v0  }
0x143: {  	v0 =	vmax.f32 v2, $0.0e+00;
	v2 =	vld [tilespmem:s2+$0xE0]  }
0x144: {  	s28 =	simm.s32 $0x16B00;
	v10 =	vmax.f32 v10, $0.0e+00;
	v4 =	vadd.f32 v5, v4;
	[tilespmem:s26+$0x40] =	vst v0;
	v0 =	vld [tilespmem:s11+$0xE0]  }
0x145: {  	v12 =	vld [tilespmem:s29+$0x0];
	[tilespmem:s28+$0xFFFFFF00] =	vst v10;
	v1 =	vmax.f32 v1, $0.0e+00  }
0x146: {  	v10 =	vld [tilespmem:s29+$0xFFFFFF10];
	[tilespmem:s26+$0xFFFFFFC0] =	vst v1;
	v4 =	vmax.f32 v4, $0.0e+00  }
0x147: {  	v1 =	vld [tilespmem:s2+$0xFFFFFFD0];
	[tilespmem:s26+$0xFFFFFF40] =	vst v4  }
0x148: {  	v4 =	vld [tilespmem:s2+$0xFFFFFF50]  }
0x149: {  	v5 =	vld [tilespmem:s11+$0xFFFFFF50];
	v0 =	vadd.f32 v0, v2  }
0x14a: {  	v2 =	vld [tilespmem:s29+$0xFFFFFF80]  }
0x14b: {  	v3 =	vld [tilespmem:s11+$0xFFFFFFD0];
	v0 =	vmax.f32 v0, $0.0e+00  }
0x14c: {  	v6 =	vld [tilespmem:s2+$0x50];
	[tilespmem:s26+$0xE0] =	vst v0;
	v0 =	vadd.f32 v9, v8  }
0x14d: {  	v7 =	vld [tilespmem:s11+$0x50]  }
0x14e: {  	v4 =	vadd.f32 v5, v4;
	v5 =	vld [tilespmem:s30+$0x0];
	v0 =	vmax.f32 v0, $0.0e+00  }
0x14f: {  	v55 =	vld [tilespmem:s30+$0xFFFFFF10];
	v2 =	vadd.f32 v11, v2;
	[tilespmem:s28+$0x80] =	vst v0  }
0x150: {  	v0 =	vmax.f32 v4, $0.0e+00;
	v4 =	vld [tilespmem:s29+$0x90]  }
0x151: {  	v1 =	vadd.f32 v3, v1;
	[tilespmem:s26+$0xFFFFFF50] =	vst v0;
	v0 =	vmax.f32 v2, $0.0e+00;
	v2 =	vld [tilespmem:s30+$0x90]  }
0x152: {  	v6 =	vadd.f32 v7, v6;
	v8 =	vld [tilespmem:s2+$0xF0]  }
0x153: {  	v1 =	vmax.f32 v1, $0.0e+00;
	v5 =	vadd.f32 v5, v12;
	v52 =	vld [tilespmem:s11+$0xF0];
	[tilespmem:s28+$0xFFFFFF80] =	vst v0  }
0x154: {  	[tilespmem:s26+$0xFFFFFFD0] =	vst v1;
	v6 =	vmax.f32 v6, $0.0e+00;
	v3 =	vld [tilespmem:s29+$0xFFFFFF90]  }
0x155: {  	v1 =	vmax.f32 v5, $0.0e+00;
	[tilespmem:s26+$0x50] =	vst v6;
	v54 =	vld [tilespmem:s30+$0xFFFFFF90]  }
0x156: {  	v6 =	vld [tilespmem:s11+$0xFFFFFFE0];
	[tilespmem:s28+$0x0] =	vst v1;
	v1 =	vadd.f32 v2, v4  }
0x157: {  	v58 =	vld [tilespmem:s2+$0x60]  }
0x158: {  	v59 =	vld [tilespmem:s11+$0x60];
	v1 =	vmax.f32 v1, $0.0e+00  }
0x159: {  	v0 =	vld [tilespmem:s2+$0xFFFFFF60];
	[tilespmem:s28+$0x90] =	vst v1  }
0x15a: {  	v3 =	vadd.f32 v54, v3;
	v1 =	vld [tilespmem:s29+$0xA0]  }
0x15b: {  	v56 =	vld [tilespmem:s30+$0xA0]  }
0x15c: {  	v4 =	vld [tilespmem:s29+$0x10];
	v3 =	vmax.f32 v3, $0.0e+00  }
0x15d: {  	[tilespmem:s28+$0xFFFFFF90] =	vst v3;
	v3 =	vld [tilespmem:s30+$0x10]  }
0x15e: {  	v10 =	vadd.f32 v55, v10;
	v7 =	vld [tilespmem:s29+$0xFFFFFFA0]  }
0x15f: {  	v57 =	vld [tilespmem:s30+$0xFFFFFFA0]  }
0x160: {  	v10 =	vmax.f32 v10, $0.0e+00;
	v5 =	vld [tilespmem:s11+$0xFFFFFF60];
	v1 =	vadd.f32 v56, v1  }
0x161: {  	[tilespmem:s28+$0xFFFFFF10] =	vst v10;
	v2 =	vld [tilespmem:s2+$0xFFFFFFE0]  }
0x162: {  	v3 =	vadd.f32 v3, v4;
	v4 =	vld [tilespmem:s29+$0xFFFFFF20];
	v1 =	vmax.f32 v1, $0.0e+00  }
0x163: {  	[tilespmem:s28+$0xA0] =	vst v1;
	v1 =	vld [tilespmem:s30+$0xFFFFFF20]  }
0x164: {  	v7 =	vadd.f32 v57, v7;
	v3 =	vmax.f32 v3, $0.0e+00;
	v60 =	vld [tilespmem:s29+$0xB0]  }
0x165: {  	v0 =	vadd.f32 v5, v0;
	[tilespmem:s28+$0x10] =	vst v3;
	v3 =	vld [tilespmem:s30+$0xB0]  }
0x166: {  	v5 =	vmax.f32 v7, $0.0e+00;
	v7 =	vld [tilespmem:s29+$0x20]  }
0x167: {  	v0 =	vmax.f32 v0, $0.0e+00;
	[tilespmem:s28+$0xFFFFFFA0] =	vst v5;
	v5 =	vld [tilespmem:s30+$0x20]  }
0x168: {  	[tilespmem:s26+$0xFFFFFF60] =	vst v0;
	v0 =	vld [tilespmem:s30+$0xFFFFFFB0];
	v1 =	vadd.f32 v1, v4  }
0x169: {  	v4 =	vld [tilespmem:s29+$0xFFFFFFB0]  }
0x16a: {  	v61 =	vld [tilespmem:s2+$0xFFFFFF70];
	v3 =	vadd.f32 v3, v60;
	v1 =	vmax.f32 v1, $0.0e+00  }
0x16b: {  	[tilespmem:s28+$0xFFFFFF20] =	vst v1;
	v1 =	vld [tilespmem:s11+$0xFFFFFF70]  }
0x16c: {  	v5 =	vadd.f32 v5, v7;
	v3 =	vmax.f32 v3, $0.0e+00;
	v7 =	vld [tilespmem:s29+$0xFFFFFF30]  }
0x16d: {  	[tilespmem:s28+$0xB0] =	vst v3;
	v3 =	vld [tilespmem:s30+$0xFFFFFF30]  }
0x16e: {  	v0 =	vadd.f32 v0, v4;
	v4 =	vmax.f32 v5, $0.0e+00;
	v5 =	vld [tilespmem:s29+$0xC0]  }
0x16f: {  	[tilespmem:s28+$0x20] =	vst v4;
	v4 =	vld [tilespmem:s30+$0xC0]  }
0x170: {  	v2 =	vadd.f32 v6, v2;
	v0 =	vmax.f32 v0, $0.0e+00;
	v6 =	vld [tilespmem:s29+$0x30]  }
0x171: {  	[tilespmem:s28+$0xFFFFFFB0] =	vst v0;
	v0 =	vld [tilespmem:s30+$0x30]  }
0x172: {  	v2 =	vmax.f32 v2, $0.0e+00;
	v3 =	vadd.f32 v3, v7;
	v7 =	vld [tilespmem:s29+$0xFFFFFFC0]  }
0x173: {  	[tilespmem:s26+$0xFFFFFFE0] =	vst v2;
	v2 =	vld [tilespmem:s30+$0xFFFFFFC0]  }
0x174: {  	v3 =	vmax.f32 v3, $0.0e+00;
	v4 =	vadd.f32 v4, v5;
	v5 =	vld [tilespmem:s2+$0xFFFFFFF0]  }
0x175: {  	[tilespmem:s28+$0xFFFFFF30] =	vst v3;
	v3 =	vld [tilespmem:s11+$0xFFFFFFF0]  }
0x176: {  	v0 =	vadd.f32 v0, v6;
	v6 =	vld [tilespmem:s29+$0xFFFFFF40];
	v4 =	vmax.f32 v4, $0.0e+00  }
0x177: {  	[tilespmem:s28+$0xC0] =	vst v4;
	v4 =	vld [tilespmem:s30+$0xFFFFFF40]  }
0x178: {  	v2 =	vadd.f32 v2, v7;
	v0 =	vmax.f32 v0, $0.0e+00;
	v7 =	vld [tilespmem:s29+$0xD0]  }
0x179: {  	[tilespmem:s28+$0x30] =	vst v0;
	v0 =	vld [tilespmem:s30+$0xD0]  }
0x17a: {  	v10 =	vadd.f32 v59, v58;
	v2 =	vmax.f32 v2, $0.0e+00;
	v62 =	vld [tilespmem:s29+$0x40]  }
0x17b: {  	[tilespmem:s28+$0xFFFFFFC0] =	vst v2;
	v2 =	vld [tilespmem:s30+$0x40]  }
0x17c: {  	v10 =	vmax.f32 v10, $0.0e+00;
	v63 =	vld [tilespmem:s30+$0xFFFFFFD0];
	v4 =	vadd.f32 v4, v6  }
0x17d: {  	v8 =	vadd.f32 v52, v8;
	[tilespmem:s26+$0x60] =	vst v10;
	v6 =	vld [tilespmem:s29+$0xFFFFFFD0]  }
0x17e: {  	v10 =	vld [tilespmem:s11+$0x70];
	v4 =	vmax.f32 v4, $0.0e+00;
	v0 =	vadd.f32 v0, v7  }
0x17f: {  	v8 =	vmax.f32 v8, $0.0e+00;
	v1 =	vadd.f32 v1, v61;
	v7 =	vld [tilespmem:s2+$0x70];
	[tilespmem:s28+$0xFFFFFF40] =	vst v4  }
0x180: {  	[tilespmem:s26+$0xF0] =	vst v8;
	v8 =	vadd.f32 v2, v62;
	v2 =	vld [tilespmem:s29+$0xFFFFFF50];
	v0 =	vmax.f32 v0, $0.0e+00  }
0x181: {  	v1 =	vmax.f32 v1, $0.0e+00;
	v3 =	vadd.f32 v3, v5;
	v4 =	vld [tilespmem:s30+$0xFFFFFF50];
	[tilespmem:s28+$0xD0] =	vst v0  }
0x182: {  	[tilespmem:s26+$0xFFFFFF70] =	vst v1;
	v0 =	vadd.f32 v63, v6;
	v5 =	vmax.f32 v8, $0.0e+00;
	v1 =	vld [tilespmem:s29+$0xE0]  }
0x183: {  	v6 =	vmax.f32 v3, $0.0e+00;
	[tilespmem:s28+$0x40] =	vst v5;
	v3 =	vld [tilespmem:s30+$0xE0]  }
0x184: {  	[tilespmem:s26+$0xFFFFFFF0] =	vst v6;
	v6 =	vmax.f32 v0, $0.0e+00;
	v5 =	vld [tilespmem:s29+$0x50];
	v0 =	vadd.f32 v10, v7  }
0x185: {  	s0 =	simm.s32 $0x4;
	s11 =	simm.s32 $0x6D00;
	s2 =	simm.s32 $0xEB00;
	[tilespmem:s28+$0xFFFFFFD0] =	vst v6;
	v6 =	vld [tilespmem:s30+$0x50]  }
.LBB2_5:
0x186: {  	v7 =	vld [tilespmem:s11+$0x80];
	v2 =	vadd.f32 v4, v2;
	s30 =	sadd.s32 $0x200, s30;
	v0 =	vmax.f32 v0, $0.0e+00  }
0x187: {  	v4 =	vld [tilespmem:s30+$0x80];
	[tilespmem:s26+$0x70] =	vst v0;
	s26 =	smov.u32 s28  }
0x188: {  	v0 =	vld [tilespmem:s30+$0xFFFFFF00];
	v2 =	vmax.f32 v2, $0.0e+00;
	v1 =	vadd.f32 v3, v1  }
0x189: {  	v3 =	vld [tilespmem:s11+$0xFFFFFF80];
	[tilespmem:s28+$0xFFFFFF50] =	vst v2  }
0x18a: {  	v2 =	vld [tilespmem:s30+$0xFFFFFF80];
	v5 =	vadd.f32 v6, v5;
	v1 =	vmax.f32 v1, $0.0e+00  }
0x18b: {  	v6 =	vld [tilespmem:s11+$0x0];
	[tilespmem:s28+$0xE0] =	vst v1  }
0x18c: {  	v1 =	vadd.f32 v4, v7;
	v4 =	vmax.f32 v5, $0.0e+00;
	v5 =	vld [tilespmem:s29+$0xF0]  }
0x18d: {  	[tilespmem:s28+$0x50] =	vst v4;
	v4 =	vld [tilespmem:s2+$0xF0]  }
0x18e: {  	s0 =	sadd.s32 $0x4, s0;
	s28 =	sadd.s32 $0x200, s28;
	v7 =	vld [tilespmem:s30+$0x0];
	v1 =	vmax.f32 v1, $0.0e+00  }
0x18f: {  	p0 =	slt.u32 s0, $0x7C;
	v8 =	vld [tilespmem:s11+$0xFFFFFF00];
	v2 =	vadd.f32 v2, v3;
	[tilespmem:s28+$0x80] =	vst v1  }
0x190: {  	v1 =	vld [tilespmem:s11+$0x90]  }
0x191: {  	v2 =	vmax.f32 v2, $0.0e+00;
	v3 =	vld [tilespmem:s30+$0x90]  }
0x192: {  	[tilespmem:s28+$0xFFFFFF80] =	vst v2;
	v2 =	vld [tilespmem:s29+$0xFFFFFF60];
	v4 =	vadd.f32 v4, v5  }
0x193: {  	v5 =	vld [tilespmem:s11+$0xFFFFFF90];
	v6 =	vadd.f32 v7, v6  }
0x194: {  	v0 =	vadd.f32 v0, v8;
	v7 =	vld [tilespmem:s30+$0xFFFFFF90];
	v4 =	vmax.f32 v4, $0.0e+00  }
0x195: {  	v6 =	vmax.f32 v6, $0.0e+00;
	v8 =	vld [tilespmem:s2+$0xFFFFFF60];
	[tilespmem:s26+$0xF0] =	vst v4  }
0x196: {  	v0 =	vmax.f32 v0, $0.0e+00;
	[tilespmem:s28+$0x0] =	vst v6;
	v1 =	vadd.f32 v3, v1;
	v3 =	vld [tilespmem:s29+$0xFFFFFFE0]  }
0x197: {  	[tilespmem:s28+$0xFFFFFF00] =	vst v0;
	v0 =	vld [tilespmem:s11+$0x10]  }
0x198: {  	v4 =	vld [tilespmem:s11+$0xFFFFFF10];
	v1 =	vmax.f32 v1, $0.0e+00  }
0x199: {  	v6 =	vld [tilespmem:s30+$0xFFFFFF10];
	v5 =	vadd.f32 v7, v5;
	[tilespmem:s28+$0x90] =	vst v1  }
0x19a: {  	v1 =	vld [tilespmem:s11+$0xA0];
	v2 =	vadd.f32 v8, v2  }
0x19b: {  	v5 =	vmax.f32 v5, $0.0e+00;
	v7 =	vld [tilespmem:s30+$0xA0]  }
0x19c: {  	[tilespmem:s28+$0xFFFFFF90] =	vst v5;
	v5 =	vld [tilespmem:s30+$0x10];
	v2 =	vmax.f32 v2, $0.0e+00  }
0x19d: {  	v8 =	vld [tilespmem:s11+$0xFFFFFFA0];
	[tilespmem:s26+$0xFFFFFF60] =	vst v2  }
0x19e: {  	v2 =	vadd.f32 v6, v4;
	v4 =	vld [tilespmem:s30+$0xFFFFFFA0]  }
0x19f: {  	v6 =	vld [tilespmem:s2+$0xFFFFFFE0]  }
0x1a0: {  	v2 =	vmax.f32 v2, $0.0e+00;
	v1 =	vadd.f32 v7, v1;
	v7 =	vld [tilespmem:s29+$0x60]  }
0x1a1: {  	[tilespmem:s28+$0xFFFFFF10] =	vst v2;
	v0 =	vadd.f32 v5, v0;
	v2 =	vld [tilespmem:s2+$0x60]  }
0x1a2: {  	v5 =	vld [tilespmem:s11+$0xFFFFFF20];
	v1 =	vmax.f32 v1, $0.0e+00  }
0x1a3: {  	v9 =	vld [tilespmem:s30+$0xFFFFFF20];
	v4 =	vadd.f32 v4, v8;
	v0 =	vmax.f32 v0, $0.0e+00;
	[tilespmem:s28+$0xA0] =	vst v1  }
0x1a4: {  	[tilespmem:s28+$0x10] =	vst v0;
	v0 =	vld [tilespmem:s11+$0xB0];
	v1 =	vadd.f32 v6, v3  }
0x1a5: {  	v3 =	vmax.f32 v4, $0.0e+00;
	v4 =	vld [tilespmem:s30+$0xB0]  }
0x1a6: {  	[tilespmem:s28+$0xFFFFFFA0] =	vst v3;
	v3 =	vld [tilespmem:s11+$0x20];
	v1 =	vmax.f32 v1, $0.0e+00;
	v2 =	vadd.f32 v2, v7  }
0x1a7: {  	v6 =	vld [tilespmem:s30+$0x20];
	[tilespmem:s26+$0xFFFFFFE0] =	vst v1  }
0x1a8: {  	v1 =	vadd.f32 v9, v5;
	v5 =	vld [tilespmem:s11+$0xFFFFFFB0];
	v2 =	vmax.f32 v2, $0.0e+00  }
0x1a9: {  	v7 =	vld [tilespmem:s30+$0xFFFFFFB0];
	[tilespmem:s26+$0x60] =	vst v2  }
0x1aa: {  	v1 =	vmax.f32 v1, $0.0e+00;
	v0 =	vadd.f32 v4, v0;
	v2 =	vld [tilespmem:s29+$0xFFFFFF70]  }
0x1ab: {  	[tilespmem:s28+$0xFFFFFF20] =	vst v1;
	v1 =	vld [tilespmem:s2+$0xFFFFFF70]  }
0x1ac: {  	v4 =	vld [tilespmem:s11+$0xFFFFFF30];
	v3 =	vadd.f32 v6, v3;
	v0 =	vmax.f32 v0, $0.0e+00  }
0x1ad: {  	v6 =	vld [tilespmem:s30+$0xFFFFFF30];
	[tilespmem:s28+$0xB0] =	vst v0  }
0x1ae: {  	v0 =	vadd.f32 v7, v5;
	v3 =	vmax.f32 v3, $0.0e+00;
	v5 =	vld [tilespmem:s11+$0xC0]  }
0x1af: {  	[tilespmem:s28+$0x20] =	vst v3;
	v3 =	vld [tilespmem:s30+$0xC0]  }
0x1b0: {  	v0 =	vmax.f32 v0, $0.0e+00;
	v7 =	vld [tilespmem:s11+$0x30];
	v1 =	vadd.f32 v1, v2  }
0x1b1: {  	[tilespmem:s28+$0xFFFFFFB0] =	vst v0;
	v0 =	vld [tilespmem:s30+$0x30]  }
0x1b2: {  	v2 =	vadd.f32 v6, v4;
	v4 =	vld [tilespmem:s11+$0xFFFFFFC0];
	v1 =	vmax.f32 v1, $0.0e+00  }
0x1b3: {  	v6 =	vld [tilespmem:s30+$0xFFFFFFC0];
	[tilespmem:s26+$0xFFFFFF70] =	vst v1  }
0x1b4: {  	v1 =	vmax.f32 v2, $0.0e+00;
	v2 =	vadd.f32 v3, v5;
	v3 =	vld [tilespmem:s29+$0xFFFFFFF0]  }
0x1b5: {  	[tilespmem:s28+$0xFFFFFF30] =	vst v1;
	v1 =	vld [tilespmem:s2+$0xFFFFFFF0]  }
0x1b6: {  	v5 =	vld [tilespmem:s11+$0xFFFFFF40];
	v0 =	vadd.f32 v0, v7;
	v2 =	vmax.f32 v2, $0.0e+00  }
0x1b7: {  	v7 =	vld [tilespmem:s30+$0xFFFFFF40];
	[tilespmem:s28+$0xC0] =	vst v2  }
0x1b8: {  	v2 =	vadd.f32 v6, v4;
	v0 =	vmax.f32 v0, $0.0e+00;
	v4 =	vld [tilespmem:s11+$0xD0]  }
0x1b9: {  	[tilespmem:s28+$0x30] =	vst v0;
	v0 =	vld [tilespmem:s30+$0xD0]  }
0x1ba: {  	v2 =	vmax.f32 v2, $0.0e+00;
	v6 =	vld [tilespmem:s11+$0x40];
	v1 =	vadd.f32 v1, v3  }
0x1bb: {  	[tilespmem:s28+$0xFFFFFFC0] =	vst v2;
	v3 =	vld [tilespmem:s30+$0x40]  }
0x1bc: {  	v2 =	vadd.f32 v7, v5;
	v5 =	vld [tilespmem:s11+$0xFFFFFFD0];
	v1 =	vmax.f32 v1, $0.0e+00  }
0x1bd: {  	v7 =	vld [tilespmem:s30+$0xFFFFFFD0];
	[tilespmem:s26+$0xFFFFFFF0] =	vst v1  }
0x1be: {  	v1 =	vmax.f32 v2, $0.0e+00;
	v0 =	vadd.f32 v0, v4;
	v8 =	vld [tilespmem:s29+$0x70];
	s29 =	smov.u32 s11  }
0x1bf: {  	[tilespmem:s28+$0xFFFFFF40] =	vst v1;
	v9 =	vld [tilespmem:s2+$0x70];
	s2 =	smov.u32 s30  }
0x1c0: {  	v2 =	vld [tilespmem:s11+$0xFFFFFF50];
	v1 =	vadd.f32 v3, v6;
	v0 =	vmax.f32 v0, $0.0e+00  }
.Ltmp1:
0x1c1: {  	v4 =	vld [tilespmem:s30+$0xFFFFFF50];
	[tilespmem:s28+$0xD0] =	vst v0;
	(pc) =	sbr.rel @p0 .LBB2_5-.Ltmp1, $4  }
0x1c2: {  	v0 =	vadd.f32 v7, v5;
	v3 =	vmax.f32 v1, $0.0e+00;
	v1 =	vld [tilespmem:s11+$0xE0]  }
0x1c3: {  	[tilespmem:s28+$0x40] =	vst v3;
	v3 =	vld [tilespmem:s30+$0xE0]  }
0x1c4: {  	v6 =	vmax.f32 v0, $0.0e+00;
	v5 =	vld [tilespmem:s11+$0x50];
	v0 =	vadd.f32 v9, v8  }
0x1c5: {  	s11 =	sadd.s32 $0x200, s11;
	[tilespmem:s28+$0xFFFFFFD0] =	vst v6;
	v6 =	vld [tilespmem:s30+$0x50]  }
0x1c6: {  	_ =	sdelay $0x1  }
0x1c7: {  	v2 =	vadd.f32 v4, v2;
	_ =	sdelay $0x1  }
0x1c8: {  	v50 =	vld [tilespmem:s29+$0xFFFFFFE0];
	v2 =	vmax.f32 v2, $0.0e+00;
	v47 =	vadd.f32 v6, v5  }
0x1c9: {  	v51 =	vld [tilespmem:s2+$0xFFFFFFE0];
	[tilespmem:s28+$0xFFFFFF50] =	vst v2  }
0x1ca: {  	v48 =	vld [tilespmem:s29+$0xFFFFFF60];
	v2 =	vmax.f32 v47, $0.0e+00  }
0x1cb: {  	v49 =	vld [tilespmem:s2+$0xFFFFFF60];
	[tilespmem:s28+$0x50] =	vst v2  }
0x1cc: {  	v1 =	vadd.f32 v3, v1;
	v52 =	vld [tilespmem:s29+$0x60]  }
0x1cd: {  	v7 =	vld [tilespmem:s2+$0x60]  }
0x1ce: {  	v1 =	vmax.f32 v1, $0.0e+00;
	v2 =	vadd.f32 v51, v50  }
0x1cf: {  	[tilespmem:s28+$0xE0] =	vst v1  }
0x1d0: {  	v1 =	vld [tilespmem:s29+$0xF0];
	v4 =	vadd.f32 v49, v48;
	v2 =	vmax.f32 v2, $0.0e+00  }
0x1d1: {  	v53 =	vld [tilespmem:s2+$0xF0];
	[tilespmem:s28+$0xFFFFFFE0] =	vst v2  }
0x1d2: {  	v4 =	vmax.f32 v4, $0.0e+00;
	v55 =	vld [tilespmem:s29+$0xFFFFFFF0];
	v3 =	vadd.f32 v7, v52  }
0x1d3: {  	v56 =	vld [tilespmem:s2+$0xFFFFFFF0];
	[tilespmem:s28+$0xFFFFFF60] =	vst v4  }
0x1d4: {  	v4 =	vld [tilespmem:s29+$0xFFFFFF70];
	v3 =	vmax.f32 v3, $0.0e+00  }
0x1d5: {  	v54 =	vld [tilespmem:s2+$0xFFFFFF70];
	[tilespmem:s28+$0x60] =	vst v3  }
0x1d6: {  	v57 =	vld [tilespmem:s29+$0x70]  }
0x1d7: {  	v8 =	vld [tilespmem:s2+$0x70];
	_ =	sdelay $0x1  }
0x1d8: {  	v1 =	vadd.f32 v53, v1  }
0x1d9: {  	v0 =	vmax.f32 v0, $0.0e+00;
	s24 =	sadd.s32 $0x1, s24;
	v59 =	vadd.f32 v56, v55  }
0x1da: {  	[tilespmem:s26+$0x70] =	vst v0;
	p0 =	sne.s32 s24, $0x14;
	v58 =	vmax.f32 v1, $0.0e+00;
	v2 =	vadd.f32 v54, v4  }
.Ltmp2:
0x1db: {  	s0 =	sshll.u32 s25, $0xE;
	[tilespmem:s28+$0xF0] =	vst v58;
	v62 =	vmax.f32 v59, $0.0e+00;
	v61 =	vadd.f32 v8, v57;
	(pc) =	sbr.rel @p0 .LBB2_2-.Ltmp2, $4  }
0x1dc: {  	s0 =	sadd.s32 s8, s0;
	[tilespmem:s28+$0xFFFFFFF0] =	vst v62;
	v60 =	vmax.f32 v2, $0.0e+00  }
0x1dd: {  	s0 =	sshrl.u32 s0, $0x3;
	[tilespmem:s28+$0xFFFFFF70] =	vst v60;
	v63 =	vmax.f32 v61, $0.0e+00  }
0x1de: {  	s0 =	sadd.s32 s5, s0;
	[tilespmem:s28+$0x70] =	vst v63  }
0x1df: {  	[hbm4b:s0+s3] =	stream.linear.scatter [tilespmem:s20], [sflag:$0x4], $0x4000, $0x38;
	[tilespmem:$0x1A800] =	vst v63  }
0x1e0: {  	_ =	swait.ge [sflag:s17], $0x4000  }
0x1e1: {  	[sflag:s17] =	ssyncset.done $0x0  }
0x1e2: {  	[sflag:s17] =	ssyncadd.s32 $0xFFFFC000  }
0x1e3: {  	_ =	swait.ge [sflag:s17], $0x4000  }
0x1e4: {  	[sflag:s17] =	ssyncset.done $0x0  }
0x1e5: {  	s23 =	sadd.s32 $0x1, s23;
	[sflag:s17] =	ssyncadd.s32 $0xFFFFC000  }
0x1e6: {  	p0 =	sne.s32 s23, s9;
	_ =	swait.ge [sflag:s21], $0x4000  }
.Ltmp3:
0x1e7: {  	[sflag:s21] =	ssyncset.done $0x0;
	(pc) =	sbr.rel @p0 .LBB2_1-.Ltmp3, $4  }
0x1e8: {  	[sflag:s21] =	ssyncadd.s32 $0xFFFFC000  }
0x1e9: {  	_ =	swait.ge [sflag:s22], $0x4000  }
0x1ea: {  	[sflag:s22] =	ssyncset.done $0x0  }
0x1eb: {  	[sflag:s22] =	ssyncadd.s32 $0xFFFFC000  }
0x1ec: {  	_ =	sfence.sel $0x180000  }
0x1ed: {  	[bflag:$0x0] =	sbarrier.arrive $0xFFFF  }
0x1ee: {  	_ =	strace $0x90000047  }
0x1ef: {  	s0 =	stileid.u32;
	[bflag:$0x2] =	sbarrier.arrive $0xFFFF  }
0x1f0: {  	p0 =	sne.s32 s0, $0x0;
	s0 =	rddreg [dreg:$0x3]  }
0x1f1: {  	s0 =	sadd.s32 @!p0 $0x100000, s0  }
0x1f2: {  	[sflag:s0] =	ssyncadd.tile.s32 @!p0 $0x1;
	_ =	shalt  }
.Lfunc_end2:
_tile_overlayer_lowered:
.L_overlay_start_2:
0x1f3: {  	(tag) =	ssettag $0x2  }
0x1f4: {  	s0 =	rddreg [dreg:$0x0];
	s2 =	stileid.u32  }
0x1f5: {  	s1 =	rddreg [dreg:$0x1];
	p0 =	sne.s32 s2, $0x0  }
0x1f6: {  	s3 =	rddreg [dreg:$0x2];
	[bflag:$0x3] =	sbarrier.arrive $0xFFFF;
	s2 =	simm.s32 @!p0 $0x1C05  }
0x1f7: {  	[timem:s3], [sflag:s2] =	dma.local @!p0 [hbm:s0], s1  }
0x1f8: {  	s0 =	simm.s32 @!p0 $0x5  }
0x1f9: {  	_ =	swait.ge @!p0 [sflag:s0], s1  }
0x1fa: {  	s1 =	ssub.s32 @!p0 $0x0, s1;
	[sflag:s0] =	ssyncset.done @!p0 $0x0  }
0x1fb: {  	[sflag:s0] =	ssyncadd.s32 @!p0 s1  }
0x1fc: {  	[bflag:$0x3] =	sbarrier.arrive $0xFFFF  }
0x1fd: {  	_ =	shalt  }

// kernel: kernel.7.cloned.1.call-start
scs
__scs_entry_jumppad:
0x0: {  	(pc) =	sbr.rel $0x88, $3  }
0x1: {  	(tag) =	ssettag $0x0;
	lr =	simm.s32 $0x1  }
0x2: {  	[smem:$0x3F97] =	sst lr;
	_ =	strace $0xD0000000  }
0x3: {  	_ = 	snop  }
0x4: {  	_ = 	snop  }
0x5: {  	_ = 	snop  }
0x6: {  	_ = 	snop  }
0x7: {  	_ = 	snop  }
__scs_overlays_trampoline_lowered:
0x8: {  	[smem:$0x3FA6] =	sst s0  }
0x9: {  	[smem:$0x3FA7] =	sst s1  }
0xa: {  	[smem:$0x3FA8] =	sst s2  }
0xb: {  	[smem:$0x3FA9] =	sst s3  }
0xc: {  	[smem:$0x3FAA] =	sst s4  }
0xd: {  	[smem:$0x3FAB] =	sst s5  }
0xe: {  	[smem:$0x3FAC] =	sst s6  }
0xf: {  	[smem:$0x3FAD] =	sst s7  }
0x10: {  	[smem:$0x3FAE] =	sst s8  }
0x11: {  	[smem:$0x3FAF] =	sst s9;
	s0 =	simm.s32 @!p0 $0x0  }
0x12: {  	s1 =	sld [smem:$0x3F95];
	s0 =	simm.s32 @p0 $0x1  }
0x13: {  	[smem:$0x3FB0] =	sst s0;
	s0 =	simm.s32 @!p1 $0x0  }
0x14: {  	s2 =	sld [smem:$0x3F94];
	s0 =	simm.s32 @p1 $0x1  }
0x15: {  	[smem:$0x3FB1] =	sst s0;
	s0 =	simm.s32 @!p2 $0x0  }
0x16: {  	s3 =	sld [smem:$0x3FDB];
	s0 =	simm.s32 @p2 $0x1  }
0x17: {  	s4 =	simm.s32 $0x1BF5;
	[smem:$0x3FB3] =	sst s0  }
0x18: {  	s0 =	sld [smem:$0x3F96];
	_ =	swait.ge [sflag:s4], $0x0  }
0x19: {  	s7 =	sld [smem:$0x3F97]  }
0x1a: {  	s8 =	sadd.s32 $0xFFFFE003, lr  }
0x1b: {  	s9 =	sadd.s32 $0xFFFFFEF7, lr;
	s5 =	simm.s32 $0xFFFFFFFF;
	p2 =	slt.u32 s8, $0xFFFFF086  }
0x1c: {  	p1 =	slt.u32 s9, $0xF7A;
	s5 =	simm.s32 @!p2 $0x0  }
0x1d: {  	s5 =	simm.s32 @p1 $0x1;
	p0 =	seq.s32 s7, s2  }
0x1e: {  	s7 =	smul.u32 @!p0 $0xF7A, s2;
	p2 =	seq.s32 @!p0 s5, $0x0  }
0x1f: {  	s9 =	smul.u32 $0xF7A, s1;
	s8 =	simm.s32 @!p0 $0x1BF5;
	p2 =	por !p2, p0  }
0x20: {  	[sflag:s8] =	ssyncset.s32 @!p0 $0xFFFFF086;
	s6 =	sadd.s32 @!p0 s3, s7;
	s7 =	simm.s32 @!p0 $0x108  }
0x21: {  	s3 =	sadd.s32 s3, s9;
	s6 =	sadd.s32 @!p0 $0x88, s6;
	s7 =	simm.s32 @p2 $0x1082  }
0x22: {  	[simem:s7], [sflag:s8] =	dma.local @!p0 [hbm:s6], $0xF7A  }
0x23: {  	s9 =	sor.u32 $0xD0000000, s2;
	s6 =	simm.s32 $0x108;
	_ =	swait.ge @!p0 [sflag:s8], $0x0  }
0x24: {  	s3 =	sadd.s32 $0x88, s3;
	s6 =	simm.s32 @!p1 $0x1082;
	[sflag:s4] =	ssyncset.s32 $0xFFFFF086  }
0x25: {  	[simem:s6], [sflag:s4] =	dma.local [hbm:s3], $0xF7A  }
0x26: {  	[smem:$0x3F97] =	sst s1;
	(tag) =	ssettag s2;
	_ =	strace s9  }
0x27: {  	s1 =	sld [smem:$0x3FA7]  }
0x28: {  	s2 =	sld [smem:$0x3FA8]  }
0x29: {  	s4 =	sld [smem:$0x3FAA]  }
0x2a: {  	p0 =	seq.s32 s5, $0x0;
	s5 =	sld [smem:$0x3FAB]  }
0x2b: {  	s6 =	sld [smem:$0x3FAC]  }
0x2c: {  	s7 =	sld [smem:$0x3FAD]  }
0x2d: {  	s3 =	simm.s32 $0x108;
	s8 =	sld [smem:$0x3FAE]  }
0x2e: {  	s3 =	simm.s32 @!p0 $0x1082;
	s9 =	sld [smem:$0x3FAF]  }
0x2f: {  	lr =	sadd.s32 s0, s3;
	s0 =	sld [smem:$0x3FA6]  }
0x30: {  	s3 =	sld [smem:$0x3FA9]  }
0x31: {  	[smem:$0x3FB2] =	sst s10  }
0x32: {  	s10 =	sld [smem:$0x3FB0];
	_ =	sdelay $0x3  }
0x33: {  	p0 =	seq.s32 s10, $0x1;
	s10 =	sld [smem:$0x3FB2];
	_ =	sdelay $0x3  }
0x34: {  	[smem:$0x3FB2] =	sst s10  }
0x35: {  	s10 =	sld [smem:$0x3FB1];
	_ =	sdelay $0x3  }
0x36: {  	p1 =	seq.s32 s10, $0x1;
	s10 =	sld [smem:$0x3FB2];
	_ =	sdelay $0x3  }
0x37: {  	[smem:$0x3FB2] =	sst s10  }
0x38: {  	s10 =	sld [smem:$0x3FB3]  }
0x39: {  	_ = 	snop;
	(pc) =	sbr.ind lr, $3  }
0x3a: {  	_ = 	snop  }
0x3b: {  	_ = 	snop  }
0x3c: {  	p2 =	seq.s32 s10, $0x1;
	s10 =	sld [smem:$0x3FB2]  }
0x3d: {  	_ =	shalt  }
0x3e: {  	_ =	shalt  }
0x3f: {  	_ =	shalt  }
0x40: {  	_ =	shalt  }
0x41: {  	_ =	shalt  }
0x42: {  	_ =	shalt  }
0x43: {  	_ =	shalt  }
0x44: {  	_ =	shalt  }
0x45: {  	_ =	shalt  }
0x46: {  	_ =	shalt  }
0x47: {  	_ =	shalt  }
0x48: {  	_ =	shalt  }
0x49: {  	_ =	shalt  }
0x4a: {  	_ =	shalt  }
0x4b: {  	_ =	shalt  }
0x4c: {  	_ =	shalt  }
0x4d: {  	_ =	shalt  }
0x4e: {  	_ =	shalt  }
0x4f: {  	_ =	shalt  }
0x50: {  	_ =	shalt  }
0x51: {  	_ =	shalt  }
0x52: {  	_ =	shalt  }
0x53: {  	_ =	shalt  }
0x54: {  	_ =	shalt  }
0x55: {  	_ =	shalt  }
0x56: {  	_ =	shalt  }
0x57: {  	_ =	shalt  }
0x58: {  	_ =	shalt  }
0x59: {  	_ =	shalt  }
0x5a: {  	_ =	shalt  }
0x5b: {  	_ =	shalt  }
0x5c: {  	_ =	shalt  }
0x5d: {  	_ =	shalt  }
0x5e: {  	_ =	shalt  }
0x5f: {  	_ =	shalt  }
0x60: {  	_ =	shalt  }
0x61: {  	_ =	shalt  }
0x62: {  	_ =	shalt  }
0x63: {  	_ =	shalt  }
0x64: {  	_ =	shalt  }
0x65: {  	_ =	shalt  }
0x66: {  	_ =	shalt  }
0x67: {  	_ =	shalt  }
0x68: {  	_ =	shalt  }
0x69: {  	_ =	shalt  }
0x6a: {  	_ =	shalt  }
0x6b: {  	_ =	shalt  }
0x6c: {  	_ =	shalt  }
0x6d: {  	_ =	shalt  }
0x6e: {  	_ =	shalt  }
0x6f: {  	_ =	shalt  }
0x70: {  	_ =	shalt  }
0x71: {  	_ =	shalt  }
0x72: {  	_ =	shalt  }
0x73: {  	_ =	shalt  }
0x74: {  	_ =	shalt  }
0x75: {  	_ =	shalt  }
0x76: {  	_ =	shalt  }
0x77: {  	_ =	shalt  }
0x78: {  	_ =	shalt  }
0x79: {  	_ =	shalt  }
0x7a: {  	_ =	shalt  }
0x7b: {  	_ =	shalt  }
0x7c: {  	_ =	shalt  }
0x7d: {  	_ =	shalt  }
0x7e: {  	_ =	shalt  }
0x7f: {  	_ =	shalt  }
0x80: {  	_ =	shalt  }
0x81: {  	_ =	shalt  }
0x82: {  	_ =	shalt  }
0x83: {  	_ =	shalt  }
0x84: {  	_ =	shalt  }
0x85: {  	_ =	shalt  }
0x86: {  	_ =	shalt  }
0x87: {  	_ =	shalt  }
.Lfunc_end0:
.L_simem_size_0:
called_computation_lowered:
.L_overlay_start_0:
0x88: {  	s2 =	sld [smem:$0x3FD9]  }
0x89: {  	s3 =	sld [smem:$0x3FFE];
	_ =	sdelay $0x1  }
0x8a: {  	s1 =	srdreg.scid  }
0x8b: {  	s0 =	sand.u32 $0x1, s1  }
0x8c: {  	s15 =	sshll.u32 s0, $0xA;
	s2 =	sadd.s32 s3, s2  }
0x8d: {  	s2 =	sadd.s32 s2, s15  }
0x8e: {  	[smem:$0x3FBE] =	sst s2  }
0x8f: {  	_ = 	snop  }
0x90: {  	s2 =	sld [smem:$0x3FD0];
	_ =	sdelay $0x2  }
0x91: {  	s16 =	simm.s32 $0xB;
	s4 =	simm.s32 $0x10  }
0x92: {  	[smem:s4], [sflag:s16] =	dma.local [hbm:s2], $0x1  }
0x93: {  	_ =	swait.eq [sflag:s16], $0x1  }
0x94: {  	[sflag:s16] =	ssyncset.done $0x0  }
0x95: {  	[sflag:s16] =	ssyncadd.s32 $0xFFFFFFFF  }
0x96: {  	s17 =	sld [smem:$0x11];
	(tm) =	ssettm $0x1  }
0x97: {  	s18 =	sld [smem:$0x3FFB];
	_ =	sdelay $0x3  }
0x98: {  	_ =	strace s18  }
0x99: {  	s2 =	sld [smem:$0x3FFC];
	_ =	sdelay $0x3  }
0x9a: {  	_ =	strace s2  }
0x9b: {  	s2 =	sld [smem:$0x3FFD];
	_ =	sdelay $0x3  }
0x9c: {  	_ =	strace s2  }
0x9d: {  	_ =	strace $0x8FFFFFFF  }
0x9e: {  	s19 =	sld [smem:$0x3FDB];
	_ =	sdelay $0x1  }
0x9f: {  	s20 =	simm.s32 $_scs_section_size  }
0xa0: {  	s5 =	simm.s32 $_size__tile_overlayer_lowered;
	s6 =	simm.s32 $_tile_overlayer_lowered  }
0xa1: {  	s7 =	simm.s32 $0x1BFF;
	s21 =	sshll.u32 s6, $0x1;
	s4 =	sadd.s32 s20, s19  }
0xa2: {  	s22 =	simm.s32 $0x0;
	s5 =	sshll.u32 s5, $0x1;
	s6 =	sadd.s32 s21, s4  }
0xa3: {  	[timem:s22], [sflag:s7] =	dma.local [hbm:s6], s5  }
0xa4: {  	_ =	swait.ge [sflag:s7], s5  }
0xa5: {  	s5 =	ssub.s32 $0x0, s5;
	[sflag:s7] =	ssyncset.done $0x0  }
0xa6: {  	[sflag:s7] =	ssyncadd.s32 s5;
	_ =	sdelay $0x1  }
0xa7: {  	s23 =	simm.s32 $0x1B8B  }
0xa8: {  	_ =	swait.ge [sflag:s23], $0x1  }
0xa9: {  	[sflag:s23] =	ssyncset.done $0x0  }
0xaa: {  	[sflag:s23] =	ssyncadd.s32 $0xFFFFFFFF  }
0xab: {  	s5 =	sld [smem:$0x0]  }
0xac: {  	s6 =	sand.u32 $0xFFFFFFFE, s1  }
0xad: {  	p0 =	sne.s32 s1, s6  }
0xae: {  	s6 =	sshll.u32 @p0 s6, $0xE  }
0xaf: {  	s6 =	sadd.s32 @p0 $0x11B8D, s6;
	s7 =	sshll.u32 @p0 s5, $0x11  }
0xb0: {  	s6 =	sor.u32 @p0 s7, s6  }
0xb1: {  	[sflag:s6] =	ssyncadd.remote.s32 @p0 $0x1;
	_ =	sdelay $0x1  }
0xb2: {  	s6 =	simm.s32 @p0 $0x1B8D  }
0xb3: {  	_ =	swait.eq @p0 [sflag:s6], $0x1  }
0xb4: {  	[sflag:s6] =	ssyncadd.s32 @p0 $0xFFFFFFFF  }
0xb5: {  	s7 =	sshll.u32 @!p0 s1, $0xE  }
0xb6: {  	s7 =	sor.u32 @!p0 $0x4000, s7;
	s6 =	simm.s32 @!p0 $0x1B8D  }
0xb7: {  	s5 =	sshll.u32 @!p0 s5, $0x11;
	s7 =	sadd.s32 @!p0 $0x11B8D, s7;
	_ =	swait.eq @!p0 [sflag:s6], $0x1  }
0xb8: {  	s5 =	sor.u32 @!p0 s5, s7;
	[sflag:s6] =	ssyncadd.s32 @!p0 $0xFFFFFFFF  }
0xb9: {  	s25 =	simm.s32 $0x1B8E;
	s24 =	sld [smem:$0x3FFE];
	[sflag:s5] =	ssyncadd.remote.s32 @!p0 $0x1  }
0xba: {  	s26 =	simm.s32 $execute0_lowered;
	[smem:$0x3FD2] =	sst s25  }
0xbb: {  	s6 =	sshll.u32 s26, $0x1;
	_ =	strace $0x80000049;
	[dreg:$0x1] =	wrdreg $0xFFFFFFFF  }
0xbc: {  	s28 =	simm.s32 $_size_execute0_lowered;
	s4 =	sadd.s32 s4, s6;
	[dreg:$0x0] =	wrdreg $0x0  }
0xbd: {  	s6 =	sshll.u32 s28, $0x1;
	[dreg:$0x2] =	wrdreg s4  }
0xbe: {  	[dreg:$0x3] =	wrdreg s6  }
0xbf: {  	[dreg:$0x4] =	wrdreg $0xC0  }
0xc0: {  	_ =	task [dreg:s22], $0x5FFFF  }
0xc1: {  	[dreg:$0x1] =	wrdreg $0xFFFFFFFF  }
0xc2: {  	[dreg:$0x0] =	wrdreg $0x60  }
0xc3: {  	[dreg:$0x2] =	wrdreg s17  }
0xc4: {  	[dreg:$0x3] =	wrdreg s24  }
0xc5: {  	[dreg:$0x4] =	wrdreg $0x9  }
0xc6: {  	_ =	task.clear_ibuf [dreg:s22], $0x5FFFF;
	_ =	strace $0x90000049  }
0xc7: {  	s29 =	simm.s32 $0x9;
	_ =	strace $0x8000004B  }
0xc8: {  	_ =	swait.ge [sflag:s29], $0x1  }
0xc9: {  	[sflag:s29] =	ssyncadd.s32 $0xFFFFFFFF  }
0xca: {  	_ =	strace $0x9000004B  }
0xcb: {  	_ =	sfence  }
0xcc: {  	s30 =	sld [smem:$0x0];
	_ =	sdelay $0x2  }
0xcd: {  	s31 =	sshll.u32 s1, $0xD;
	s1 =	sshrl.u32 s1, $0x2  }
0xce: {  	s4 =	sand.u32 $0x4000, s31;
	s1 =	sadd.s32 s1, s30  }
0xcf: {  	s0 =	sor.u32 s4, s0;
	s1 =	sshll.u32 s1, $0x11  }
0xd0: {  	s0 =	sor.u32 s1, s0  }
0xd1: {  	s0 =	sadd.s32 $0x8F2B, s0  }
0xd2: {  	[sflag:s0] =	ssyncadd.remote.s32 $0x1  }
0xd3: {  	_ =	sfence.sel $0xFFFF  }
0xd4: {  	[dreg:$0x0] =	wrdreg $0xFFFFFFFF;
	(pc) =	sbr.abs _section_cstart, $3  }
0xd5: {  	[dreg:$0x1] =	wrdreg $0xFFFFFFFF  }
0xd6: {  	_ =	task.clear_ibuf [dreg:s22], $0x2FFFF;
	_ =	strace $0x9FFFFFFF  }
0xd7: {  	(tm) =	ssettm $0x7FFFFFFF  }
tec
execute0_lowered:
.L_overlay_start_1:
0x0: {  	(tag) =	ssettag $0x1  }
0x1: {  	s2 =	rddreg [dreg:$0x0];
	s0 =	srdreg.scid  }
0x2: {  	s3 =	stileid.u32;
	s1 =	rddreg [dreg:$0x1]  }
0x3: {  	s10 =	simm.s32 $0x5;
	s12 =	simm.s32 $0x80;
	s13 =	simm.s32 $0x2800  }
0x4: {  	s14 =	simm.s32 $0xA800;
	s15 =	simm.s32 $0x6800;
	s16 =	simm.s32 $0xE800  }
0x5: {  	s17 =	simm.s32 $0x1;
	s18 =	simm.s32 $0x12800;
	s19 =	simm.s32 $0x2  }
0x6: {  	s20 =	simm.s32 $0x16800;
	s21 =	simm.s32 $0x3;
	s22 =	simm.s32 $0x4  }
0x7: {  	s0 =	sand.u32 $0x1, s0;
	s4 =	sshll.u32 s3, $0x1;
	s3 =	simm.s32 $0x0  }
0x8: {  	s23 =	simm.s32 $0x0;
	s8 =	sor.u32 s0, s4;
	[smem:$0x7FF] =	sst s3  }
0x9: {  	s4 =	sadd.s32 $0x7200, s1;
	s0 =	ssub.s32 $0x2, s0;
	s5 =	smul.u32 $0x280, s8  }
0xa: {  	_ =	strace $0x8000004A;
	s31 =	sshrl.u32 s0, $0x1;
	s8 =	smul.u32 $0xA0000, s8  }
0xb: {  	s0 =	ssub.s32 s0, s31;
	s7 =	sadd.s32 s5, s1;
	s5 =	sadd.s32 $0x2B8400, s1  }
0xc: {  	s9 =	smax.u32 s0, $0x1;
	s6 =	sadd.s32 $0x2B3400, s7;
	s7 =	sadd.s32 $0x2AE400, s7  }
.LBB2_1:
0xd: {  	[tilespmem:s3], [sflag:$0x5] =	stream.linear.gather [hbm4b:s6+s3], $0x1400, $0x38;
	[tilespmem:$0x1A800] =	vst v63  }
0xe: {  	_ =	swait.ge [sflag:s10], $0x1400  }
0xf: {  	[sflag:s10] =	ssyncset.done $0x0  }
0x10: {  	s0 =	simm.s32 $0x1400;
	[sflag:s10] =	ssyncadd.s32 $0xFFFFEC00  }
0x11: {  	[tilespmem:s0], [sflag:$0x5] =	stream.linear.gather [hbm4b:s7+s3], $0x1400, $0x38;
	[tilespmem:$0x1A800] =	vst v63  }
0x12: {  	_ =	swait.ge [sflag:s10], $0x1400  }
0x13: {  	[sflag:s10] =	ssyncset.done $0x0  }
0x14: {  	[sflag:s10] =	ssyncadd.s32 $0xFFFFEC00  }
0x15: {  	[tilespmem:s13], [sflag:$0x1] =	stream.indirect.gather [hbm4b:s2+s12], $0x80, s3, s12, $0xb8;
	[tilespmem:$0x1A800] =	vst v63  }
0x16: {  	s24 =	simm.s32 $0x0  }
0x17: {  	[tilespmem:s14], [sflag:$0x1] =	stream.indirect.gather [hbm4b:s4+s12], $0x80, s0, s12, $0xb8;
	[tilespmem:$0x1A800] =	vst v63  }
.LBB2_2:
0x18: {  	s25 =	sshllo.u32 s24, $0x1  }
0x19: {  	s0 =	sshll.u32 s25, $0x7  }
0x1a: {  	[tilespmem:s15], [sflag:$0x2] =	stream.indirect.gather [hbm4b:s2+s12], $0x80, s0, s12, $0xb8;
	[tilespmem:$0x1A800] =	vst v63  }
0x1b: {  	s0 =	sadd.s32 $0x1400, s0  }
0x1c: {  	[tilespmem:s16], [sflag:$0x2] =	stream.indirect.gather [hbm4b:s4+s12], $0x80, s0, s12, $0xb8;
	[tilespmem:$0x1A800] =	vst v63  }
0x1d: {  	_ =	swait.ge [sflag:s17], $0x4000  }
0x1e: {  	[sflag:s17] =	ssyncset.done $0x0  }
0x1f: {  	[sflag:s17] =	ssyncadd.s32 $0xFFFFC000  }
0x20: {  	_ =	swait.ge [sflag:s17], $0x4000  }
0x21: {  	p0 =	seq.s32 s24, $0x0;
	[sflag:s17] =	ssyncset.done $0x0  }
0x22: {  	s0 =	simm.s32 @!p0 $0x3;
	[sflag:s17] =	ssyncadd.s32 $0xFFFFC000  }
0x23: {  	_ =	swait.ge @!p0 [sflag:s0], $0x4000  }
0x24: {  	[sflag:s0] =	ssyncset.done @!p0 $0x0  }
0x25: {  	s31 =	simm.s32 $0x2900;
	[sflag:s0] =	ssyncadd.s32 @!p0 $0xFFFFC000  }
0x26: {  	s1 =	simm.s32 $0xA900;
	v0 =	vld [tilespmem:s31+$0x80]  }
0x27: {  	v1 =	vld [tilespmem:s1+$0x80];
	_ =	sdelay $0x4  }
0x28: {  	v2 =	vld [tilespmem:s31+$0xFFFFFF80];
	v0 =	vadd.f32 v1, v0  }
0x29: {  	v1 =	vld [tilespmem:s1+$0xFFFFFF80]  }
0x2a: {  	s26 =	simm.s32 $0x12900;
	v3 =	vld [tilespmem:s1+$0xFFFFFF00];
	v0 =	vmax.f32 v0, $0.0e+00  }
0x2b: {  	v4 =	vld [tilespmem:s31+$0xFFFFFF00];
	[tilespmem:s26+$0x80] =	vst v0  }
0x2c: {  	v0 =	vld [tilespmem:s31+$0x90]  }
0x2d: {  	v5 =	vld [tilespmem:s1+$0x90]  }
0x2e: {  	v6 =	vld [tilespmem:s31+$0x0];
	v1 =	vadd.f32 v1, v2  }
0x2f: {  	v2 =	vld [tilespmem:s1+$0x0]  }
0x30: {  	v3 =	vadd.f32 v3, v4;
	v1 =	vmax.f32 v1, $0.0e+00  }
0x31: {  	[tilespmem:s26+$0xFFFFFF80] =	vst v1  }
0x32: {  	v3 =	vmax.f32 v3, $0.0e+00;
	v1 =	vld [tilespmem:s31+$0xFFFFFF90];
	v0 =	vadd.f32 v5, v0  }
0x33: {  	[tilespmem:s26+$0xFFFFFF00] =	vst v3;
	v4 =	vld [tilespmem:s1+$0xFFFFFF90]  }
0x34: {  	v3 =	vld [tilespmem:s31+$0xFFFFFF10];
	v2 =	vadd.f32 v2, v6;
	v0 =	vmax.f32 v0, $0.0e+00  }
0x35: {  	v5 =	vld [tilespmem:s1+$0xFFFFFF10];
	[tilespmem:s26+$0x90] =	vst v0  }
0x36: {  	v0 =	vmax.f32 v2, $0.0e+00;
	v2 =	vld [tilespmem:s31+$0xA0]  }
0x37: {  	[tilespmem:s26+$0x0] =	vst v0;
	v0 =	vld [tilespmem:s1+$0xA0]  }
0x38: {  	v6 =	vld [tilespmem:s31+$0x10];
	v1 =	vadd.f32 v4, v1  }
0x39: {  	v4 =	vld [tilespmem:s1+$0x10]  }
0x3a: {  	v1 =	vmax.f32 v1, $0.0e+00  }
0x3b: {  	v3 =	vadd.f32 v5, v3;
	[tilespmem:s26+$0xFFFFFF90] =	vst v1  }
0x3c: {  	v1 =	vld [tilespmem:s31+$0xFFFFFFA0];
	v0 =	vadd.f32 v0, v2  }
0x3d: {  	v3 =	vmax.f32 v3, $0.0e+00;
	v2 =	vld [tilespmem:s1+$0xFFFFFFA0]  }
0x3e: {  	[tilespmem:s26+$0xFFFFFF10] =	vst v3;
	v3 =	vadd.f32 v4, v6;
	v0 =	vmax.f32 v0, $0.0e+00  }
0x3f: {  	[tilespmem:s26+$0xA0] =	vst v0  }
0x40: {  	v0 =	vmax.f32 v3, $0.0e+00;
	v3 =	vld [tilespmem:s31+$0xB0]  }
0x41: {  	[tilespmem:s26+$0x10] =	vst v0;
	v0 =	vld [tilespmem:s1+$0xB0]  }
0x42: {  	v1 =	vadd.f32 v2, v1;
	v2 =	vld [tilespmem:s31+$0x20]  }
0x43: {  	v6 =	vld [tilespmem:s1+$0x20]  }
0x44: {  	v5 =	vld [tilespmem:s1+$0xFFFFFF20];
	v1 =	vmax.f32 v1, $0.0e+00  }
0x45: {  	v4 =	vld [tilespmem:s31+$0xFFFFFF20];
	[tilespmem:s26+$0xFFFFFFA0] =	vst v1  }
0x46: {  	v1 =	vld [tilespmem:s31+$0xFFFFFFB0];
	v0 =	vadd.f32 v0, v3  }
0x47: {  	v3 =	vld [tilespmem:s1+$0xFFFFFFB0]  }
0x48: {  	v2 =	vadd.f32 v6, v2;
	v0 =	vmax.f32 v0, $0.0e+00  }
0x49: {  	[tilespmem:s26+$0xB0] =	vst v0  }
0x4a: {  	v4 =	vadd.f32 v5, v4;
	v0 =	vmax.f32 v2, $0.0e+00;
	v2 =	vld [tilespmem:s31+$0xC0]  }
0x4b: {  	[tilespmem:s26+$0x20] =	vst v0;
	v0 =	vld [tilespmem:s1+$0xC0]  }
0x4c: {  	v4 =	vmax.f32 v4, $0.0e+00;
	v1 =	vadd.f32 v3, v1;
	v3 =	vld [tilespmem:s31+$0x30]  }
0x4d: {  	[tilespmem:s26+$0xFFFFFF20] =	vst v4;
	v6 =	vld [tilespmem:s1+$0x30]  }
0x4e: {  	v4 =	vld [tilespmem:s31+$0xFFFFFF30];
	v1 =	vmax.f32 v1, $0.0e+00  }
0x4f: {  	v5 =	vld [tilespmem:s1+$0xFFFFFF30];
	[tilespmem:s26+$0xFFFFFFB0] =	vst v1  }
0x50: {  	v1 =	vld [tilespmem:s31+$0xFFFFFFC0];
	v0 =	vadd.f32 v0, v2  }
0x51: {  	v2 =	vld [tilespmem:s1+$0xFFFFFFC0]  }
0x52: {  	s30 =	simm.s32 $0xAB00;
	v3 =	vadd.f32 v6, v3;
	v0 =	vmax.f32 v0, $0.0e+00  }
0x53: {  	v10 =	vld [tilespmem:s30+$0xFFFFFF00];
	[tilespmem:s26+$0xC0] =	vst v0  }
0x54: {  	v0 =	vmax.f32 v3, $0.0e+00;
	v3 =	vld [tilespmem:s31+$0xD0]  }
0x55: {  	v4 =	vadd.f32 v5, v4;
	[tilespmem:s26+$0x30] =	vst v0;
	v0 =	vld [tilespmem:s1+$0xD0]  }
0x56: {  	v1 =	vadd.f32 v2, v1;
	v2 =	vld [tilespmem:s31+$0x40]  }
0x57: {  	s29 =	simm.s32 $0x2B00;
	v4 =	vmax.f32 v4, $0.0e+00;
	v6 =	vld [tilespmem:s1+$0x40]  }
0x58: {  	v53 =	vld [tilespmem:s29+$0xFFFFFF00];
	[tilespmem:s26+$0xFFFFFF30] =	vst v4  }
0x59: {  	v4 =	vld [tilespmem:s31+$0xFFFFFF40]  }
0x5a: {  	v5 =	vld [tilespmem:s1+$0xFFFFFF40];
	v0 =	vadd.f32 v0, v3  }
0x5b: {  	v8 =	vld [tilespmem:s29+$0x80]  }
0x5c: {  	v9 =	vld [tilespmem:s30+$0x80];
	v2 =	vadd.f32 v6, v2;
	v0 =	vmax.f32 v0, $0.0e+00  }
0x5d: {  	v11 =	vld [tilespmem:s30+$0xFFFFFF80];
	v10 =	vadd.f32 v10, v53;
	[tilespmem:s26+$0xD0] =	vst v0  }
0x5e: {  	v0 =	vmax.f32 v2, $0.0e+00;
	v2 =	vld [tilespmem:s31+$0xE0]  }
0x5f: {  	s28 =	simm.s32 $0x12B00;
	v10 =	vmax.f32 v10, $0.0e+00;
	v4 =	vadd.f32 v5, v4;
	[tilespmem:s26+$0x40] =	vst v0;
	v0 =	vld [tilespmem:s1+$0xE0]  }
0x60: {  	v12 =	vld [tilespmem:s29+$0x0];
	[tilespmem:s28+$0xFFFFFF00] =	vst v10;
	v1 =	vmax.f32 v1, $0.0e+00  }
0x61: {  	v10 =	vld [tilespmem:s29+$0xFFFFFF10];
	[tilespmem:s26+$0xFFFFFFC0] =	vst v1;
	v4 =	vmax.f32 v4, $0.0e+00  }
0x62: {  	v1 =	vld [tilespmem:s31+$0xFFFFFFD0];
	[tilespmem:s26+$0xFFFFFF40] =	vst v4  }
0x63: {  	v4 =	vld [tilespmem:s31+$0xFFFFFF50]  }
0x64: {  	v5 =	vld [tilespmem:s1+$0xFFFFFF50];
	v0 =	vadd.f32 v0, v2  }
0x65: {  	v2 =	vld [tilespmem:s29+$0xFFFFFF80]  }
0x66: {  	v3 =	vld [tilespmem:s1+$0xFFFFFFD0];
	v0 =	vmax.f32 v0, $0.0e+00  }
0x67: {  	v6 =	vld [tilespmem:s31+$0x50];
	[tilespmem:s26+$0xE0] =	vst v0;
	v0 =	vadd.f32 v9, v8  }
0x68: {  	v7 =	vld [tilespmem:s1+$0x50]  }
0x69: {  	v4 =	vadd.f32 v5, v4;
	v5 =	vld [tilespmem:s30+$0x0];
	v0 =	vmax.f32 v0, $0.0e+00  }
0x6a: {  	v55 =	vld [tilespmem:s30+$0xFFFFFF10];
	v2 =	vadd.f32 v11, v2;
	[tilespmem:s28+$0x80] =	vst v0  }
0x6b: {  	v0 =	vmax.f32 v4, $0.0e+00;
	v4 =	vld [tilespmem:s29+$0x90]  }
0x6c: {  	v1 =	vadd.f32 v3, v1;
	[tilespmem:s26+$0xFFFFFF50] =	vst v0;
	v0 =	vmax.f32 v2, $0.0e+00;
	v2 =	vld [tilespmem:s30+$0x90]  }
0x6d: {  	v6 =	vadd.f32 v7, v6;
	v8 =	vld [tilespmem:s31+$0xF0]  }
0x6e: {  	v1 =	vmax.f32 v1, $0.0e+00;
	v5 =	vadd.f32 v5, v12;
	v52 =	vld [tilespmem:s1+$0xF0];
	[tilespmem:s28+$0xFFFFFF80] =	vst v0  }
0x6f: {  	[tilespmem:s26+$0xFFFFFFD0] =	vst v1;
	v6 =	vmax.f32 v6, $0.0e+00;
	v3 =	vld [tilespmem:s29+$0xFFFFFF90]  }
0x70: {  	v1 =	vmax.f32 v5, $0.0e+00;
	[tilespmem:s26+$0x50] =	vst v6;
	v54 =	vld [tilespmem:s30+$0xFFFFFF90]  }
0x71: {  	v6 =	vld [tilespmem:s1+$0xFFFFFFE0];
	[tilespmem:s28+$0x0] =	vst v1;
	v1 =	vadd.f32 v2, v4  }
0x72: {  	v58 =	vld [tilespmem:s31+$0x60]  }
0x73: {  	v59 =	vld [tilespmem:s1+$0x60];
	v1 =	vmax.f32 v1, $0.0e+00  }
0x74: {  	v0 =	vld [tilespmem:s31+$0xFFFFFF60];
	[tilespmem:s28+$0x90] =	vst v1  }
0x75: {  	v3 =	vadd.f32 v54, v3;
	v1 =	vld [tilespmem:s29+$0xA0]  }
0x76: {  	v56 =	vld [tilespmem:s30+$0xA0]  }
0x77: {  	v4 =	vld [tilespmem:s29+$0x10];
	v3 =	vmax.f32 v3, $0.0e+00  }
0x78: {  	[tilespmem:s28+$0xFFFFFF90] =	vst v3;
	v3 =	vld [tilespmem:s30+$0x10]  }
0x79: {  	v10 =	vadd.f32 v55, v10;
	v7 =	vld [tilespmem:s29+$0xFFFFFFA0]  }
0x7a: {  	v57 =	vld [tilespmem:s30+$0xFFFFFFA0]  }
0x7b: {  	v10 =	vmax.f32 v10, $0.0e+00;
	v5 =	vld [tilespmem:s1+$0xFFFFFF60];
	v1 =	vadd.f32 v56, v1  }
0x7c: {  	[tilespmem:s28+$0xFFFFFF10] =	vst v10;
	v2 =	vld [tilespmem:s31+$0xFFFFFFE0]  }
0x7d: {  	v3 =	vadd.f32 v3, v4;
	v4 =	vld [tilespmem:s29+$0xFFFFFF20];
	v1 =	vmax.f32 v1, $0.0e+00  }
0x7e: {  	[tilespmem:s28+$0xA0] =	vst v1;
	v1 =	vld [tilespmem:s30+$0xFFFFFF20]  }
0x7f: {  	v7 =	vadd.f32 v57, v7;
	v3 =	vmax.f32 v3, $0.0e+00;
	v60 =	vld [tilespmem:s29+$0xB0]  }
0x80: {  	v0 =	vadd.f32 v5, v0;
	[tilespmem:s28+$0x10] =	vst v3;
	v3 =	vld [tilespmem:s30+$0xB0]  }
0x81: {  	v5 =	vmax.f32 v7, $0.0e+00;
	v7 =	vld [tilespmem:s29+$0x20]  }
0x82: {  	v0 =	vmax.f32 v0, $0.0e+00;
	[tilespmem:s28+$0xFFFFFFA0] =	vst v5;
	v5 =	vld [tilespmem:s30+$0x20]  }
0x83: {  	[tilespmem:s26+$0xFFFFFF60] =	vst v0;
	v0 =	vld [tilespmem:s30+$0xFFFFFFB0];
	v1 =	vadd.f32 v1, v4  }
0x84: {  	v4 =	vld [tilespmem:s29+$0xFFFFFFB0]  }
0x85: {  	v61 =	vld [tilespmem:s31+$0xFFFFFF70];
	v3 =	vadd.f32 v3, v60;
	v1 =	vmax.f32 v1, $0.0e+00  }
0x86: {  	[tilespmem:s28+$0xFFFFFF20] =	vst v1;
	v1 =	vld [tilespmem:s1+$0xFFFFFF70]  }
0x87: {  	v5 =	vadd.f32 v5, v7;
	v3 =	vmax.f32 v3, $0.0e+00;
	v7 =	vld [tilespmem:s29+$0xFFFFFF30]  }
0x88: {  	[tilespmem:s28+$0xB0] =	vst v3;
	v3 =	vld [tilespmem:s30+$0xFFFFFF30]  }
0x89: {  	v0 =	vadd.f32 v0, v4;
	v4 =	vmax.f32 v5, $0.0e+00;
	v5 =	vld [tilespmem:s29+$0xC0]  }
0x8a: {  	[tilespmem:s28+$0x20] =	vst v4;
	v4 =	vld [tilespmem:s30+$0xC0]  }
0x8b: {  	v2 =	vadd.f32 v6, v2;
	v0 =	vmax.f32 v0, $0.0e+00;
	v6 =	vld [tilespmem:s29+$0x30]  }
0x8c: {  	[tilespmem:s28+$0xFFFFFFB0] =	vst v0;
	v0 =	vld [tilespmem:s30+$0x30]  }
0x8d: {  	v2 =	vmax.f32 v2, $0.0e+00;
	v3 =	vadd.f32 v3, v7;
	v7 =	vld [tilespmem:s29+$0xFFFFFFC0]  }
0x8e: {  	[tilespmem:s26+$0xFFFFFFE0] =	vst v2;
	v2 =	vld [tilespmem:s30+$0xFFFFFFC0]  }
0x8f: {  	v3 =	vmax.f32 v3, $0.0e+00;
	v4 =	vadd.f32 v4, v5;
	v5 =	vld [tilespmem:s31+$0xFFFFFFF0]  }
0x90: {  	[tilespmem:s28+$0xFFFFFF30] =	vst v3;
	v3 =	vld [tilespmem:s1+$0xFFFFFFF0]  }
0x91: {  	v0 =	vadd.f32 v0, v6;
	v6 =	vld [tilespmem:s29+$0xFFFFFF40];
	v4 =	vmax.f32 v4, $0.0e+00  }
0x92: {  	[tilespmem:s28+$0xC0] =	vst v4;
	v4 =	vld [tilespmem:s30+$0xFFFFFF40]  }
0x93: {  	v2 =	vadd.f32 v2, v7;
	v0 =	vmax.f32 v0, $0.0e+00;
	v7 =	vld [tilespmem:s29+$0xD0]  }
0x94: {  	[tilespmem:s28+$0x30] =	vst v0;
	v0 =	vld [tilespmem:s30+$0xD0]  }
0x95: {  	v10 =	vadd.f32 v59, v58;
	v2 =	vmax.f32 v2, $0.0e+00;
	v62 =	vld [tilespmem:s29+$0x40]  }
0x96: {  	[tilespmem:s28+$0xFFFFFFC0] =	vst v2;
	v2 =	vld [tilespmem:s30+$0x40]  }
0x97: {  	v10 =	vmax.f32 v10, $0.0e+00;
	v63 =	vld [tilespmem:s30+$0xFFFFFFD0];
	v4 =	vadd.f32 v4, v6  }
0x98: {  	v8 =	vadd.f32 v52, v8;
	[tilespmem:s26+$0x60] =	vst v10;
	v6 =	vld [tilespmem:s29+$0xFFFFFFD0]  }
0x99: {  	v10 =	vld [tilespmem:s1+$0x70];
	v4 =	vmax.f32 v4, $0.0e+00;
	v0 =	vadd.f32 v0, v7  }
0x9a: {  	v8 =	vmax.f32 v8, $0.0e+00;
	v1 =	vadd.f32 v1, v61;
	v7 =	vld [tilespmem:s31+$0x70];
	[tilespmem:s28+$0xFFFFFF40] =	vst v4  }
0x9b: {  	[tilespmem:s26+$0xF0] =	vst v8;
	v8 =	vadd.f32 v2, v62;
	v2 =	vld [tilespmem:s29+$0xFFFFFF50];
	v0 =	vmax.f32 v0, $0.0e+00  }
0x9c: {  	v1 =	vmax.f32 v1, $0.0e+00;
	v3 =	vadd.f32 v3, v5;
	v4 =	vld [tilespmem:s30+$0xFFFFFF50];
	[tilespmem:s28+$0xD0] =	vst v0  }
0x9d: {  	[tilespmem:s26+$0xFFFFFF70] =	vst v1;
	v1 =	vadd.f32 v63, v6;
	v5 =	vmax.f32 v8, $0.0e+00;
	v0 =	vld [tilespmem:s29+$0xE0]  }
0x9e: {  	v6 =	vmax.f32 v3, $0.0e+00;
	[tilespmem:s28+$0x40] =	vst v5;
	v3 =	vld [tilespmem:s30+$0xE0]  }
0x9f: {  	s11 =	simm.s32 $0x2D00;
	[tilespmem:s26+$0xFFFFFFF0] =	vst v6;
	v6 =	vmax.f32 v1, $0.0e+00;
	v5 =	vld [tilespmem:s29+$0x50];
	v1 =	vadd.f32 v10, v7  }
0xa0: {  	s0 =	simm.s32 $0x4;
	s1 =	simm.s32 $0xAB00;
	s31 =	sshll.u32 s24, $0x1;
	[tilespmem:s28+$0xFFFFFFD0] =	vst v6;
	v6 =	vld [tilespmem:s30+$0x50]  }
.LBB2_3:
0xa1: {  	v7 =	vld [tilespmem:s11+$0x80];
	v2 =	vadd.f32 v4, v2;
	s30 =	sadd.s32 $0x200, s30;
	v1 =	vmax.f32 v1, $0.0e+00  }
0xa2: {  	v4 =	vld [tilespmem:s30+$0x80];
	[tilespmem:s26+$0x70] =	vst v1;
	s26 =	smov.u32 s28  }
0xa3: {  	v1 =	vld [tilespmem:s30+$0xFFFFFF00];
	v2 =	vmax.f32 v2, $0.0e+00;
	v0 =	vadd.f32 v3, v0  }
0xa4: {  	v3 =	vld [tilespmem:s11+$0xFFFFFF80];
	[tilespmem:s28+$0xFFFFFF50] =	vst v2  }
0xa5: {  	v2 =	vld [tilespmem:s30+$0xFFFFFF80];
	v5 =	vadd.f32 v6, v5;
	v0 =	vmax.f32 v0, $0.0e+00  }
0xa6: {  	v6 =	vld [tilespmem:s11+$0x0];
	[tilespmem:s28+$0xE0] =	vst v0  }
0xa7: {  	v0 =	vadd.f32 v4, v7;
	v4 =	vmax.f32 v5, $0.0e+00;
	v5 =	vld [tilespmem:s29+$0xF0]  }
0xa8: {  	[tilespmem:s28+$0x50] =	vst v4;
	v4 =	vld [tilespmem:s1+$0xF0]  }
0xa9: {  	s0 =	sadd.s32 $0x4, s0;
	s28 =	sadd.s32 $0x200, s28;
	v7 =	vld [tilespmem:s30+$0x0];
	v0 =	vmax.f32 v0, $0.0e+00  }
0xaa: {  	p1 =	slt.u32 s0, $0x7C;
	v8 =	vld [tilespmem:s11+$0xFFFFFF00];
	v2 =	vadd.f32 v2, v3;
	[tilespmem:s28+$0x80] =	vst v0  }
0xab: {  	v0 =	vld [tilespmem:s11+$0x90]  }
0xac: {  	v2 =	vmax.f32 v2, $0.0e+00;
	v3 =	vld [tilespmem:s30+$0x90]  }
0xad: {  	[tilespmem:s28+$0xFFFFFF80] =	vst v2;
	v2 =	vld [tilespmem:s29+$0xFFFFFF60];
	v4 =	vadd.f32 v4, v5  }
0xae: {  	v5 =	vld [tilespmem:s11+$0xFFFFFF90];
	v6 =	vadd.f32 v7, v6  }
0xaf: {  	v1 =	vadd.f32 v1, v8;
	v7 =	vld [tilespmem:s30+$0xFFFFFF90];
	v4 =	vmax.f32 v4, $0.0e+00  }
0xb0: {  	v6 =	vmax.f32 v6, $0.0e+00;
	v8 =	vld [tilespmem:s1+$0xFFFFFF60];
	[tilespmem:s26+$0xF0] =	vst v4  }
0xb1: {  	v1 =	vmax.f32 v1, $0.0e+00;
	[tilespmem:s28+$0x0] =	vst v6;
	v0 =	vadd.f32 v3, v0;
	v3 =	vld [tilespmem:s29+$0xFFFFFFE0]  }
0xb2: {  	[tilespmem:s28+$0xFFFFFF00] =	vst v1;
	v1 =	vld [tilespmem:s11+$0x10]  }
0xb3: {  	v4 =	vld [tilespmem:s11+$0xFFFFFF10];
	v0 =	vmax.f32 v0, $0.0e+00  }
0xb4: {  	v6 =	vld [tilespmem:s30+$0xFFFFFF10];
	v5 =	vadd.f32 v7, v5;
	[tilespmem:s28+$0x90] =	vst v0  }
0xb5: {  	v0 =	vld [tilespmem:s11+$0xA0];
	v2 =	vadd.f32 v8, v2  }
0xb6: {  	v5 =	vmax.f32 v5, $0.0e+00;
	v7 =	vld [tilespmem:s30+$0xA0]  }
0xb7: {  	[tilespmem:s28+$0xFFFFFF90] =	vst v5;
	v5 =	vld [tilespmem:s30+$0x10];
	v2 =	vmax.f32 v2, $0.0e+00  }
0xb8: {  	v8 =	vld [tilespmem:s11+$0xFFFFFFA0];
	[tilespmem:s26+$0xFFFFFF60] =	vst v2  }
0xb9: {  	v2 =	vadd.f32 v6, v4;
	v4 =	vld [tilespmem:s30+$0xFFFFFFA0]  }
0xba: {  	v6 =	vld [tilespmem:s1+$0xFFFFFFE0]  }
0xbb: {  	v2 =	vmax.f32 v2, $0.0e+00;
	v0 =	vadd.f32 v7, v0;
	v7 =	vld [tilespmem:s29+$0x60]  }
0xbc: {  	[tilespmem:s28+$0xFFFFFF10] =	vst v2;
	v1 =	vadd.f32 v5, v1;
	v2 =	vld [tilespmem:s1+$0x60]  }
0xbd: {  	v5 =	vld [tilespmem:s11+$0xFFFFFF20];
	v0 =	vmax.f32 v0, $0.0e+00  }
0xbe: {  	v9 =	vld [tilespmem:s30+$0xFFFFFF20];
	v4 =	vadd.f32 v4, v8;
	v1 =	vmax.f32 v1, $0.0e+00;
	[tilespmem:s28+$0xA0] =	vst v0  }
0xbf: {  	[tilespmem:s28+$0x10] =	vst v1;
	v0 =	vld [tilespmem:s11+$0xB0];
	v1 =	vadd.f32 v6, v3  }
0xc0: {  	v3 =	vmax.f32 v4, $0.0e+00;
	v4 =	vld [tilespmem:s30+$0xB0]  }
0xc1: {  	[tilespmem:s28+$0xFFFFFFA0] =	vst v3;
	v3 =	vld [tilespmem:s11+$0x20];
	v1 =	vmax.f32 v1, $0.0e+00;
	v2 =	vadd.f32 v2, v7  }
0xc2: {  	v6 =	vld [tilespmem:s30+$0x20];
	[tilespmem:s26+$0xFFFFFFE0] =	vst v1  }
0xc3: {  	v1 =	vadd.f32 v9, v5;
	v5 =	vld [tilespmem:s11+$0xFFFFFFB0];
	v2 =	vmax.f32 v2, $0.0e+00  }
0xc4: {  	v7 =	vld [tilespmem:s30+$0xFFFFFFB0];
	[tilespmem:s26+$0x60] =	vst v2  }
0xc5: {  	v1 =	vmax.f32 v1, $0.0e+00;
	v0 =	vadd.f32 v4, v0;
	v2 =	vld [tilespmem:s29+$0xFFFFFF70]  }
0xc6: {  	[tilespmem:s28+$0xFFFFFF20] =	vst v1;
	v1 =	vld [tilespmem:s1+$0xFFFFFF70]  }
0xc7: {  	v4 =	vld [tilespmem:s11+$0xFFFFFF30];
	v3 =	vadd.f32 v6, v3;
	v0 =	vmax.f32 v0, $0.0e+00  }
0xc8: {  	v6 =	vld [tilespmem:s30+$0xFFFFFF30];
	[tilespmem:s28+$0xB0] =	vst v0  }
0xc9: {  	v0 =	vadd.f32 v7, v5;
	v3 =	vmax.f32 v3, $0.0e+00;
	v5 =	vld [tilespmem:s11+$0xC0]  }
0xca: {  	[tilespmem:s28+$0x20] =	vst v3;
	v3 =	vld [tilespmem:s30+$0xC0]  }
0xcb: {  	v0 =	vmax.f32 v0, $0.0e+00;
	v7 =	vld [tilespmem:s11+$0x30];
	v1 =	vadd.f32 v1, v2  }
0xcc: {  	[tilespmem:s28+$0xFFFFFFB0] =	vst v0;
	v0 =	vld [tilespmem:s30+$0x30]  }
0xcd: {  	v2 =	vadd.f32 v6, v4;
	v4 =	vld [tilespmem:s11+$0xFFFFFFC0];
	v1 =	vmax.f32 v1, $0.0e+00  }
0xce: {  	v6 =	vld [tilespmem:s30+$0xFFFFFFC0];
	[tilespmem:s26+$0xFFFFFF70] =	vst v1  }
0xcf: {  	v1 =	vmax.f32 v2, $0.0e+00;
	v2 =	vadd.f32 v3, v5;
	v3 =	vld [tilespmem:s29+$0xFFFFFFF0]  }
0xd0: {  	[tilespmem:s28+$0xFFFFFF30] =	vst v1;
	v1 =	vld [tilespmem:s1+$0xFFFFFFF0]  }
0xd1: {  	v5 =	vld [tilespmem:s11+$0xFFFFFF40];
	v0 =	vadd.f32 v0, v7;
	v2 =	vmax.f32 v2, $0.0e+00  }
0xd2: {  	v7 =	vld [tilespmem:s30+$0xFFFFFF40];
	[tilespmem:s28+$0xC0] =	vst v2  }
0xd3: {  	v2 =	vadd.f32 v6, v4;
	v0 =	vmax.f32 v0, $0.0e+00;
	v4 =	vld [tilespmem:s11+$0xD0]  }
0xd4: {  	[tilespmem:s28+$0x30] =	vst v0;
	v0 =	vld [tilespmem:s30+$0xD0]  }
0xd5: {  	v2 =	vmax.f32 v2, $0.0e+00;
	v6 =	vld [tilespmem:s11+$0x40];
	v1 =	vadd.f32 v1, v3  }
0xd6: {  	[tilespmem:s28+$0xFFFFFFC0] =	vst v2;
	v3 =	vld [tilespmem:s30+$0x40]  }
0xd7: {  	v2 =	vadd.f32 v7, v5;
	v5 =	vld [tilespmem:s11+$0xFFFFFFD0];
	v1 =	vmax.f32 v1, $0.0e+00  }
0xd8: {  	v7 =	vld [tilespmem:s30+$0xFFFFFFD0];
	[tilespmem:s26+$0xFFFFFFF0] =	vst v1  }
0xd9: {  	v1 =	vmax.f32 v2, $0.0e+00;
	v0 =	vadd.f32 v0, v4;
	v8 =	vld [tilespmem:s29+$0x70];
	s29 =	smov.u32 s11  }
0xda: {  	[tilespmem:s28+$0xFFFFFF40] =	vst v1;
	v1 =	vld [tilespmem:s1+$0x70];
	s1 =	smov.u32 s30  }
0xdb: {  	v2 =	vld [tilespmem:s11+$0xFFFFFF50];
	v3 =	vadd.f32 v3, v6;
	v0 =	vmax.f32 v0, $0.0e+00  }
.Ltmp0:
0xdc: {  	v4 =	vld [tilespmem:s30+$0xFFFFFF50];
	[tilespmem:s28+$0xD0] =	vst v0;
	(pc) =	sbr.rel @p1 .LBB2_3-.Ltmp0, $4  }
0xdd: {  	v5 =	vadd.f32 v7, v5;
	v3 =	vmax.f32 v3, $0.0e+00;
	v0 =	vld [tilespmem:s11+$0xE0]  }
0xde: {  	[tilespmem:s28+$0x40] =	vst v3;
	v3 =	vld [tilespmem:s30+$0xE0]  }
0xdf: {  	v6 =	vmax.f32 v5, $0.0e+00;
	v5 =	vld [tilespmem:s11+$0x50];
	v1 =	vadd.f32 v1, v8  }
0xe0: {  	s11 =	sadd.s32 $0x200, s11;
	[tilespmem:s28+$0xFFFFFFD0] =	vst v6;
	v6 =	vld [tilespmem:s30+$0x50]  }
0xe1: {  	v2 =	vadd.f32 v4, v2;
	_ =	sdelay $0x1  }
0xe2: {  	v2 =	vmax.f32 v2, $0.0e+00  }
0xe3: {  	[tilespmem:s28+$0xFFFFFF50] =	vst v2  }
0xe4: {  	v2 =	vadd.f32 v6, v5;
	v4 =	vld [tilespmem:s29+$0xFFFFFF60]  }
0xe5: {  	v5 =	vld [tilespmem:s1+$0xFFFFFF60]  }
0xe6: {  	v6 =	vld [tilespmem:s29+$0xFFFFFFE0];
	v2 =	vmax.f32 v2, $0.0e+00  }
0xe7: {  	[tilespmem:s28+$0x50] =	vst v2;
	v2 =	vld [tilespmem:s1+$0xFFFFFFE0]  }
0xe8: {  	v0 =	vadd.f32 v3, v0;
	v3 =	vld [tilespmem:s29+$0x60]  }
0xe9: {  	v7 =	vld [tilespmem:s1+$0x60]  }
0xea: {  	v0 =	vmax.f32 v0, $0.0e+00;
	v4 =	vadd.f32 v5, v4  }
0xeb: {  	[tilespmem:s28+$0xE0] =	vst v0  }
0xec: {  	v0 =	vld [tilespmem:s29+$0xF0];
	v4 =	vmax.f32 v4, $0.0e+00;
	v2 =	vadd.f32 v2, v6  }
0xed: {  	v5 =	vld [tilespmem:s1+$0xF0];
	[tilespmem:s28+$0xFFFFFF60] =	vst v4  }
0xee: {  	v3 =	vadd.f32 v7, v3;
	v4 =	vld [tilespmem:s29+$0xFFFFFF70];
	v2 =	vmax.f32 v2, $0.0e+00  }
0xef: {  	[tilespmem:s28+$0xFFFFFFE0] =	vst v2;
	v2 =	vld [tilespmem:s1+$0xFFFFFF70]  }
0xf0: {  	v3 =	vmax.f32 v3, $0.0e+00;
	v6 =	vld [tilespmem:s29+$0xFFFFFFF0]  }
0xf1: {  	[tilespmem:s28+$0x60] =	vst v3;
	v3 =	vld [tilespmem:s1+$0xFFFFFFF0]  }
0xf2: {  	v7 =	vld [tilespmem:s29+$0x70]  }
0xf3: {  	v8 =	vld [tilespmem:s1+$0x70];
	_ =	sdelay $0x1  }
0xf4: {  	v0 =	vadd.f32 v5, v0  }
0xf5: {  	v1 =	vmax.f32 v1, $0.0e+00;
	v2 =	vadd.f32 v2, v4  }
0xf6: {  	[tilespmem:s26+$0x70] =	vst v1;
	v0 =	vmax.f32 v0, $0.0e+00;
	v1 =	vadd.f32 v3, v6  }
0xf7: {  	s0 =	sshll.u32 s24, $0xF;
	[tilespmem:s28+$0xF0] =	vst v0;
	v0 =	vmax.f32 v2, $0.0e+00;
	v2 =	vadd.f32 v8, v7  }
0xf8: {  	s0 =	sadd.s32 s8, s0;
	[tilespmem:s28+$0xFFFFFF70] =	vst v0;
	v0 =	vmax.f32 v1, $0.0e+00  }
0xf9: {  	s0 =	sshrl.u32 s0, $0x3;
	[tilespmem:s28+$0xFFFFFFF0] =	vst v0;
	v0 =	vmax.f32 v2, $0.0e+00  }
0xfa: {  	s31 =	sadd.s32 $0x2, s31;
	s0 =	sadd.s32 s5, s0;
	[tilespmem:s28+$0x70] =	vst v0  }
0xfb: {  	[hbm4b:s0+s3] =	stream.linear.scatter [tilespmem:s18], [sflag:$0x3], $0x4000, $0x38;
	[tilespmem:$0x1A800] =	vst v63  }
0xfc: {  	p1 =	seq.s32 s31, $0x28;
	s0 =	sshll.u32 s31, $0x7  }
0xfd: {  	s0 =	simm.s32 @p1 $0x0  }
0xfe: {  	[tilespmem:s13], [sflag:$0x1] =	stream.indirect.gather [hbm4b:s2+s12], $0x80, s0, s12, $0xb8;
	[tilespmem:$0x1A800] =	vst v63  }
0xff: {  	s0 =	sadd.s32 $0x1400, s0  }
0x100: {  	[tilespmem:s14], [sflag:$0x1] =	stream.indirect.gather [hbm4b:s4+s12], $0x80, s0, s12, $0xb8;
	[tilespmem:$0x1A800] =	vst v63  }
0x101: {  	_ =	swait.ge [sflag:s19], $0x4000  }
0x102: {  	[sflag:s19] =	ssyncset.done $0x0  }
0x103: {  	[sflag:s19] =	ssyncadd.s32 $0xFFFFC000  }
0x104: {  	_ =	swait.ge [sflag:s19], $0x4000  }
0x105: {  	[sflag:s19] =	ssyncset.done $0x0  }
0x106: {  	s0 =	simm.s32 @!p0 $0x4;
	[sflag:s19] =	ssyncadd.s32 $0xFFFFC000  }
0x107: {  	_ =	swait.ge @!p0 [sflag:s0], $0x4000  }
0x108: {  	[sflag:s0] =	ssyncset.done @!p0 $0x0  }
0x109: {  	s1 =	simm.s32 $0x6900;
	[sflag:s0] =	ssyncadd.s32 @!p0 $0xFFFFC000  }
0x10a: {  	s11 =	simm.s32 $0xE900;
	v0 =	vld [tilespmem:s1+$0x80]  }
0x10b: {  	v1 =	vld [tilespmem:s11+$0x80];
	_ =	sdelay $0x4  }
0x10c: {  	v2 =	vld [tilespmem:s1+$0xFFFFFF80];
	v0 =	vadd.f32 v1, v0  }
0x10d: {  	v1 =	vld [tilespmem:s11+$0xFFFFFF80]  }
0x10e: {  	s26 =	simm.s32 $0x16900;
	v3 =	vld [tilespmem:s11+$0xFFFFFF00];
	v0 =	vmax.f32 v0, $0.0e+00  }
0x10f: {  	v4 =	vld [tilespmem:s1+$0xFFFFFF00];
	[tilespmem:s26+$0x80] =	vst v0  }
0x110: {  	v0 =	vld [tilespmem:s1+$0x90]  }
0x111: {  	v5 =	vld [tilespmem:s11+$0x90]  }
0x112: {  	v6 =	vld [tilespmem:s1+$0x0];
	v1 =	vadd.f32 v1, v2  }
0x113: {  	v2 =	vld [tilespmem:s11+$0x0]  }
0x114: {  	v3 =	vadd.f32 v3, v4;
	v1 =	vmax.f32 v1, $0.0e+00  }
0x115: {  	[tilespmem:s26+$0xFFFFFF80] =	vst v1  }
0x116: {  	v3 =	vmax.f32 v3, $0.0e+00;
	v1 =	vld [tilespmem:s1+$0xFFFFFF90];
	v0 =	vadd.f32 v5, v0  }
0x117: {  	[tilespmem:s26+$0xFFFFFF00] =	vst v3;
	v4 =	vld [tilespmem:s11+$0xFFFFFF90]  }
0x118: {  	v3 =	vld [tilespmem:s1+$0xFFFFFF10];
	v2 =	vadd.f32 v2, v6;
	v0 =	vmax.f32 v0, $0.0e+00  }
0x119: {  	v5 =	vld [tilespmem:s11+$0xFFFFFF10];
	[tilespmem:s26+$0x90] =	vst v0  }
0x11a: {  	v0 =	vmax.f32 v2, $0.0e+00;
	v2 =	vld [tilespmem:s1+$0xA0]  }
0x11b: {  	[tilespmem:s26+$0x0] =	vst v0;
	v0 =	vld [tilespmem:s11+$0xA0]  }
0x11c: {  	v6 =	vld [tilespmem:s1+$0x10];
	v1 =	vadd.f32 v4, v1  }
0x11d: {  	v4 =	vld [tilespmem:s11+$0x10]  }
0x11e: {  	v1 =	vmax.f32 v1, $0.0e+00  }
0x11f: {  	v3 =	vadd.f32 v5, v3;
	[tilespmem:s26+$0xFFFFFF90] =	vst v1  }
0x120: {  	v1 =	vld [tilespmem:s1+$0xFFFFFFA0];
	v0 =	vadd.f32 v0, v2  }
0x121: {  	v3 =	vmax.f32 v3, $0.0e+00;
	v2 =	vld [tilespmem:s11+$0xFFFFFFA0]  }
0x122: {  	[tilespmem:s26+$0xFFFFFF10] =	vst v3;
	v3 =	vadd.f32 v4, v6;
	v0 =	vmax.f32 v0, $0.0e+00  }
0x123: {  	[tilespmem:s26+$0xA0] =	vst v0  }
0x124: {  	v0 =	vmax.f32 v3, $0.0e+00;
	v3 =	vld [tilespmem:s1+$0xB0]  }
0x125: {  	[tilespmem:s26+$0x10] =	vst v0;
	v0 =	vld [tilespmem:s11+$0xB0]  }
0x126: {  	v1 =	vadd.f32 v2, v1;
	v2 =	vld [tilespmem:s1+$0x20]  }
0x127: {  	v6 =	vld [tilespmem:s11+$0x20]  }
0x128: {  	v5 =	vld [tilespmem:s11+$0xFFFFFF20];
	v1 =	vmax.f32 v1, $0.0e+00  }
0x129: {  	v4 =	vld [tilespmem:s1+$0xFFFFFF20];
	[tilespmem:s26+$0xFFFFFFA0] =	vst v1  }
0x12a: {  	v1 =	vld [tilespmem:s1+$0xFFFFFFB0];
	v0 =	vadd.f32 v0, v3  }
0x12b: {  	v3 =	vld [tilespmem:s11+$0xFFFFFFB0]  }
0x12c: {  	v2 =	vadd.f32 v6, v2;
	v0 =	vmax.f32 v0, $0.0e+00  }
0x12d: {  	[tilespmem:s26+$0xB0] =	vst v0  }
0x12e: {  	v4 =	vadd.f32 v5, v4;
	v0 =	vmax.f32 v2, $0.0e+00;
	v2 =	vld [tilespmem:s1+$0xC0]  }
0x12f: {  	[tilespmem:s26+$0x20] =	vst v0;
	v0 =	vld [tilespmem:s11+$0xC0]  }
0x130: {  	v4 =	vmax.f32 v4, $0.0e+00;
	v1 =	vadd.f32 v3, v1;
	v3 =	vld [tilespmem:s1+$0x30]  }
0x131: {  	[tilespmem:s26+$0xFFFFFF20] =	vst v4;
	v6 =	vld [tilespmem:s11+$0x30]  }
0x132: {  	v4 =	vld [tilespmem:s1+$0xFFFFFF30];
	v1 =	vmax.f32 v1, $0.0e+00  }
0x133: {  	v5 =	vld [tilespmem:s11+$0xFFFFFF30];
	[tilespmem:s26+$0xFFFFFFB0] =	vst v1  }
0x134: {  	v1 =	vld [tilespmem:s1+$0xFFFFFFC0];
	v0 =	vadd.f32 v0, v2  }
0x135: {  	v2 =	vld [tilespmem:s11+$0xFFFFFFC0]  }
0x136: {  	s30 =	simm.s32 $0xEB00;
	v3 =	vadd.f32 v6, v3;
	v0 =	vmax.f32 v0, $0.0e+00  }
0x137: {  	v10 =	vld [tilespmem:s30+$0xFFFFFF00];
	[tilespmem:s26+$0xC0] =	vst v0  }
0x138: {  	v0 =	vmax.f32 v3, $0.0e+00;
	v3 =	vld [tilespmem:s1+$0xD0]  }
0x139: {  	v4 =	vadd.f32 v5, v4;
	[tilespmem:s26+$0x30] =	vst v0;
	v0 =	vld [tilespmem:s11+$0xD0]  }
0x13a: {  	v1 =	vadd.f32 v2, v1;
	v2 =	vld [tilespmem:s1+$0x40]  }
0x13b: {  	s29 =	simm.s32 $0x6B00;
	v4 =	vmax.f32 v4, $0.0e+00;
	v6 =	vld [tilespmem:s11+$0x40]  }
0x13c: {  	v53 =	vld [tilespmem:s29+$0xFFFFFF00];
	[tilespmem:s26+$0xFFFFFF30] =	vst v4  }
0x13d: {  	v4 =	vld [tilespmem:s1+$0xFFFFFF40]  }
0x13e: {  	v5 =	vld [tilespmem:s11+$0xFFFFFF40];
	v0 =	vadd.f32 v0, v3  }
0x13f: {  	v8 =	vld [tilespmem:s29+$0x80]  }
0x140: {  	v9 =	vld [tilespmem:s30+$0x80];
	v2 =	vadd.f32 v6, v2;
	v0 =	vmax.f32 v0, $0.0e+00  }
0x141: {  	v11 =	vld [tilespmem:s30+$0xFFFFFF80];
	v10 =	vadd.f32 v10, v53;
	[tilespmem:s26+$0xD0] =	vst v0  }
0x142: {  	v0 =	vmax.f32 v2, $0.0e+00;
	v2 =	vld [tilespmem:s1+$0xE0]  }
0x143: {  	s28 =	simm.s32 $0x16B00;
	v10 =	vmax.f32 v10, $0.0e+00;
	v4 =	vadd.f32 v5, v4;
	[tilespmem:s26+$0x40] =	vst v0;
	v0 =	vld [tilespmem:s11+$0xE0]  }
0x144: {  	v12 =	vld [tilespmem:s29+$0x0];
	[tilespmem:s28+$0xFFFFFF00] =	vst v10;
	v1 =	vmax.f32 v1, $0.0e+00  }
0x145: {  	v10 =	vld [tilespmem:s29+$0xFFFFFF10];
	[tilespmem:s26+$0xFFFFFFC0] =	vst v1;
	v4 =	vmax.f32 v4, $0.0e+00  }
0x146: {  	v1 =	vld [tilespmem:s1+$0xFFFFFFD0];
	[tilespmem:s26+$0xFFFFFF40] =	vst v4  }
0x147: {  	v4 =	vld [tilespmem:s1+$0xFFFFFF50]  }
0x148: {  	v5 =	vld [tilespmem:s11+$0xFFFFFF50];
	v0 =	vadd.f32 v0, v2  }
0x149: {  	v2 =	vld [tilespmem:s29+$0xFFFFFF80]  }
0x14a: {  	v3 =	vld [tilespmem:s11+$0xFFFFFFD0];
	v0 =	vmax.f32 v0, $0.0e+00  }
0x14b: {  	v6 =	vld [tilespmem:s1+$0x50];
	[tilespmem:s26+$0xE0] =	vst v0;
	v0 =	vadd.f32 v9, v8  }
0x14c: {  	v7 =	vld [tilespmem:s11+$0x50]  }
0x14d: {  	v4 =	vadd.f32 v5, v4;
	v5 =	vld [tilespmem:s30+$0x0];
	v0 =	vmax.f32 v0, $0.0e+00  }
0x14e: {  	v55 =	vld [tilespmem:s30+$0xFFFFFF10];
	v2 =	vadd.f32 v11, v2;
	[tilespmem:s28+$0x80] =	vst v0  }
0x14f: {  	v0 =	vmax.f32 v4, $0.0e+00;
	v4 =	vld [tilespmem:s29+$0x90]  }
0x150: {  	v1 =	vadd.f32 v3, v1;
	[tilespmem:s26+$0xFFFFFF50] =	vst v0;
	v0 =	vmax.f32 v2, $0.0e+00;
	v2 =	vld [tilespmem:s30+$0x90]  }
0x151: {  	v6 =	vadd.f32 v7, v6;
	v8 =	vld [tilespmem:s1+$0xF0]  }
0x152: {  	v1 =	vmax.f32 v1, $0.0e+00;
	v5 =	vadd.f32 v5, v12;
	v52 =	vld [tilespmem:s11+$0xF0];
	[tilespmem:s28+$0xFFFFFF80] =	vst v0  }
0x153: {  	[tilespmem:s26+$0xFFFFFFD0] =	vst v1;
	v6 =	vmax.f32 v6, $0.0e+00;
	v3 =	vld [tilespmem:s29+$0xFFFFFF90]  }
0x154: {  	v1 =	vmax.f32 v5, $0.0e+00;
	[tilespmem:s26+$0x50] =	vst v6;
	v54 =	vld [tilespmem:s30+$0xFFFFFF90]  }
0x155: {  	v6 =	vld [tilespmem:s11+$0xFFFFFFE0];
	[tilespmem:s28+$0x0] =	vst v1;
	v1 =	vadd.f32 v2, v4  }
0x156: {  	v58 =	vld [tilespmem:s1+$0x60]  }
0x157: {  	v59 =	vld [tilespmem:s11+$0x60];
	v1 =	vmax.f32 v1, $0.0e+00  }
0x158: {  	v0 =	vld [tilespmem:s1+$0xFFFFFF60];
	[tilespmem:s28+$0x90] =	vst v1  }
0x159: {  	v3 =	vadd.f32 v54, v3;
	v1 =	vld [tilespmem:s29+$0xA0]  }
0x15a: {  	v56 =	vld [tilespmem:s30+$0xA0]  }
0x15b: {  	v4 =	vld [tilespmem:s29+$0x10];
	v3 =	vmax.f32 v3, $0.0e+00  }
0x15c: {  	[tilespmem:s28+$0xFFFFFF90] =	vst v3;
	v3 =	vld [tilespmem:s30+$0x10]  }
0x15d: {  	v10 =	vadd.f32 v55, v10;
	v7 =	vld [tilespmem:s29+$0xFFFFFFA0]  }
0x15e: {  	v57 =	vld [tilespmem:s30+$0xFFFFFFA0]  }
0x15f: {  	v10 =	vmax.f32 v10, $0.0e+00;
	v5 =	vld [tilespmem:s11+$0xFFFFFF60];
	v1 =	vadd.f32 v56, v1  }
0x160: {  	[tilespmem:s28+$0xFFFFFF10] =	vst v10;
	v2 =	vld [tilespmem:s1+$0xFFFFFFE0]  }
0x161: {  	v3 =	vadd.f32 v3, v4;
	v4 =	vld [tilespmem:s29+$0xFFFFFF20];
	v1 =	vmax.f32 v1, $0.0e+00  }
0x162: {  	[tilespmem:s28+$0xA0] =	vst v1;
	v1 =	vld [tilespmem:s30+$0xFFFFFF20]  }
0x163: {  	v7 =	vadd.f32 v57, v7;
	v3 =	vmax.f32 v3, $0.0e+00;
	v60 =	vld [tilespmem:s29+$0xB0]  }
0x164: {  	v0 =	vadd.f32 v5, v0;
	[tilespmem:s28+$0x10] =	vst v3;
	v3 =	vld [tilespmem:s30+$0xB0]  }
0x165: {  	v5 =	vmax.f32 v7, $0.0e+00;
	v7 =	vld [tilespmem:s29+$0x20]  }
0x166: {  	v0 =	vmax.f32 v0, $0.0e+00;
	[tilespmem:s28+$0xFFFFFFA0] =	vst v5;
	v5 =	vld [tilespmem:s30+$0x20]  }
0x167: {  	[tilespmem:s26+$0xFFFFFF60] =	vst v0;
	v0 =	vld [tilespmem:s30+$0xFFFFFFB0];
	v1 =	vadd.f32 v1, v4  }
0x168: {  	v4 =	vld [tilespmem:s29+$0xFFFFFFB0]  }
0x169: {  	v61 =	vld [tilespmem:s1+$0xFFFFFF70];
	v3 =	vadd.f32 v3, v60;
	v1 =	vmax.f32 v1, $0.0e+00  }
0x16a: {  	[tilespmem:s28+$0xFFFFFF20] =	vst v1;
	v1 =	vld [tilespmem:s11+$0xFFFFFF70]  }
0x16b: {  	v5 =	vadd.f32 v5, v7;
	v3 =	vmax.f32 v3, $0.0e+00;
	v7 =	vld [tilespmem:s29+$0xFFFFFF30]  }
0x16c: {  	[tilespmem:s28+$0xB0] =	vst v3;
	v3 =	vld [tilespmem:s30+$0xFFFFFF30]  }
0x16d: {  	v0 =	vadd.f32 v0, v4;
	v4 =	vmax.f32 v5, $0.0e+00;
	v5 =	vld [tilespmem:s29+$0xC0]  }
0x16e: {  	[tilespmem:s28+$0x20] =	vst v4;
	v4 =	vld [tilespmem:s30+$0xC0]  }
0x16f: {  	v2 =	vadd.f32 v6, v2;
	v0 =	vmax.f32 v0, $0.0e+00;
	v6 =	vld [tilespmem:s29+$0x30]  }
0x170: {  	[tilespmem:s28+$0xFFFFFFB0] =	vst v0;
	v0 =	vld [tilespmem:s30+$0x30]  }
0x171: {  	v2 =	vmax.f32 v2, $0.0e+00;
	v3 =	vadd.f32 v3, v7;
	v7 =	vld [tilespmem:s29+$0xFFFFFFC0]  }
0x172: {  	[tilespmem:s26+$0xFFFFFFE0] =	vst v2;
	v2 =	vld [tilespmem:s30+$0xFFFFFFC0]  }
0x173: {  	v3 =	vmax.f32 v3, $0.0e+00;
	v4 =	vadd.f32 v4, v5;
	v5 =	vld [tilespmem:s1+$0xFFFFFFF0]  }
0x174: {  	[tilespmem:s28+$0xFFFFFF30] =	vst v3;
	v3 =	vld [tilespmem:s11+$0xFFFFFFF0]  }
0x175: {  	v0 =	vadd.f32 v0, v6;
	v6 =	vld [tilespmem:s29+$0xFFFFFF40];
	v4 =	vmax.f32 v4, $0.0e+00  }
0x176: {  	[tilespmem:s28+$0xC0] =	vst v4;
	v4 =	vld [tilespmem:s30+$0xFFFFFF40]  }
0x177: {  	v2 =	vadd.f32 v2, v7;
	v0 =	vmax.f32 v0, $0.0e+00;
	v7 =	vld [tilespmem:s29+$0xD0]  }
0x178: {  	[tilespmem:s28+$0x30] =	vst v0;
	v0 =	vld [tilespmem:s30+$0xD0]  }
0x179: {  	v10 =	vadd.f32 v59, v58;
	v2 =	vmax.f32 v2, $0.0e+00;
	v62 =	vld [tilespmem:s29+$0x40]  }
0x17a: {  	[tilespmem:s28+$0xFFFFFFC0] =	vst v2;
	v2 =	vld [tilespmem:s30+$0x40]  }
0x17b: {  	v10 =	vmax.f32 v10, $0.0e+00;
	v63 =	vld [tilespmem:s30+$0xFFFFFFD0];
	v4 =	vadd.f32 v4, v6  }
0x17c: {  	v8 =	vadd.f32 v52, v8;
	[tilespmem:s26+$0x60] =	vst v10;
	v6 =	vld [tilespmem:s29+$0xFFFFFFD0]  }
0x17d: {  	v10 =	vld [tilespmem:s11+$0x70];
	v4 =	vmax.f32 v4, $0.0e+00;
	v0 =	vadd.f32 v0, v7  }
0x17e: {  	v8 =	vmax.f32 v8, $0.0e+00;
	v1 =	vadd.f32 v1, v61;
	v7 =	vld [tilespmem:s1+$0x70];
	[tilespmem:s28+$0xFFFFFF40] =	vst v4  }
0x17f: {  	[tilespmem:s26+$0xF0] =	vst v8;
	v8 =	vadd.f32 v2, v62;
	v2 =	vld [tilespmem:s29+$0xFFFFFF50];
	v0 =	vmax.f32 v0, $0.0e+00  }
0x180: {  	v1 =	vmax.f32 v1, $0.0e+00;
	v3 =	vadd.f32 v3, v5;
	v4 =	vld [tilespmem:s30+$0xFFFFFF50];
	[tilespmem:s28+$0xD0] =	vst v0  }
0x181: {  	[tilespmem:s26+$0xFFFFFF70] =	vst v1;
	v0 =	vadd.f32 v63, v6;
	v5 =	vmax.f32 v8, $0.0e+00;
	v1 =	vld [tilespmem:s29+$0xE0]  }
0x182: {  	v6 =	vmax.f32 v3, $0.0e+00;
	[tilespmem:s28+$0x40] =	vst v5;
	v3 =	vld [tilespmem:s30+$0xE0]  }
0x183: {  	[tilespmem:s26+$0xFFFFFFF0] =	vst v6;
	v6 =	vmax.f32 v0, $0.0e+00;
	v5 =	vld [tilespmem:s29+$0x50];
	v0 =	vadd.f32 v10, v7  }
0x184: {  	s0 =	simm.s32 $0x4;
	s11 =	simm.s32 $0x6D00;
	s1 =	simm.s32 $0xEB00;
	[tilespmem:s28+$0xFFFFFFD0] =	vst v6;
	v6 =	vld [tilespmem:s30+$0x50]  }
.LBB2_5:
0x185: {  	v7 =	vld [tilespmem:s11+$0x80];
	v2 =	vadd.f32 v4, v2;
	s30 =	sadd.s32 $0x200, s30;
	v0 =	vmax.f32 v0, $0.0e+00  }
0x186: {  	v4 =	vld [tilespmem:s30+$0x80];
	[tilespmem:s26+$0x70] =	vst v0;
	s26 =	smov.u32 s28  }
0x187: {  	v0 =	vld [tilespmem:s30+$0xFFFFFF00];
	v2 =	vmax.f32 v2, $0.0e+00;
	v1 =	vadd.f32 v3, v1  }
0x188: {  	v3 =	vld [tilespmem:s11+$0xFFFFFF80];
	[tilespmem:s28+$0xFFFFFF50] =	vst v2  }
0x189: {  	v2 =	vld [tilespmem:s30+$0xFFFFFF80];
	v5 =	vadd.f32 v6, v5;
	v1 =	vmax.f32 v1, $0.0e+00  }
0x18a: {  	v6 =	vld [tilespmem:s11+$0x0];
	[tilespmem:s28+$0xE0] =	vst v1  }
0x18b: {  	v1 =	vadd.f32 v4, v7;
	v4 =	vmax.f32 v5, $0.0e+00;
	v5 =	vld [tilespmem:s29+$0xF0]  }
0x18c: {  	[tilespmem:s28+$0x50] =	vst v4;
	v4 =	vld [tilespmem:s1+$0xF0]  }
0x18d: {  	s0 =	sadd.s32 $0x4, s0;
	s28 =	sadd.s32 $0x200, s28;
	v7 =	vld [tilespmem:s30+$0x0];
	v1 =	vmax.f32 v1, $0.0e+00  }
0x18e: {  	p0 =	slt.u32 s0, $0x7C;
	v8 =	vld [tilespmem:s11+$0xFFFFFF00];
	v2 =	vadd.f32 v2, v3;
	[tilespmem:s28+$0x80] =	vst v1  }
0x18f: {  	v1 =	vld [tilespmem:s11+$0x90]  }
0x190: {  	v2 =	vmax.f32 v2, $0.0e+00;
	v3 =	vld [tilespmem:s30+$0x90]  }
0x191: {  	[tilespmem:s28+$0xFFFFFF80] =	vst v2;
	v2 =	vld [tilespmem:s29+$0xFFFFFF60];
	v4 =	vadd.f32 v4, v5  }
0x192: {  	v5 =	vld [tilespmem:s11+$0xFFFFFF90];
	v6 =	vadd.f32 v7, v6  }
0x193: {  	v0 =	vadd.f32 v0, v8;
	v7 =	vld [tilespmem:s30+$0xFFFFFF90];
	v4 =	vmax.f32 v4, $0.0e+00  }
0x194: {  	v6 =	vmax.f32 v6, $0.0e+00;
	v8 =	vld [tilespmem:s1+$0xFFFFFF60];
	[tilespmem:s26+$0xF0] =	vst v4  }
0x195: {  	v0 =	vmax.f32 v0, $0.0e+00;
	[tilespmem:s28+$0x0] =	vst v6;
	v1 =	vadd.f32 v3, v1;
	v3 =	vld [tilespmem:s29+$0xFFFFFFE0]  }
0x196: {  	[tilespmem:s28+$0xFFFFFF00] =	vst v0;
	v0 =	vld [tilespmem:s11+$0x10]  }
0x197: {  	v4 =	vld [tilespmem:s11+$0xFFFFFF10];
	v1 =	vmax.f32 v1, $0.0e+00  }
0x198: {  	v6 =	vld [tilespmem:s30+$0xFFFFFF10];
	v5 =	vadd.f32 v7, v5;
	[tilespmem:s28+$0x90] =	vst v1  }
0x199: {  	v1 =	vld [tilespmem:s11+$0xA0];
	v2 =	vadd.f32 v8, v2  }
0x19a: {  	v5 =	vmax.f32 v5, $0.0e+00;
	v7 =	vld [tilespmem:s30+$0xA0]  }
0x19b: {  	[tilespmem:s28+$0xFFFFFF90] =	vst v5;
	v5 =	vld [tilespmem:s30+$0x10];
	v2 =	vmax.f32 v2, $0.0e+00  }
0x19c: {  	v8 =	vld [tilespmem:s11+$0xFFFFFFA0];
	[tilespmem:s26+$0xFFFFFF60] =	vst v2  }
0x19d: {  	v2 =	vadd.f32 v6, v4;
	v4 =	vld [tilespmem:s30+$0xFFFFFFA0]  }
0x19e: {  	v6 =	vld [tilespmem:s1+$0xFFFFFFE0]  }
0x19f: {  	v2 =	vmax.f32 v2, $0.0e+00;
	v1 =	vadd.f32 v7, v1;
	v7 =	vld [tilespmem:s29+$0x60]  }
0x1a0: {  	[tilespmem:s28+$0xFFFFFF10] =	vst v2;
	v0 =	vadd.f32 v5, v0;
	v2 =	vld [tilespmem:s1+$0x60]  }
0x1a1: {  	v5 =	vld [tilespmem:s11+$0xFFFFFF20];
	v1 =	vmax.f32 v1, $0.0e+00  }
0x1a2: {  	v9 =	vld [tilespmem:s30+$0xFFFFFF20];
	v4 =	vadd.f32 v4, v8;
	v0 =	vmax.f32 v0, $0.0e+00;
	[tilespmem:s28+$0xA0] =	vst v1  }
0x1a3: {  	[tilespmem:s28+$0x10] =	vst v0;
	v0 =	vld [tilespmem:s11+$0xB0];
	v1 =	vadd.f32 v6, v3  }
0x1a4: {  	v3 =	vmax.f32 v4, $0.0e+00;
	v4 =	vld [tilespmem:s30+$0xB0]  }
0x1a5: {  	[tilespmem:s28+$0xFFFFFFA0] =	vst v3;
	v3 =	vld [tilespmem:s11+$0x20];
	v1 =	vmax.f32 v1, $0.0e+00;
	v2 =	vadd.f32 v2, v7  }
0x1a6: {  	v6 =	vld [tilespmem:s30+$0x20];
	[tilespmem:s26+$0xFFFFFFE0] =	vst v1  }
0x1a7: {  	v1 =	vadd.f32 v9, v5;
	v5 =	vld [tilespmem:s11+$0xFFFFFFB0];
	v2 =	vmax.f32 v2, $0.0e+00  }
0x1a8: {  	v7 =	vld [tilespmem:s30+$0xFFFFFFB0];
	[tilespmem:s26+$0x60] =	vst v2  }
0x1a9: {  	v1 =	vmax.f32 v1, $0.0e+00;
	v0 =	vadd.f32 v4, v0;
	v2 =	vld [tilespmem:s29+$0xFFFFFF70]  }
0x1aa: {  	[tilespmem:s28+$0xFFFFFF20] =	vst v1;
	v1 =	vld [tilespmem:s1+$0xFFFFFF70]  }
0x1ab: {  	v4 =	vld [tilespmem:s11+$0xFFFFFF30];
	v3 =	vadd.f32 v6, v3;
	v0 =	vmax.f32 v0, $0.0e+00  }
0x1ac: {  	v6 =	vld [tilespmem:s30+$0xFFFFFF30];
	[tilespmem:s28+$0xB0] =	vst v0  }
0x1ad: {  	v0 =	vadd.f32 v7, v5;
	v3 =	vmax.f32 v3, $0.0e+00;
	v5 =	vld [tilespmem:s11+$0xC0]  }
0x1ae: {  	[tilespmem:s28+$0x20] =	vst v3;
	v3 =	vld [tilespmem:s30+$0xC0]  }
0x1af: {  	v0 =	vmax.f32 v0, $0.0e+00;
	v7 =	vld [tilespmem:s11+$0x30];
	v1 =	vadd.f32 v1, v2  }
0x1b0: {  	[tilespmem:s28+$0xFFFFFFB0] =	vst v0;
	v0 =	vld [tilespmem:s30+$0x30]  }
0x1b1: {  	v2 =	vadd.f32 v6, v4;
	v4 =	vld [tilespmem:s11+$0xFFFFFFC0];
	v1 =	vmax.f32 v1, $0.0e+00  }
0x1b2: {  	v6 =	vld [tilespmem:s30+$0xFFFFFFC0];
	[tilespmem:s26+$0xFFFFFF70] =	vst v1  }
0x1b3: {  	v1 =	vmax.f32 v2, $0.0e+00;
	v2 =	vadd.f32 v3, v5;
	v3 =	vld [tilespmem:s29+$0xFFFFFFF0]  }
0x1b4: {  	[tilespmem:s28+$0xFFFFFF30] =	vst v1;
	v1 =	vld [tilespmem:s1+$0xFFFFFFF0]  }
0x1b5: {  	v5 =	vld [tilespmem:s11+$0xFFFFFF40];
	v0 =	vadd.f32 v0, v7;
	v2 =	vmax.f32 v2, $0.0e+00  }
0x1b6: {  	v7 =	vld [tilespmem:s30+$0xFFFFFF40];
	[tilespmem:s28+$0xC0] =	vst v2  }
0x1b7: {  	v2 =	vadd.f32 v6, v4;
	v0 =	vmax.f32 v0, $0.0e+00;
	v4 =	vld [tilespmem:s11+$0xD0]  }
0x1b8: {  	[tilespmem:s28+$0x30] =	vst v0;
	v0 =	vld [tilespmem:s30+$0xD0]  }
0x1b9: {  	v2 =	vmax.f32 v2, $0.0e+00;
	v6 =	vld [tilespmem:s11+$0x40];
	v1 =	vadd.f32 v1, v3  }
0x1ba: {  	[tilespmem:s28+$0xFFFFFFC0] =	vst v2;
	v3 =	vld [tilespmem:s30+$0x40]  }
0x1bb: {  	v2 =	vadd.f32 v7, v5;
	v5 =	vld [tilespmem:s11+$0xFFFFFFD0];
	v1 =	vmax.f32 v1, $0.0e+00  }
0x1bc: {  	v7 =	vld [tilespmem:s30+$0xFFFFFFD0];
	[tilespmem:s26+$0xFFFFFFF0] =	vst v1  }
0x1bd: {  	v1 =	vmax.f32 v2, $0.0e+00;
	v0 =	vadd.f32 v0, v4;
	v8 =	vld [tilespmem:s29+$0x70];
	s29 =	smov.u32 s11  }
0x1be: {  	[tilespmem:s28+$0xFFFFFF40] =	vst v1;
	v9 =	vld [tilespmem:s1+$0x70];
	s1 =	smov.u32 s30  }
0x1bf: {  	v2 =	vld [tilespmem:s11+$0xFFFFFF50];
	v1 =	vadd.f32 v3, v6;
	v0 =	vmax.f32 v0, $0.0e+00  }
.Ltmp1:
0x1c0: {  	v4 =	vld [tilespmem:s30+$0xFFFFFF50];
	[tilespmem:s28+$0xD0] =	vst v0;
	(pc) =	sbr.rel @p0 .LBB2_5-.Ltmp1, $4  }
0x1c1: {  	v0 =	vadd.f32 v7, v5;
	v3 =	vmax.f32 v1, $0.0e+00;
	v1 =	vld [tilespmem:s11+$0xE0]  }
0x1c2: {  	[tilespmem:s28+$0x40] =	vst v3;
	v3 =	vld [tilespmem:s30+$0xE0]  }
0x1c3: {  	v6 =	vmax.f32 v0, $0.0e+00;
	v5 =	vld [tilespmem:s11+$0x50];
	v0 =	vadd.f32 v9, v8  }
0x1c4: {  	s11 =	sadd.s32 $0x200, s11;
	[tilespmem:s28+$0xFFFFFFD0] =	vst v6;
	v6 =	vld [tilespmem:s30+$0x50]  }
0x1c5: {  	_ =	sdelay $0x1  }
0x1c6: {  	v2 =	vadd.f32 v4, v2;
	_ =	sdelay $0x1  }
0x1c7: {  	v50 =	vld [tilespmem:s29+$0xFFFFFFE0];
	v2 =	vmax.f32 v2, $0.0e+00;
	v47 =	vadd.f32 v6, v5  }
0x1c8: {  	v51 =	vld [tilespmem:s1+$0xFFFFFFE0];
	[tilespmem:s28+$0xFFFFFF50] =	vst v2  }
0x1c9: {  	v48 =	vld [tilespmem:s29+$0xFFFFFF60];
	v2 =	vmax.f32 v47, $0.0e+00  }
0x1ca: {  	v49 =	vld [tilespmem:s1+$0xFFFFFF60];
	[tilespmem:s28+$0x50] =	vst v2  }
0x1cb: {  	v1 =	vadd.f32 v3, v1;
	v52 =	vld [tilespmem:s29+$0x60]  }
0x1cc: {  	v7 =	vld [tilespmem:s1+$0x60]  }
0x1cd: {  	v1 =	vmax.f32 v1, $0.0e+00;
	v2 =	vadd.f32 v51, v50  }
0x1ce: {  	[tilespmem:s28+$0xE0] =	vst v1  }
0x1cf: {  	v1 =	vld [tilespmem:s29+$0xF0];
	v4 =	vadd.f32 v49, v48;
	v2 =	vmax.f32 v2, $0.0e+00  }
0x1d0: {  	v53 =	vld [tilespmem:s1+$0xF0];
	[tilespmem:s28+$0xFFFFFFE0] =	vst v2  }
0x1d1: {  	v4 =	vmax.f32 v4, $0.0e+00;
	v55 =	vld [tilespmem:s29+$0xFFFFFFF0];
	v3 =	vadd.f32 v7, v52  }
0x1d2: {  	v56 =	vld [tilespmem:s1+$0xFFFFFFF0];
	[tilespmem:s28+$0xFFFFFF60] =	vst v4  }
0x1d3: {  	v4 =	vld [tilespmem:s29+$0xFFFFFF70];
	v3 =	vmax.f32 v3, $0.0e+00  }
0x1d4: {  	v54 =	vld [tilespmem:s1+$0xFFFFFF70];
	[tilespmem:s28+$0x60] =	vst v3  }
0x1d5: {  	v57 =	vld [tilespmem:s29+$0x70]  }
0x1d6: {  	v8 =	vld [tilespmem:s1+$0x70];
	_ =	sdelay $0x1  }
0x1d7: {  	v1 =	vadd.f32 v53, v1  }
0x1d8: {  	v0 =	vmax.f32 v0, $0.0e+00;
	s24 =	sadd.s32 $0x1, s24;
	v59 =	vadd.f32 v56, v55  }
0x1d9: {  	[tilespmem:s26+$0x70] =	vst v0;
	p0 =	sne.s32 s24, $0x14;
	v58 =	vmax.f32 v1, $0.0e+00;
	v2 =	vadd.f32 v54, v4  }
.Ltmp2:
0x1da: {  	s0 =	sshll.u32 s25, $0xE;
	[tilespmem:s28+$0xF0] =	vst v58;
	v62 =	vmax.f32 v59, $0.0e+00;
	v61 =	vadd.f32 v8, v57;
	(pc) =	sbr.rel @p0 .LBB2_2-.Ltmp2, $4  }
0x1db: {  	s0 =	sadd.s32 s8, s0;
	[tilespmem:s28+$0xFFFFFFF0] =	vst v62;
	v60 =	vmax.f32 v2, $0.0e+00  }
0x1dc: {  	s0 =	sshrl.u32 s0, $0x3;
	[tilespmem:s28+$0xFFFFFF70] =	vst v60;
	v63 =	vmax.f32 v61, $0.0e+00  }
0x1dd: {  	s0 =	sadd.s32 s5, s0;
	[tilespmem:s28+$0x70] =	vst v63  }
0x1de: {  	[hbm4b:s0+s3] =	stream.linear.scatter [tilespmem:s20], [sflag:$0x4], $0x4000, $0x38;
	[tilespmem:$0x1A800] =	vst v63  }
0x1df: {  	_ =	swait.ge [sflag:s17], $0x4000  }
0x1e0: {  	[sflag:s17] =	ssyncset.done $0x0  }
0x1e1: {  	[sflag:s17] =	ssyncadd.s32 $0xFFFFC000  }
0x1e2: {  	_ =	swait.ge [sflag:s17], $0x4000  }
0x1e3: {  	[sflag:s17] =	ssyncset.done $0x0  }
0x1e4: {  	s23 =	sadd.s32 $0x1, s23;
	[sflag:s17] =	ssyncadd.s32 $0xFFFFC000  }
0x1e5: {  	p0 =	sne.s32 s23, s9;
	_ =	swait.ge [sflag:s21], $0x4000  }
.Ltmp3:
0x1e6: {  	[sflag:s21] =	ssyncset.done $0x0;
	(pc) =	sbr.rel @p0 .LBB2_1-.Ltmp3, $4  }
0x1e7: {  	[sflag:s21] =	ssyncadd.s32 $0xFFFFC000  }
0x1e8: {  	_ =	swait.ge [sflag:s22], $0x4000  }
0x1e9: {  	[sflag:s22] =	ssyncset.done $0x0  }
0x1ea: {  	[sflag:s22] =	ssyncadd.s32 $0xFFFFC000  }
0x1eb: {  	_ =	sfence.sel $0x180000  }
0x1ec: {  	[bflag:$0x0] =	sbarrier.arrive $0xFFFF  }
0x1ed: {  	_ =	strace $0x9000004A  }
0x1ee: {  	s0 =	stileid.u32;
	[bflag:$0x2] =	sbarrier.arrive $0xFFFF  }
0x1ef: {  	p0 =	sne.s32 s0, $0x0;
	s0 =	rddreg [dreg:$0x2]  }
0x1f0: {  	s0 =	sadd.s32 @!p0 $0x100000, s0  }
0x1f1: {  	[sflag:s0] =	ssyncadd.tile.s32 @!p0 $0x1;
	_ =	shalt  }
.Lfunc_end2:
_tile_overlayer_lowered:
.L_overlay_start_2:
0x1f2: {  	(tag) =	ssettag $0x2  }
0x1f3: {  	s0 =	rddreg [dreg:$0x0];
	s2 =	stileid.u32  }
0x1f4: {  	s1 =	rddreg [dreg:$0x1];
	p0 =	sne.s32 s2, $0x0  }
0x1f5: {  	s3 =	rddreg [dreg:$0x2];
	[bflag:$0x3] =	sbarrier.arrive $0xFFFF;
	s2 =	simm.s32 @!p0 $0x1C05  }
0x1f6: {  	[timem:s3], [sflag:s2] =	dma.local @!p0 [hbm:s0], s1  }
0x1f7: {  	s0 =	simm.s32 @!p0 $0x5  }
0x1f8: {  	_ =	swait.ge @!p0 [sflag:s0], s1  }
0x1f9: {  	s1 =	ssub.s32 @!p0 $0x0, s1;
	[sflag:s0] =	ssyncset.done @!p0 $0x0  }
0x1fa: {  	[sflag:s0] =	ssyncadd.s32 @!p0 s1  }
0x1fb: {  	[bflag:$0x3] =	sbarrier.arrive $0xFFFF  }
0x1fc: {  	_ =	shalt  }

</sc_bundles>
